<compile_context>
chip_gen: v7x
topology: tpu7x:2x2x1
jax: 0.10.2.dev20260603
libtpu: 0.0.44.dev20260713+nightly
codegen_flags: <defaults>
</compile_context>

<pallas_src>
import functools

import jax
import jax.numpy as jnp
from jax import lax
from jax.experimental import pallas as pl
from jax.experimental.pallas import tpu as pltpu
from jax.experimental.pallas import tpu_sc as plsc

N = 10000
E = 320000
D = 128
HD = D // 2
NH = 2
NC = 2
NS = 16
NW = NC * NS
EPW = E // NW
CH = 125
STEPS = EPW // CH
NP = N
RPT = NP // NS
ZR = 125
CW = 16

_f32 = jnp.float32


def _mm_body(x_ref, w_ref, o_ref):
    o_ref[...] = jnp.dot(x_ref[...], w_ref[...], preferred_element_type=_f32)


def _edge_transform(x, W_edge):
    bm = 2000
    return pl.pallas_call(
        _mm_body,
        grid=(N // bm,),
        in_specs=[
            pl.BlockSpec((bm, D), lambda i: (i, 0)),
            pl.BlockSpec((D, D), lambda i: (0, 0)),
        ],
        out_specs=pl.BlockSpec((bm, D), lambda i: (i, 0)),
        out_shape=jax.ShapeDtypeStruct((N, D), _f32),
    )(x, W_edge)


_sc_mesh = plsc.VectorSubcoreMesh(core_axis_name="c", subcore_axis_name="s")


@functools.partial(
    pl.kernel,
    mesh=_sc_mesh,
    compiler_params=pltpu.CompilerParams(use_tc_tiling_on_sc=False),
    out_type=(
        pltpu.HBM((NC, NP, D), _f32),
        pltpu.HBM((NC, NP, CW), _f32),
    ),
    scratch_types=(
        [pltpu.VMEM((STEPS, CH), jnp.int32)] * 2
        + [pltpu.VMEM((CH, HD), _f32)] * 6
        + [
            pltpu.VMEM((CH, CW), _f32),
            pltpu.VMEM((ZR, HD), _f32),
            pltpu.VMEM((ZR, CW), _f32),
            pltpu.VMEM_SHARED((NP, HD), _f32),
            pltpu.VMEM_SHARED((NP, CW), _f32),
        ]
        + [pltpu.SemaphoreType.DMA] * 7
    ),
)
def _sc_aggregate(y_hbm, ei_hbm, out_sum, out_cnt,
                  src_v, dst_v,
                  buf0, buf1, buf2, buf3, buf4, buf5,
                  ones_v, zb, zb_c, acc_sum, acc_cnt,
                  sem0, sem1, sem2, sem3, sem4, sem5, sem_c):
    c = lax.axis_index("c")
    s = lax.axis_index("s")
    w = c * NS + s

    @pl.loop(0, ZR)
    def _init(r):
        for j in range(HD // 16):
            zb[r, pl.ds(16 * j, 16)] = jnp.zeros((16,), _f32)
        zb_c[r, :] = jnp.zeros((16,), _f32)

    @pl.loop(0, CH)
    def _init_ones(r):
        ones_v[r, :] = jnp.ones((16,), _f32)

    pltpu.sync_copy(ei_hbm.at[0, w], src_v)
    pltpu.sync_copy(ei_hbm.at[1, w], dst_v)

    lane = lax.iota(jnp.int32, 16)

    @pl.loop(0, STEPS)
    def _dbl(r):
        for o in range(0, 112, 16):
            src_v[r, pl.ds(o, 16)] = src_v[r, pl.ds(o, 16)] * 2
        v = src_v[r, pl.ds(109, 16)]
        src_v[r, pl.ds(109, 16)] = jnp.where(lane < 3, v, v * 2)

    for h, y_h in ((0, y_hbm.at[pl.ds(0, 2 * N - 1)]),
                   (1, y_hbm.at[pl.ds(1, 2 * N - 1)])):
        for i in range(RPT // ZR):
            base = s * RPT + i * ZR
            pltpu.sync_copy(zb, acc_sum.at[pl.ds(base, ZR)])
            if h == 0:
                pltpu.sync_copy(zb_c, acc_cnt.at[pl.ds(base, ZR)])
        plsc.subcore_barrier()

        bufs = (buf0, buf1, buf2, buf3, buf4, buf5)
        sems = (sem0, sem1, sem2, sem3, sem4, sem5)
        NB = 6
        AH = 4
        for b in range(AH):
            pltpu.async_copy(y_h.at[src_v.at[b]], bufs[b], sems[b])

        def _one_step(j, b, first_round):
            b2 = (b + AH) % NB
            pltpu.make_async_copy(y_h.at[src_v.at[j]], bufs[b],
                                  sems[b]).wait()
            pltpu.async_copy(bufs[b], acc_sum.at[dst_v.at[j]], sems[b],
                             add=True)
            if h == 0:
                pltpu.async_copy(ones_v, acc_cnt.at[dst_v.at[j]], sem_c,
                                 add=True)

            def _refill():
                pltpu.async_copy(y_h.at[src_v.at[j + AH]], bufs[b2],
                                 sems[b2])

            if b < NB - AH:
                @pl.when(jnp.logical_not(first_round))
                def _():
                    pltpu.make_async_copy(
                        y_h.at[src_v.at[j]], bufs[b2], sems[b2]).wait()

                @pl.when(j + AH < STEPS)
                def _():
                    _refill()
            else:
                pltpu.make_async_copy(
                    y_h.at[src_v.at[j]], bufs[b2], sems[b2]).wait()

                @pl.when(j + AH < STEPS)
                def _():
                    _refill()

        @pl.loop(0, STEPS // NB)
        def _step(i):
            for b in range(NB):
                _one_step(NB * i + b, b, i == 0)

        for t in range(STEPS - (STEPS // NB) * NB):
            j = (STEPS // NB) * NB + t
            _one_step(j, j % NB, jnp.bool_(False))

        for j in range(STEPS - (NB - AH), STEPS):
            pltpu.make_async_copy(y_h.at[src_v.at[0]], bufs[j % NB],
                                  sems[j % NB]).wait()
        if h == 0:
            @pl.loop(0, STEPS)
            def _drain(i):
                pltpu.make_async_copy(ones_v, acc_cnt.at[dst_v.at[0]],
                                      sem_c).wait()

        plsc.subcore_barrier()

        for i in range(RPT // ZR):
            base = s * RPT + i * ZR
            pltpu.sync_copy(acc_sum.at[pl.ds(base, ZR)], zb)
            pltpu.sync_copy(zb, out_sum.at[c, pl.ds(base, ZR), pl.ds(h * HD, HD)])
            if h == 0:
                pltpu.sync_copy(acc_cnt.at[pl.ds(base, ZR)], zb_c)
                pltpu.sync_copy(zb_c, out_cnt.at[c, pl.ds(base, ZR)])
        if h == 0:
            plsc.subcore_barrier()

            @pl.loop(0, ZR)
            def _rezero(r):
                for j in range(HD // 16):
                    zb[r, pl.ds(16 * j, 16)] = jnp.zeros((16,), _f32)


def _combine_body(x_ref, w_ref, b_ref, ps_ref, pc_ref, o_ref):
    y2 = jnp.dot(x_ref[...], w_ref[...], preferred_element_type=_f32)
    y2 = y2 + b_ref[...]
    ssum = ps_ref[0] + ps_ref[1]
    deg = pc_ref[0, :, 0] + pc_ref[1, :, 0]
    deg = jnp.maximum(deg, 1.0)
    o_ref[...] = jnp.maximum(y2 + ssum / deg[:, None], 0.0)


def _combine(x, W_self, b_self, psum, pcnt):
    bm = 2000
    return pl.pallas_call(
        _combine_body,
        grid=(N // bm,),
        in_specs=[
            pl.BlockSpec((bm, D), lambda i: (i, 0)),
            pl.BlockSpec((D, D), lambda i: (0, 0)),
            pl.BlockSpec((1, D), lambda i: (0, 0)),
            pl.BlockSpec((NC, bm, D), lambda i: (0, i, 0)),
            pl.BlockSpec((NC, bm, CW), lambda i: (0, i, 0)),
        ],
        out_specs=pl.BlockSpec((bm, D), lambda i: (i, 0)),
        out_shape=jax.ShapeDtypeStruct((N, D), _f32),
    )(x, W_self, b_self.reshape(1, D), psum, pcnt)


def kernel(x, edge_index, W_edge, W_self, b_self):
    ei = edge_index.astype(jnp.int32)
    ei_aug = ei.reshape(2, NW, STEPS, CH)
    y = _edge_transform(x, W_edge)
    psum, pcnt = _sc_aggregate(y.reshape(2 * N, HD), ei_aug)
    return _combine(x, W_self, b_self, psum, pcnt)

# --- scband reference (transcript-rebuilt; emitter-appended) ---
"""Pipeline reference for scband-mpnnblock-mult-single-etype-35192962023430 (READ-ONLY COPY).

The authoritative reference and input builder live on the scoring server;
editing this copy changes nothing except your own understanding.
"""

import jax, jax.numpy as jnp
import numpy as np

N_NODES = 10000
N_EDGES = 320000
HIDDEN_DIM = 128
OUT_DIM = 128


def setup_inputs(seed: int = 0) -> dict:
    key = jax.random.key(seed)
    k_x, k_ei, k_we, k_ws, k_bs = jax.random.split(key, 5)
    x = jax.random.normal(k_x, (N_NODES, HIDDEN_DIM), dtype=jnp.float32)
    edge_index = jax.random.randint(k_ei, (2, N_EDGES), 0, N_NODES, dtype=jnp.int64)
    # Parameters (torch nn.Linear init approximated with uniform fan-in scaling)
    bound_e = 1.0 / np.sqrt(HIDDEN_DIM)
    W_edge = jax.random.uniform(k_we, (HIDDEN_DIM, OUT_DIM), dtype=jnp.float32, minval=-bound_e, maxval=bound_e)
    W_self = jax.random.uniform(k_ws, (HIDDEN_DIM, OUT_DIM), dtype=jnp.float32, minval=-bound_e, maxval=bound_e)
    b_self = jax.random.uniform(k_bs, (OUT_DIM,), dtype=jnp.float32, minval=-bound_e, maxval=bound_e)
    return {"x": x, "edge_index": edge_index, "W_edge": W_edge, "W_self": W_self, "b_self": b_self}


def reference(x, edge_index, W_edge, W_self, b_self):
    n = x.shape[0]
    src = edge_index[0]
    dst = edge_index[1]
    # compute_send_messages: msg = edge_transform(x_src)  (Linear, no bias)
    msg = jnp.take(x, src, axis=0) @ W_edge  # [E, out_dim]
    # mean aggregation over incoming edges -> h1
    msg_sum = jax.ops.segment_sum(msg, dst, num_segments=n)
    deg = jax.ops.segment_sum(jnp.ones((msg.shape[0],), dtype=x.dtype), dst, num_segments=n)
    h1 = msg_sum / jnp.clip(deg, 1.0)[:, None]  # nodes with 0 in-degree get 0 (DGL mean semantics)
    # add_self_loop: h = self_loop(h) + h1
    h = x @ W_self + b_self + h1
    # activate_node: relu
    h = jax.nn.relu(h)
    return h

if __name__ == "__main__":
    import jax
    _d = setup_inputs()
    print(jax.jit(kernel)(*tuple(_d.values())))

</pallas_src>

<mosaic_0001>
#map = affine_map<(d0, d1) -> (0, 0)>
#map1 = affine_map<(d0, d1) -> (0, 0, 0, 0)>
#map2 = affine_map<(d0, d1) -> (0, 0, 0)>
module attributes {stable_mosaic.version = 14 : i64} {
  func.func @_sc_aggregate(%arg0: i32, %arg1: i32, %arg2: memref<20000x64xf32, #tpu.memory_space<hbm>>, %arg3: memref<2x32x80x125xi32, #tpu.memory_space<hbm>>, %arg4: memref<2x10000x128xf32, #tpu.memory_space<hbm>>, %arg5: memref<2x10000x16xf32, #tpu.memory_space<hbm>>, %arg6: memref<80x125xi32, #tpu.memory_space<vmem>>, %arg7: memref<80x125xi32, #tpu.memory_space<vmem>>, %arg8: memref<125x64xf32, #tpu.memory_space<vmem>>, %arg9: memref<125x64xf32, #tpu.memory_space<vmem>>, %arg10: memref<125x64xf32, #tpu.memory_space<vmem>>, %arg11: memref<125x64xf32, #tpu.memory_space<vmem>>, %arg12: memref<125x64xf32, #tpu.memory_space<vmem>>, %arg13: memref<125x64xf32, #tpu.memory_space<vmem>>, %arg14: memref<125x16xf32, #tpu.memory_space<vmem>>, %arg15: memref<125x64xf32, #tpu.memory_space<vmem>>, %arg16: memref<125x16xf32, #tpu.memory_space<vmem>>, %arg17: memref<10000x64xf32, #tpu.memory_space<vmem_shared>>, %arg18: memref<10000x16xf32, #tpu.memory_space<vmem_shared>>, %arg19: memref<!tpu.dma_semaphore, #tpu.memory_space<semaphore_mem>>, %arg20: memref<!tpu.dma_semaphore, #tpu.memory_space<semaphore_mem>>, %arg21: memref<!tpu.dma_semaphore, #tpu.memory_space<semaphore_mem>>, %arg22: memref<!tpu.dma_semaphore, #tpu.memory_space<semaphore_mem>>, %arg23: memref<!tpu.dma_semaphore, #tpu.memory_space<semaphore_mem>>, %arg24: memref<!tpu.dma_semaphore, #tpu.memory_space<semaphore_mem>>, %arg25: memref<!tpu.dma_semaphore, #tpu.memory_space<semaphore_mem>>) attributes {dimension_semantics = [#tpu.dimension_semantics<core_parallel>, #tpu.dimension_semantics<subcore_parallel>], iteration_bounds = array<i64: 2, 16>, scalar_prefetch = 0 : i64, scratch_operands = 20 : i64, tpu.core_type = #tpu.core_type<sc_vector_subcore>, window_params = [{transform_indices = #map}, {transform_indices = #map1}, {transform_indices = #map2}, {transform_indices = #map2}]} {
    %mul3A = arith.constant 16 : i32
    %mul3A_0 = arith.muli %arg0, %mul3A : i32
    %add3A = arith.addi %mul3A_0, %arg1 : i32
    %scan3A = arith.constant 0 : i32
    %scan3A_1 = arith.constant 125 : i32
    %scan3A_2 = arith.addi %scan3A, %scan3A_1 : i32
    %scan3A_3 = arith.constant 1 : i32
    scf.for %scan3A_341 = %scan3A to %scan3A_2 step %scan3A_3  : i32 {
      %mul3A_342 = arith.constant 1 : i32
      %mul3A_343 = arith.muli %scan3A_341, %mul3A_342 : i32
      %add3A_344 = arith.constant 0 : i32
      %add3A_345 = arith.addi %add3A_344, %mul3A_343 : i32
      %broadcast_in_dim3A = arith.constant 0.000000e+00 : f32
      %broadcast_in_dim3A_346 = vector.broadcast %broadcast_in_dim3A : f32 to vector<16xf32>
      %swap3A = arith.index_cast %add3A_345 : i32 to index
      %swap3A_347 = arith.constant 0 : index
      %swap3A_348 = tpu.vector_load %arg15[%swap3A, %swap3A_347] {strides = array<i32>} : memref<125x64xf32, #tpu.memory_space<vmem>>, vector<1x16xf32>,
      %swap3A_349 = vector.shape_cast %swap3A_348 : vector<1x16xf32> to vector<16xf32>
      %swap3A_350 = vector.shape_cast %broadcast_in_dim3A_346 : vector<16xf32> to vector<1x16xf32>
      tpu.vector_store %arg15[%swap3A, %swap3A_347], %swap3A_350 {strides = array<i32>} : memref<125x64xf32, #tpu.memory_space<vmem>>, vector<1x16xf32>,
      %broadcast_in_dim3A_351 = arith.constant 0.000000e+00 : f32
      %broadcast_in_dim3A_352 = vector.broadcast %broadcast_in_dim3A_351 : f32 to vector<16xf32>
      %swap3A_353 = arith.index_cast %add3A_345 : i32 to index
      %swap3A_354 = arith.constant 16 : index
      %swap3A_355 = tpu.vector_load %arg15[%swap3A_353, %swap3A_354] {strides = array<i32>} : memref<125x64xf32, #tpu.memory_space<vmem>>, vector<1x16xf32>,
      %swap3A_356 = vector.shape_cast %swap3A_355 : vector<1x16xf32> to vector<16xf32>
      %swap3A_357 = vector.shape_cast %broadcast_in_dim3A_352 : vector<16xf32> to vector<1x16xf32>
      tpu.vector_store %arg15[%swap3A_353, %swap3A_354], %swap3A_357 {strides = array<i32>} : memref<125x64xf32, #tpu.memory_space<vmem>>, vector<1x16xf32>,
      %broadcast_in_dim3A_358 = arith.constant 0.000000e+00 : f32
      %broadcast_in_dim3A_359 = vector.broadcast %broadcast_in_dim3A_358 : f32 to vector<16xf32>
      %swap3A_360 = arith.index_cast %add3A_345 : i32 to index
      %swap3A_361 = arith.constant 32 : index
      %swap3A_362 = tpu.vector_load %arg15[%swap3A_360, %swap3A_361] {strides = array<i32>} : memref<125x64xf32, #tpu.memory_space<vmem>>, vector<1x16xf32>,
      %swap3A_363 = vector.shape_cast %swap3A_362 : vector<1x16xf32> to vector<16xf32>
      %swap3A_364 = vector.shape_cast %broadcast_in_dim3A_359 : vector<16xf32> to vector<1x16xf32>
      tpu.vector_store %arg15[%swap3A_360, %swap3A_361], %swap3A_364 {strides = array<i32>} : memref<125x64xf32, #tpu.memory_space<vmem>>, vector<1x16xf32>,
      %broadcast_in_dim3A_365 = arith.constant 0.000000e+00 : f32
      %broadcast_in_dim3A_366 = vector.broadcast %broadcast_in_dim3A_365 : f32 to vector<16xf32>
      %swap3A_367 = arith.index_cast %add3A_345 : i32 to index
      %swap3A_368 = arith.constant 48 : index
      %swap3A_369 = tpu.vector_load %arg15[%swap3A_367, %swap3A_368] {strides = array<i32>} : memref<125x64xf32, #tpu.memory_space<vmem>>, vector<1x16xf32>,
      %swap3A_370 = vector.shape_cast %swap3A_369 : vector<1x16xf32> to vector<16xf32>
      %swap3A_371 = vector.shape_cast %broadcast_in_dim3A_366 : vector<16xf32> to vector<1x16xf32>
      tpu.vector_store %arg15[%swap3A_367, %swap3A_368], %swap3A_371 {strides = array<i32>} : memref<125x64xf32, #tpu.memory_space<vmem>>, vector<1x16xf32>,
      %broadcast_in_dim3A_372 = arith.constant 0.000000e+00 : f32
      %broadcast_in_dim3A_373 = vector.broadcast %broadcast_in_dim3A_372 : f32 to vector<16xf32>
      %swap3A_374 = arith.index_cast %add3A_345 : i32 to index
      %swap3A_375 = arith.constant 0 : index
      %swap3A_376 = tpu.vector_load %arg16[%swap3A_374, %swap3A_375] {strides = array<i32>} : memref<125x16xf32, #tpu.memory_space<vmem>>, vector<1x16xf32>,
      %swap3A_377 = vector.shape_cast %swap3A_376 : vector<1x16xf32> to vector<16xf32>
      %swap3A_378 = vector.shape_cast %broadcast_in_dim3A_373 : vector<16xf32> to vector<1x16xf32>
      tpu.vector_store %arg16[%swap3A_374, %swap3A_375], %swap3A_378 {strides = array<i32>} : memref<125x16xf32, #tpu.memory_space<vmem>>, vector<1x16xf32>,
    }
    %scan3A_4 = arith.constant 125 : i32
    %scan3A_5 = arith.constant 0 : i32
    %scan3A_6 = arith.constant 125 : i32
    %scan3A_7 = arith.addi %scan3A_5, %scan3A_6 : i32
    %scan3A_8 = arith.constant 1 : i32
    scf.for %scan3A_341 = %scan3A_5 to %scan3A_7 step %scan3A_8  : i32 {
      %mul3A_342 = arith.constant 1 : i32
      %mul3A_343 = arith.muli %scan3A_341, %mul3A_342 : i32
      %add3A_344 = arith.constant 0 : i32
      %add3A_345 = arith.addi %add3A_344, %mul3A_343 : i32
      %broadcast_in_dim3A = arith.constant 1.000000e+00 : f32
      %broadcast_in_dim3A_346 = vector.broadcast %broadcast_in_dim3A : f32 to vector<16xf32>
      %swap3A = arith.index_cast %add3A_345 : i32 to index
      %swap3A_347 = arith.constant 0 : index
      %swap3A_348 = tpu.vector_load %arg14[%swap3A, %swap3A_347] {strides = array<i32>} : memref<125x16xf32, #tpu.memory_space<vmem>>, vector<1x16xf32>,
      %swap3A_349 = vector.shape_cast %swap3A_348 : vector<1x16xf32> to vector<16xf32>
      %swap3A_350 = vector.shape_cast %broadcast_in_dim3A_346 : vector<16xf32> to vector<1x16xf32>
      tpu.vector_store %arg14[%swap3A, %swap3A_347], %swap3A_350 {strides = array<i32>} : memref<125x16xf32, #tpu.memory_space<vmem>>, vector<1x16xf32>,
    }
    %scan3A_9 = arith.constant 125 : i32
    %run_scoped3A = arith.constant 0 : i32
    "tpu.region"() ({
      %run_scoped3A_341 = tpu.sem_alloc : memref<!tpu.dma_semaphore, #tpu.memory_space<semaphore_mem>>
      %dma_start3A_342 = arith.constant 0 : i32
      %dma_start3A_343 = arith.constant 0 : i32
      %dma_start3A_344 = tpu.memref_slice %arg3[%run_scoped3A, %add3A, %dma_start3A_342, %dma_start3A_343] : memref<2x32x80x125xi32, #tpu.memory_space<hbm>> -> memref<1x1x80x125xi32, #tpu.memory_space<hbm>>
      %dma_start3A_345 = tpu.memref_squeeze %dma_start3A_344 : memref<1x1x80x125xi32, #tpu.memory_space<hbm>> -> memref<80x125xi32, #tpu.memory_space<hbm>>
      %dma_start3A_346 = arith.constant 0 : i32
      %dma_start3A_347 = arith.constant 0 : i32
      %dma_start3A_348 = tpu.memref_slice %arg3[%run_scoped3A, %add3A, %dma_start3A_346, %dma_start3A_347] : memref<2x32x80x125xi32, #tpu.memory_space<hbm>> -> memref<1x1x80x125xi32, #tpu.memory_space<hbm>>
      %dma_start3A_349 = tpu.memref_squeeze %dma_start3A_348 : memref<1x1x80x125xi32, #tpu.memory_space<hbm>> -> memref<80x125xi32, #tpu.memory_space<hbm>>
      tpu.enqueue_dma source(%dma_start3A_349 : memref<80x125xi32, #tpu.memory_space<hbm>>) target(%arg6 : memref<80x125xi32, #tpu.memory_space<vmem>>) target_semaphore(%run_scoped3A_341 : memref<!tpu.dma_semaphore, #tpu.memory_space<semaphore_mem>>)
      %dma_wait3A_350 = arith.constant 0 : i32
      %dma_wait3A_351 = arith.constant 0 : i32
      %dma_wait3A_352 = tpu.memref_slice %arg3[%run_scoped3A, %add3A, %dma_wait3A_350, %dma_wait3A_351] : memref<2x32x80x125xi32, #tpu.memory_space<hbm>> -> memref<1x1x80x125xi32, #tpu.memory_space<hbm>>
      %dma_wait3A_353 = tpu.memref_squeeze %dma_wait3A_352 : memref<1x1x80x125xi32, #tpu.memory_space<hbm>> -> memref<80x125xi32, #tpu.memory_space<hbm>>
      %dma_wait3A_354 = arith.constant 0 : i32
      %dma_wait3A_355 = arith.constant 0 : i32
      %dma_wait3A_356 = tpu.memref_slice %arg3[%run_scoped3A, %add3A, %dma_wait3A_354, %dma_wait3A_355] : memref<2x32x80x125xi32, #tpu.memory_space<hbm>> -> memref<1x1x80x125xi32, #tpu.memory_space<hbm>>
      %dma_wait3A_357 = tpu.memref_squeeze %dma_wait3A_356 : memref<1x1x80x125xi32, #tpu.memory_space<hbm>> -> memref<80x125xi32, #tpu.memory_space<hbm>>
      tpu.wait_dma2 semaphore(%run_scoped3A_341 : memref<!tpu.dma_semaphore, #tpu.memory_space<semaphore_mem>>) src(%dma_wait3A_357 : memref<80x125xi32, #tpu.memory_space<hbm>>) dst(%arg6 : memref<80x125xi32, #tpu.memory_space<vmem>>)
      tpu.yield
    }) : () -> ()
    %run_scoped3A_10 = arith.constant 1 : i32
    "tpu.region"() ({
      %run_scoped3A_341 = tpu.sem_alloc : memref<!tpu.dma_semaphore, #tpu.memory_space<semaphore_mem>>
      %dma_start3A_342 = arith.constant 0 : i32
      %dma_start3A_343 = arith.constant 0 : i32
      %dma_start3A_344 = tpu.memref_slice %arg3[%run_scoped3A_10, %add3A, %dma_start3A_342, %dma_start3A_343] : memref<2x32x80x125xi32, #tpu.memory_space<hbm>> -> memref<1x1x80x125xi32, #tpu.memory_space<hbm>>
      %dma_start3A_345 = tpu.memref_squeeze %dma_start3A_344 : memref<1x1x80x125xi32, #tpu.memory_space<hbm>> -> memref<80x125xi32, #tpu.memory_space<hbm>>
      %dma_start3A_346 = arith.constant 0 : i32
      %dma_start3A_347 = arith.constant 0 : i32
      %dma_start3A_348 = tpu.memref_slice %arg3[%run_scoped3A_10, %add3A, %dma_start3A_346, %dma_start3A_347] : memref<2x32x80x125xi32, #tpu.memory_space<hbm>> -> memref<1x1x80x125xi32, #tpu.memory_space<hbm>>
      %dma_start3A_349 = tpu.memref_squeeze %dma_start3A_348 : memref<1x1x80x125xi32, #tpu.memory_space<hbm>> -> memref<80x125xi32, #tpu.memory_space<hbm>>
      tpu.enqueue_dma source(%dma_start3A_349 : memref<80x125xi32, #tpu.memory_space<hbm>>) target(%arg7 : memref<80x125xi32, #tpu.memory_space<vmem>>) target_semaphore(%run_scoped3A_341 : memref<!tpu.dma_semaphore, #tpu.memory_space<semaphore_mem>>)
      %dma_wait3A_350 = arith.constant 0 : i32
      %dma_wait3A_351 = arith.constant 0 : i32
      %dma_wait3A_352 = tpu.memref_slice %arg3[%run_scoped3A_10, %add3A, %dma_wait3A_350, %dma_wait3A_351] : memref<2x32x80x125xi32, #tpu.memory_space<hbm>> -> memref<1x1x80x125xi32, #tpu.memory_space<hbm>>
      %dma_wait3A_353 = tpu.memref_squeeze %dma_wait3A_352 : memref<1x1x80x125xi32, #tpu.memory_space<hbm>> -> memref<80x125xi32, #tpu.memory_space<hbm>>
      %dma_wait3A_354 = arith.constant 0 : i32
      %dma_wait3A_355 = arith.constant 0 : i32
      %dma_wait3A_356 = tpu.memref_slice %arg3[%run_scoped3A_10, %add3A, %dma_wait3A_354, %dma_wait3A_355] : memref<2x32x80x125xi32, #tpu.memory_space<hbm>> -> memref<1x1x80x125xi32, #tpu.memory_space<hbm>>
      %dma_wait3A_357 = tpu.memref_squeeze %dma_wait3A_356 : memref<1x1x80x125xi32, #tpu.memory_space<hbm>> -> memref<80x125xi32, #tpu.memory_space<hbm>>
      tpu.wait_dma2 semaphore(%run_scoped3A_341 : memref<!tpu.dma_semaphore, #tpu.memory_space<semaphore_mem>>) src(%dma_wait3A_357 : memref<80x125xi32, #tpu.memory_space<hbm>>) dst(%arg7 : memref<80x125xi32, #tpu.memory_space<vmem>>)
      tpu.yield
    }) : () -> ()
    %iota3A = tpu.iota {dimensions = array<i32: 0>} : vector<16xi32>
    %scan3A_11 = arith.constant 0 : i32
    %scan3A_12 = arith.constant 80 : i32
    %scan3A_13 = arith.addi %scan3A_11, %scan3A_12 : i32
    %scan3A_14 = arith.constant 1 : i32
    scf.for %scan3A_341 = %scan3A_11 to %scan3A_13 step %scan3A_14  : i32 {
      %mul3A_342 = arith.constant 1 : i32
      %mul3A_343 = arith.muli %scan3A_341, %mul3A_342 : i32
      %add3A_344 = arith.constant 0 : i32
      %add3A_345 = arith.addi %add3A_344, %mul3A_343 : i32
      %get3A = arith.index_cast %add3A_345 : i32 to index
      %get3A_346 = arith.constant 0 : index
      %get3A_347 = tpu.vector_load %arg6[%get3A, %get3A_346] {strides = array<i32>} : memref<80x125xi32, #tpu.memory_space<vmem>>, vector<1x16xi32>,
      %get3A_348 = vector.shape_cast %get3A_347 : vector<1x16xi32> to vector<16xi32>
      %mul3A_349 = arith.constant 2 : i32
      %mul3A_350 = vector.broadcast %mul3A_349 : i32 to vector<16xi32>
      %mul3A_351 = arith.muli %get3A_348, %mul3A_350 : vector<16xi32>
      %swap3A = arith.index_cast %add3A_345 : i32 to index
      %swap3A_352 = arith.constant 0 : index
      %swap3A_353 = tpu.vector_load %arg6[%swap3A, %swap3A_352] {strides = array<i32>} : memref<80x125xi32, #tpu.memory_space<vmem>>, vector<1x16xi32>,
      %swap3A_354 = vector.shape_cast %swap3A_353 : vector<1x16xi32> to vector<16xi32>
      %swap3A_355 = vector.shape_cast %mul3A_351 : vector<16xi32> to vector<1x16xi32>
      tpu.vector_store %arg6[%swap3A, %swap3A_352], %swap3A_355 {strides = array<i32>} : memref<80x125xi32, #tpu.memory_space<vmem>>, vector<1x16xi32>,
      %get3A_356 = arith.index_cast %add3A_345 : i32 to index
      %get3A_357 = arith.constant 16 : index
      %get3A_358 = tpu.vector_load %arg6[%get3A_356, %get3A_357] {strides = array<i32>} : memref<80x125xi32, #tpu.memory_space<vmem>>, vector<1x16xi32>,
      %get3A_359 = vector.shape_cast %get3A_358 : vector<1x16xi32> to vector<16xi32>
      %mul3A_360 = arith.constant 2 : i32
      %mul3A_361 = vector.broadcast %mul3A_360 : i32 to vector<16xi32>
      %mul3A_362 = arith.muli %get3A_359, %mul3A_361 : vector<16xi32>
      %swap3A_363 = arith.index_cast %add3A_345 : i32 to index
      %swap3A_364 = arith.constant 16 : index
      %swap3A_365 = tpu.vector_load %arg6[%swap3A_363, %swap3A_364] {strides = array<i32>} : memref<80x125xi32, #tpu.memory_space<vmem>>, vector<1x16xi32>,
      %swap3A_366 = vector.shape_cast %swap3A_365 : vector<1x16xi32> to vector<16xi32>
      %swap3A_367 = vector.shape_cast %mul3A_362 : vector<16xi32> to vector<1x16xi32>
      tpu.vector_store %arg6[%swap3A_363, %swap3A_364], %swap3A_367 {strides = array<i32>} : memref<80x125xi32, #tpu.memory_space<vmem>>, vector<1x16xi32>,
      %get3A_368 = arith.index_cast %add3A_345 : i32 to index
      %get3A_369 = arith.constant 32 : index
      %get3A_370 = tpu.vector_load %arg6[%get3A_368, %get3A_369] {strides = array<i32>} : memref<80x125xi32, #tpu.memory_space<vmem>>, vector<1x16xi32>,
      %get3A_371 = vector.shape_cast %get3A_370 : vector<1x16xi32> to vector<16xi32>
      %mul3A_372 = arith.constant 2 : i32
      %mul3A_373 = vector.broadcast %mul3A_372 : i32 to vector<16xi32>
      %mul3A_374 = arith.muli %get3A_371, %mul3A_373 : vector<16xi32>
      %swap3A_375 = arith.index_cast %add3A_345 : i32 to index
      %swap3A_376 = arith.constant 32 : index
      %swap3A_377 = tpu.vector_load %arg6[%swap3A_375, %swap3A_376] {strides = array<i32>} : memref<80x125xi32, #tpu.memory_space<vmem>>, vector<1x16xi32>,
      %swap3A_378 = vector.shape_cast %swap3A_377 : vector<1x16xi32> to vector<16xi32>
      %swap3A_379 = vector.shape_cast %mul3A_374 : vector<16xi32> to vector<1x16xi32>
      tpu.vector_store %arg6[%swap3A_375, %swap3A_376], %swap3A_379 {strides = array<i32>} : memref<80x125xi32, #tpu.memory_space<vmem>>, vector<1x16xi32>,
      %get3A_380 = arith.index_cast %add3A_345 : i32 to index
      %get3A_381 = arith.constant 48 : index
      %get3A_382 = tpu.vector_load %arg6[%get3A_380, %get3A_381] {strides = array<i32>} : memref<80x125xi32, #tpu.memory_space<vmem>>, vector<1x16xi32>,
      %get3A_383 = vector.shape_cast %get3A_382 : vector<1x16xi32> to vector<16xi32>
      %mul3A_384 = arith.constant 2 : i32
      %mul3A_385 = vector.broadcast %mul3A_384 : i32 to vector<16xi32>
      %mul3A_386 = arith.muli %get3A_383, %mul3A_385 : vector<16xi32>
      %swap3A_387 = arith.index_cast %add3A_345 : i32 to index
      %swap3A_388 = arith.constant 48 : index
      %swap3A_389 = tpu.vector_load %arg6[%swap3A_387, %swap3A_388] {strides = array<i32>} : memref<80x125xi32, #tpu.memory_space<vmem>>, vector<1x16xi32>,
      %swap3A_390 = vector.shape_cast %swap3A_389 : vector<1x16xi32> to vector<16xi32>
      %swap3A_391 = vector.shape_cast %mul3A_386 : vector<16xi32> to vector<1x16xi32>
      tpu.vector_store %arg6[%swap3A_387, %swap3A_388], %swap3A_391 {strides = array<i32>} : memref<80x125xi32, #tpu.memory_space<vmem>>, vector<1x16xi32>,
      %get3A_392 = arith.index_cast %add3A_345 : i32 to index
      %get3A_393 = arith.constant 64 : index
      %get3A_394 = tpu.vector_load %arg6[%get3A_392, %get3A_393] {strides = array<i32>} : memref<80x125xi32, #tpu.memory_space<vmem>>, vector<1x16xi32>,
      %get3A_395 = vector.shape_cast %get3A_394 : vector<1x16xi32> to vector<16xi32>
      %mul3A_396 = arith.constant 2 : i32
      %mul3A_397 = vector.broadcast %mul3A_396 : i32 to vector<16xi32>
      %mul3A_398 = arith.muli %get3A_395, %mul3A_397 : vector<16xi32>
      %swap3A_399 = arith.index_cast %add3A_345 : i32 to index
      %swap3A_400 = arith.constant 64 : index
      %swap3A_401 = tpu.vector_load %arg6[%swap3A_399, %swap3A_400] {strides = array<i32>} : memref<80x125xi32, #tpu.memory_space<vmem>>, vector<1x16xi32>,
      %swap3A_402 = vector.shape_cast %swap3A_401 : vector<1x16xi32> to vector<16xi32>
      %swap3A_403 = vector.shape_cast %mul3A_398 : vector<16xi32> to vector<1x16xi32>
      tpu.vector_store %arg6[%swap3A_399, %swap3A_400], %swap3A_403 {strides = array<i32>} : memref<80x125xi32, #tpu.memory_space<vmem>>, vector<1x16xi32>,
      %get3A_404 = arith.index_cast %add3A_345 : i32 to index
      %get3A_405 = arith.constant 80 : index
      %get3A_406 = tpu.vector_load %arg6[%get3A_404, %get3A_405] {strides = array<i32>} : memref<80x125xi32, #tpu.memory_space<vmem>>, vector<1x16xi32>,
      %get3A_407 = vector.shape_cast %get3A_406 : vector<1x16xi32> to vector<16xi32>
      %mul3A_408 = arith.constant 2 : i32
      %mul3A_409 = vector.broadcast %mul3A_408 : i32 to vector<16xi32>
      %mul3A_410 = arith.muli %get3A_407, %mul3A_409 : vector<16xi32>
      %swap3A_411 = arith.index_cast %add3A_345 : i32 to index
      %swap3A_412 = arith.constant 80 : index
      %swap3A_413 = tpu.vector_load %arg6[%swap3A_411, %swap3A_412] {strides = array<i32>} : memref<80x125xi32, #tpu.memory_space<vmem>>, vector<1x16xi32>,
      %swap3A_414 = vector.shape_cast %swap3A_413 : vector<1x16xi32> to vector<16xi32>
      %swap3A_415 = vector.shape_cast %mul3A_410 : vector<16xi32> to vector<1x16xi32>
      tpu.vector_store %arg6[%swap3A_411, %swap3A_412], %swap3A_415 {strides = array<i32>} : memref<80x125xi32, #tpu.memory_space<vmem>>, vector<1x16xi32>,
      %get3A_416 = arith.index_cast %add3A_345 : i32 to index
      %get3A_417 = arith.constant 96 : index
      %get3A_418 = tpu.vector_load %arg6[%get3A_416, %get3A_417] {strides = array<i32>} : memref<80x125xi32, #tpu.memory_space<vmem>>, vector<1x16xi32>,
      %get3A_419 = vector.shape_cast %get3A_418 : vector<1x16xi32> to vector<16xi32>
      %mul3A_420 = arith.constant 2 : i32
      %mul3A_421 = vector.broadcast %mul3A_420 : i32 to vector<16xi32>
      %mul3A_422 = arith.muli %get3A_419, %mul3A_421 : vector<16xi32>
      %swap3A_423 = arith.index_cast %add3A_345 : i32 to index
      %swap3A_424 = arith.constant 96 : index
      %swap3A_425 = tpu.vector_load %arg6[%swap3A_423, %swap3A_424] {strides = array<i32>} : memref<80x125xi32, #tpu.memory_space<vmem>>, vector<1x16xi32>,
      %swap3A_426 = vector.shape_cast %swap3A_425 : vector<1x16xi32> to vector<16xi32>
      %swap3A_427 = vector.shape_cast %mul3A_422 : vector<16xi32> to vector<1x16xi32>
      tpu.vector_store %arg6[%swap3A_423, %swap3A_424], %swap3A_427 {strides = array<i32>} : memref<80x125xi32, #tpu.memory_space<vmem>>, vector<1x16xi32>,
      %get3A_428 = arith.index_cast %add3A_345 : i32 to index
      %get3A_429 = arith.constant 109 : index
      %get3A_430 = tpu.vector_load %arg6[%get3A_428, %get3A_429] {strides = array<i32>} : memref<80x125xi32, #tpu.memory_space<vmem>>, vector<1x16xi32>,
      %get3A_431 = vector.shape_cast %get3A_430 : vector<1x16xi32> to vector<16xi32>
      %lt3A = arith.constant 3 : i32
      %lt3A_432 = vector.broadcast %lt3A : i32 to vector<16xi32>
      %lt3A_433 = arith.cmpi slt, %iota3A, %lt3A_432 : vector<16xi32>
      %mul3A_434 = arith.constant 2 : i32
      %mul3A_435 = vector.broadcast %mul3A_434 : i32 to vector<16xi32>
      %mul3A_436 = arith.muli %get3A_431, %mul3A_435 : vector<16xi32>
      %select_n3A = arith.select %lt3A_433, %get3A_431, %mul3A_436 : vector<16xi1>, vector<16xi32>
      %swap3A_437 = arith.index_cast %add3A_345 : i32 to index
      %swap3A_438 = arith.constant 109 : index
      %swap3A_439 = tpu.vector_load %arg6[%swap3A_437, %swap3A_438] {strides = array<i32>} : memref<80x125xi32, #tpu.memory_space<vmem>>, vector<1x16xi32>,
      %swap3A_440 = vector.shape_cast %swap3A_439 : vector<1x16xi32> to vector<16xi32>
      %swap3A_441 = vector.shape_cast %select_n3A : vector<16xi32> to vector<1x16xi32>
      tpu.vector_store %arg6[%swap3A_437, %swap3A_438], %swap3A_441 {strides = array<i32>} : memref<80x125xi32, #tpu.memory_space<vmem>>, vector<1x16xi32>,
    }
    %scan3A_15 = arith.constant 80 : i32
    %mul3A_16 = arith.constant 625 : i32
    %mul3A_17 = arith.muli %arg1, %mul3A_16 : i32
    %add3A_18 = arith.constant 0 : i32
    %add3A_19 = arith.addi %mul3A_17, %add3A_18 : i32
    "tpu.region"() ({
      %run_scoped3A_341 = tpu.sem_alloc : memref<!tpu.dma_semaphore, #tpu.memory_space<semaphore_mem>>
      %dma_start3A_342 = arith.constant 0 : i32
      %dma_start3A_343 = tpu.memref_slice %arg17[%add3A_19, %dma_start3A_342] : memref<10000x64xf32, #tpu.memory_space<vmem_shared>> -> memref<125x64xf32, #tpu.memory_space<vmem_shared>>
      %dma_start3A_344 = arith.constant 0 : i32
      %dma_start3A_345 = tpu.memref_slice %arg17[%add3A_19, %dma_start3A_344] : memref<10000x64xf32, #tpu.memory_space<vmem_shared>> -> memref<125x64xf32, #tpu.memory_space<vmem_shared>>
      tpu.enqueue_dma source(%arg15 : memref<125x64xf32, #tpu.memory_space<vmem>>) target(%dma_start3A_345 : memref<125x64xf32, #tpu.memory_space<vmem_shared>>) target_semaphore(%run_scoped3A_341 : memref<!tpu.dma_semaphore, #tpu.memory_space<semaphore_mem>>)
      %dma_wait3A_346 = arith.constant 0 : i32
      %dma_wait3A_347 = tpu.memref_slice %arg17[%add3A_19, %dma_wait3A_346] : memref<10000x64xf32, #tpu.memory_space<vmem_shared>> -> memref<125x64xf32, #tpu.memory_space<vmem_shared>>
      %dma_wait3A_348 = arith.constant 0 : i32
      %dma_wait3A_349 = tpu.memref_slice %arg17[%add3A_19, %dma_wait3A_348] : memref<10000x64xf32, #tpu.memory_space<vmem_shared>> -> memref<125x64xf32, #tpu.memory_space<vmem_shared>>
      tpu.wait_dma2 semaphore(%run_scoped3A_341 : memref<!tpu.dma_semaphore, #tpu.memory_space<semaphore_mem>>) src(%arg15 : memref<125x64xf32, #tpu.memory_space<vmem>>) dst(%dma_wait3A_349 : memref<125x64xf32, #tpu.memory_space<vmem_shared>>)
      tpu.yield
    }) : () -> ()
    "tpu.region"() ({
      %run_scoped3A_341 = tpu.sem_alloc : memref<!tpu.dma_semaphore, #tpu.memory_space<semaphore_mem>>
      %dma_start3A_342 = arith.constant 0 : i32
      %dma_start3A_343 = tpu.memref_slice %arg18[%add3A_19, %dma_start3A_342] : memref<10000x16xf32, #tpu.memory_space<vmem_shared>> -> memref<125x16xf32, #tpu.memory_space<vmem_shared>>
      %dma_start3A_344 = arith.constant 0 : i32
      %dma_start3A_345 = tpu.memref_slice %arg18[%add3A_19, %dma_start3A_344] : memref<10000x16xf32, #tpu.memory_space<vmem_shared>> -> memref<125x16xf32, #tpu.memory_space<vmem_shared>>
      tpu.enqueue_dma source(%arg16 : memref<125x16xf32, #tpu.memory_space<vmem>>) target(%dma_start3A_345 : memref<125x16xf32, #tpu.memory_space<vmem_shared>>) target_semaphore(%run_scoped3A_341 : memref<!tpu.dma_semaphore, #tpu.memory_space<semaphore_mem>>)
      %dma_wait3A_346 = arith.constant 0 : i32
      %dma_wait3A_347 = tpu.memref_slice %arg18[%add3A_19, %dma_wait3A_346] : memref<10000x16xf32, #tpu.memory_space<vmem_shared>> -> memref<125x16xf32, #tpu.memory_space<vmem_shared>>
      %dma_wait3A_348 = arith.constant 0 : i32
      %dma_wait3A_349 = tpu.memref_slice %arg18[%add3A_19, %dma_wait3A_348] : memref<10000x16xf32, #tpu.memory_space<vmem_shared>> -> memref<125x16xf32, #tpu.memory_space<vmem_shared>>
      tpu.wait_dma2 semaphore(%run_scoped3A_341 : memref<!tpu.dma_semaphore, #tpu.memory_space<semaphore_mem>>) src(%arg16 : memref<125x16xf32, #tpu.memory_space<vmem>>) dst(%dma_wait3A_349 : memref<125x16xf32, #tpu.memory_space<vmem_shared>>)
      tpu.yield
    }) : () -> ()
    %mul3A_20 = arith.constant 625 : i32
    %mul3A_21 = arith.muli %arg1, %mul3A_20 : i32
    %add3A_22 = arith.constant 125 : i32
    %add3A_23 = arith.addi %mul3A_21, %add3A_22 : i32
    "tpu.region"() ({
      %run_scoped3A_341 = tpu.sem_alloc : memref<!tpu.dma_semaphore, #tpu.memory_space<semaphore_mem>>
      %dma_start3A_342 = arith.constant 0 : i32
      %dma_start3A_343 = tpu.memref_slice %arg17[%add3A_23, %dma_start3A_342] : memref<10000x64xf32, #tpu.memory_space<vmem_shared>> -> memref<125x64xf32, #tpu.memory_space<vmem_shared>>
      %dma_start3A_344 = arith.constant 0 : i32
      %dma_start3A_345 = tpu.memref_slice %arg17[%add3A_23, %dma_start3A_344] : memref<10000x64xf32, #tpu.memory_space<vmem_shared>> -> memref<125x64xf32, #tpu.memory_space<vmem_shared>>
      tpu.enqueue_dma source(%arg15 : memref<125x64xf32, #tpu.memory_space<vmem>>) target(%dma_start3A_345 : memref<125x64xf32, #tpu.memory_space<vmem_shared>>) target_semaphore(%run_scoped3A_341 : memref<!tpu.dma_semaphore, #tpu.memory_space<semaphore_mem>>)
      %dma_wait3A_346 = arith.constant 0 : i32
      %dma_wait3A_347 = tpu.memref_slice %arg17[%add3A_23, %dma_wait3A_346] : memref<10000x64xf32, #tpu.memory_space<vmem_shared>> -> memref<125x64xf32, #tpu.memory_space<vmem_shared>>
      %dma_wait3A_348 = arith.constant 0 : i32
      %dma_wait3A_349 = tpu.memref_slice %arg17[%add3A_23, %dma_wait3A_348] : memref<10000x64xf32, #tpu.memory_space<vmem_shared>> -> memref<125x64xf32, #tpu.memory_space<vmem_shared>>
      tpu.wait_dma2 semaphore(%run_scoped3A_341 : memref<!tpu.dma_semaphore, #tpu.memory_space<semaphore_mem>>) src(%arg15 : memref<125x64xf32, #tpu.memory_space<vmem>>) dst(%dma_wait3A_349 : memref<125x64xf32, #tpu.memory_space<vmem_shared>>)
      tpu.yield
    }) : () -> ()
    "tpu.region"() ({
      %run_scoped3A_341 = tpu.sem_alloc : memref<!tpu.dma_semaphore, #tpu.memory_space<semaphore_mem>>
      %dma_start3A_342 = arith.constant 0 : i32
      %dma_start3A_343 = tpu.memref_slice %arg18[%add3A_23, %dma_start3A_342] : memref<10000x16xf32, #tpu.memory_space<vmem_shared>> -> memref<125x16xf32, #tpu.memory_space<vmem_shared>>
      %dma_start3A_344 = arith.constant 0 : i32
      %dma_start3A_345 = tpu.memref_slice %arg18[%add3A_23, %dma_start3A_344] : memref<10000x16xf32, #tpu.memory_space<vmem_shared>> -> memref<125x16xf32, #tpu.memory_space<vmem_shared>>
      tpu.enqueue_dma source(%arg16 : memref<125x16xf32, #tpu.memory_space<vmem>>) target(%dma_start3A_345 : memref<125x16xf32, #tpu.memory_space<vmem_shared>>) target_semaphore(%run_scoped3A_341 : memref<!tpu.dma_semaphore, #tpu.memory_space<semaphore_mem>>)
      %dma_wait3A_346 = arith.constant 0 : i32
      %dma_wait3A_347 = tpu.memref_slice %arg18[%add3A_23, %dma_wait3A_346] : memref<10000x16xf32, #tpu.memory_space<vmem_shared>> -> memref<125x16xf32, #tpu.memory_space<vmem_shared>>
      %dma_wait3A_348 = arith.constant 0 : i32
      %dma_wait3A_349 = tpu.memref_slice %arg18[%add3A_23, %dma_wait3A_348] : memref<10000x16xf32, #tpu.memory_space<vmem_shared>> -> memref<125x16xf32, #tpu.memory_space<vmem_shared>>
      tpu.wait_dma2 semaphore(%run_scoped3A_341 : memref<!tpu.dma_semaphore, #tpu.memory_space<semaphore_mem>>) src(%arg16 : memref<125x16xf32, #tpu.memory_space<vmem>>) dst(%dma_wait3A_349 : memref<125x16xf32, #tpu.memory_space<vmem_shared>>)
      tpu.yield
    }) : () -> ()
    %mul3A_24 = arith.constant 625 : i32
    %mul3A_25 = arith.muli %arg1, %mul3A_24 : i32
    %add3A_26 = arith.constant 250 : i32
    %add3A_27 = arith.addi %mul3A_25, %add3A_26 : i32
    "tpu.region"() ({
      %run_scoped3A_341 = tpu.sem_alloc : memref<!tpu.dma_semaphore, #tpu.memory_space<semaphore_mem>>
      %dma_start3A_342 = arith.constant 0 : i32
      %dma_start3A_343 = tpu.memref_slice %arg17[%add3A_27, %dma_start3A_342] : memref<10000x64xf32, #tpu.memory_space<vmem_shared>> -> memref<125x64xf32, #tpu.memory_space<vmem_shared>>
      %dma_start3A_344 = arith.constant 0 : i32
      %dma_start3A_345 = tpu.memref_slice %arg17[%add3A_27, %dma_start3A_344] : memref<10000x64xf32, #tpu.memory_space<vmem_shared>> -> memref<125x64xf32, #tpu.memory_space<vmem_shared>>
      tpu.enqueue_dma source(%arg15 : memref<125x64xf32, #tpu.memory_space<vmem>>) target(%dma_start3A_345 : memref<125x64xf32, #tpu.memory_space<vmem_shared>>) target_semaphore(%run_scoped3A_341 : memref<!tpu.dma_semaphore, #tpu.memory_space<semaphore_mem>>)
      %dma_wait3A_346 = arith.constant 0 : i32
      %dma_wait3A_347 = tpu.memref_slice %arg17[%add3A_27, %dma_wait3A_346] : memref<10000x64xf32, #tpu.memory_space<vmem_shared>> -> memref<125x64xf32, #tpu.memory_space<vmem_shared>>
      %dma_wait3A_348 = arith.constant 0 : i32
      %dma_wait3A_349 = tpu.memref_slice %arg17[%add3A_27, %dma_wait3A_348] : memref<10000x64xf32, #tpu.memory_space<vmem_shared>> -> memref<125x64xf32, #tpu.memory_space<vmem_shared>>
      tpu.wait_dma2 semaphore(%run_scoped3A_341 : memref<!tpu.dma_semaphore, #tpu.memory_space<semaphore_mem>>) src(%arg15 : memref<125x64xf32, #tpu.memory_space<vmem>>) dst(%dma_wait3A_349 : memref<125x64xf32, #tpu.memory_space<vmem_shared>>)
      tpu.yield
    }) : () -> ()
    "tpu.region"() ({
      %run_scoped3A_341 = tpu.sem_alloc : memref<!tpu.dma_semaphore, #tpu.memory_space<semaphore_mem>>
      %dma_start3A_342 = arith.constant 0 : i32
      %dma_start3A_343 = tpu.memref_slice %arg18[%add3A_27, %dma_start3A_342] : memref<10000x16xf32, #tpu.memory_space<vmem_shared>> -> memref<125x16xf32, #tpu.memory_space<vmem_shared>>
      %dma_start3A_344 = arith.constant 0 : i32
      %dma_start3A_345 = tpu.memref_slice %arg18[%add3A_27, %dma_start3A_344] : memref<10000x16xf32, #tpu.memory_space<vmem_shared>> -> memref<125x16xf32, #tpu.memory_space<vmem_shared>>
      tpu.enqueue_dma source(%arg16 : memref<125x16xf32, #tpu.memory_space<vmem>>) target(%dma_start3A_345 : memref<125x16xf32, #tpu.memory_space<vmem_shared>>) target_semaphore(%run_scoped3A_341 : memref<!tpu.dma_semaphore, #tpu.memory_space<semaphore_mem>>)
      %dma_wait3A_346 = arith.constant 0 : i32
      %dma_wait3A_347 = tpu.memref_slice %arg18[%add3A_27, %dma_wait3A_346] : memref<10000x16xf32, #tpu.memory_space<vmem_shared>> -> memref<125x16xf32, #tpu.memory_space<vmem_shared>>
      %dma_wait3A_348 = arith.constant 0 : i32
      %dma_wait3A_349 = tpu.memref_slice %arg18[%add3A_27, %dma_wait3A_348] : memref<10000x16xf32, #tpu.memory_space<vmem_shared>> -> memref<125x16xf32, #tpu.memory_space<vmem_shared>>
      tpu.wait_dma2 semaphore(%run_scoped3A_341 : memref<!tpu.dma_semaphore, #tpu.memory_space<semaphore_mem>>) src(%arg16 : memref<125x16xf32, #tpu.memory_space<vmem>>) dst(%dma_wait3A_349 : memref<125x16xf32, #tpu.memory_space<vmem_shared>>)
      tpu.yield
    }) : () -> ()
    %mul3A_28 = arith.constant 625 : i32
    %mul3A_29 = arith.muli %arg1, %mul3A_28 : i32
    %add3A_30 = arith.constant 375 : i32
    %add3A_31 = arith.addi %mul3A_29, %add3A_30 : i32
    "tpu.region"() ({
      %run_scoped3A_341 = tpu.sem_alloc : memref<!tpu.dma_semaphore, #tpu.memory_space<semaphore_mem>>
      %dma_start3A_342 = arith.constant 0 : i32
      %dma_start3A_343 = tpu.memref_slice %arg17[%add3A_31, %dma_start3A_342] : memref<10000x64xf32, #tpu.memory_space<vmem_shared>> -> memref<125x64xf32, #tpu.memory_space<vmem_shared>>
      %dma_start3A_344 = arith.constant 0 : i32
      %dma_start3A_345 = tpu.memref_slice %arg17[%add3A_31, %dma_start3A_344] : memref<10000x64xf32, #tpu.memory_space<vmem_shared>> -> memref<125x64xf32, #tpu.memory_space<vmem_shared>>
      tpu.enqueue_dma source(%arg15 : memref<125x64xf32, #tpu.memory_space<vmem>>) target(%dma_start3A_345 : memref<125x64xf32, #tpu.memory_space<vmem_shared>>) target_semaphore(%run_scoped3A_341 : memref<!tpu.dma_semaphore, #tpu.memory_space<semaphore_mem>>)
      %dma_wait3A_346 = arith.constant 0 : i32
      %dma_wait3A_347 = tpu.memref_slice %arg17[%add3A_31, %dma_wait3A_346] : memref<10000x64xf32, #tpu.memory_space<vmem_shared>> -> memref<125x64xf32, #tpu.memory_space<vmem_shared>>
      %dma_wait3A_348 = arith.constant 0 : i32
      %dma_wait3A_349 = tpu.memref_slice %arg17[%add3A_31, %dma_wait3A_348] : memref<10000x64xf32, #tpu.memory_space<vmem_shared>> -> memref<125x64xf32, #tpu.memory_space<vmem_shared>>
      tpu.wait_dma2 semaphore(%run_scoped3A_341 : memref<!tpu.dma_semaphore, #tpu.memory_space<semaphore_mem>>) src(%arg15 : memref<125x64xf32, #tpu.memory_space<vmem>>) dst(%dma_wait3A_349 : memref<125x64xf32, #tpu.memory_space<vmem_shared>>)
      tpu.yield
    }) : () -> ()
    "tpu.region"() ({
      %run_scoped3A_341 = tpu.sem_alloc : memref<!tpu.dma_semaphore, #tpu.memory_space<semaphore_mem>>
      %dma_start3A_342 = arith.constant 0 : i32
      %dma_start3A_343 = tpu.memref_slice %arg18[%add3A_31, %dma_start3A_342] : memref<10000x16xf32, #tpu.memory_space<vmem_shared>> -> memref<125x16xf32, #tpu.memory_space<vmem_shared>>
      %dma_start3A_344 = arith.constant 0 : i32
      %dma_start3A_345 = tpu.memref_slice %arg18[%add3A_31, %dma_start3A_344] : memref<10000x16xf32, #tpu.memory_space<vmem_shared>> -> memref<125x16xf32, #tpu.memory_space<vmem_shared>>
      tpu.enqueue_dma source(%arg16 : memref<125x16xf32, #tpu.memory_space<vmem>>) target(%dma_start3A_345 : memref<125x16xf32, #tpu.memory_space<vmem_shared>>) target_semaphore(%run_scoped3A_341 : memref<!tpu.dma_semaphore, #tpu.memory_space<semaphore_mem>>)
      %dma_wait3A_346 = arith.constant 0 : i32
      %dma_wait3A_347 = tpu.memref_slice %arg18[%add3A_31, %dma_wait3A_346] : memref<10000x16xf32, #tpu.memory_space<vmem_shared>> -> memref<125x16xf32, #tpu.memory_space<vmem_shared>>
      %dma_wait3A_348 = arith.constant 0 : i32
      %dma_wait3A_349 = tpu.memref_slice %arg18[%add3A_31, %dma_wait3A_348] : memref<10000x16xf32, #tpu.memory_space<vmem_shared>> -> memref<125x16xf32, #tpu.memory_space<vmem_shared>>
      tpu.wait_dma2 semaphore(%run_scoped3A_341 : memref<!tpu.dma_semaphore, #tpu.memory_space<semaphore_mem>>) src(%arg16 : memref<125x16xf32, #tpu.memory_space<vmem>>) dst(%dma_wait3A_349 : memref<125x16xf32, #tpu.memory_space<vmem_shared>>)
      tpu.yield
    }) : () -> ()
    %mul3A_32 = arith.constant 625 : i32
    %mul3A_33 = arith.muli %arg1, %mul3A_32 : i32
    %add3A_34 = arith.constant 500 : i32
    %add3A_35 = arith.addi %mul3A_33, %add3A_34 : i32
    "tpu.region"() ({
      %run_scoped3A_341 = tpu.sem_alloc : memref<!tpu.dma_semaphore, #tpu.memory_space<semaphore_mem>>
      %dma_start3A_342 = arith.constant 0 : i32
      %dma_start3A_343 = tpu.memref_slice %arg17[%add3A_35, %dma_start3A_342] : memref<10000x64xf32, #tpu.memory_space<vmem_shared>> -> memref<125x64xf32, #tpu.memory_space<vmem_shared>>
      %dma_start3A_344 = arith.constant 0 : i32
      %dma_start3A_345 = tpu.memref_slice %arg17[%add3A_35, %dma_start3A_344] : memref<10000x64xf32, #tpu.memory_space<vmem_shared>> -> memref<125x64xf32, #tpu.memory_space<vmem_shared>>
      tpu.enqueue_dma source(%arg15 : memref<125x64xf32, #tpu.memory_space<vmem>>) target(%dma_start3A_345 : memref<125x64xf32, #tpu.memory_space<vmem_shared>>) target_semaphore(%run_scoped3A_341 : memref<!tpu.dma_semaphore, #tpu.memory_space<semaphore_mem>>)
      %dma_wait3A_346 = arith.constant 0 : i32
      %dma_wait3A_347 = tpu.memref_slice %arg17[%add3A_35, %dma_wait3A_346] : memref<10000x64xf32, #tpu.memory_space<vmem_shared>> -> memref<125x64xf32, #tpu.memory_space<vmem_shared>>
      %dma_wait3A_348 = arith.constant 0 : i32
      %dma_wait3A_349 = tpu.memref_slice %arg17[%add3A_35, %dma_wait3A_348] : memref<10000x64xf32, #tpu.memory_space<vmem_shared>> -> memref<125x64xf32, #tpu.memory_space<vmem_shared>>
      tpu.wait_dma2 semaphore(%run_scoped3A_341 : memref<!tpu.dma_semaphore, #tpu.memory_space<semaphore_mem>>) src(%arg15 : memref<125x64xf32, #tpu.memory_space<vmem>>) dst(%dma_wait3A_349 : memref<125x64xf32, #tpu.memory_space<vmem_shared>>)
      tpu.yield
    }) : () -> ()
    "tpu.region"() ({
      %run_scoped3A_341 = tpu.sem_alloc : memref<!tpu.dma_semaphore, #tpu.memory_space<semaphore_mem>>
      %dma_start3A_342 = arith.constant 0 : i32
      %dma_start3A_343 = tpu.memref_slice %arg18[%add3A_35, %dma_start3A_342] : memref<10000x16xf32, #tpu.memory_space<vmem_shared>> -> memref<125x16xf32, #tpu.memory_space<vmem_shared>>
      %dma_start3A_344 = arith.constant 0 : i32
      %dma_start3A_345 = tpu.memref_slice %arg18[%add3A_35, %dma_start3A_344] : memref<10000x16xf32, #tpu.memory_space<vmem_shared>> -> memref<125x16xf32, #tpu.memory_space<vmem_shared>>
      tpu.enqueue_dma source(%arg16 : memref<125x16xf32, #tpu.memory_space<vmem>>) target(%dma_start3A_345 : memref<125x16xf32, #tpu.memory_space<vmem_shared>>) target_semaphore(%run_scoped3A_341 : memref<!tpu.dma_semaphore, #tpu.memory_space<semaphore_mem>>)
      %dma_wait3A_346 = arith.constant 0 : i32
      %dma_wait3A_347 = tpu.memref_slice %arg18[%add3A_35, %dma_wait3A_346] : memref<10000x16xf32, #tpu.memory_space<vmem_shared>> -> memref<125x16xf32, #tpu.memory_space<vmem_shared>>
      %dma_wait3A_348 = arith.constant 0 : i32
      %dma_wait3A_349 = tpu.memref_slice %arg18[%add3A_35, %dma_wait3A_348] : memref<10000x16xf32, #tpu.memory_space<vmem_shared>> -> memref<125x16xf32, #tpu.memory_space<vmem_shared>>
      tpu.wait_dma2 semaphore(%run_scoped3A_341 : memref<!tpu.dma_semaphore, #tpu.memory_space<semaphore_mem>>) src(%arg16 : memref<125x16xf32, #tpu.memory_space<vmem>>) dst(%dma_wait3A_349 : memref<125x16xf32, #tpu.memory_space<vmem_shared>>)
      tpu.yield
    }) : () -> ()
    %barrier3A = arith.constant 0 : index
    tpu.barrier barrier_id(%barrier3A)
    %dma_start3A = arith.constant 0 : i32
    %dma_start3A_36 = arith.constant 0 : i32
    %dma_start3A_37 = tpu.memref_slice %arg6[%dma_start3A, %dma_start3A_36] : memref<80x125xi32, #tpu.memory_space<vmem>> -> memref<1x125xi32, #tpu.memory_space<vmem>>
    %dma_start3A_38 = tpu.memref_squeeze %dma_start3A_37 : memref<1x125xi32, #tpu.memory_space<vmem>> -> memref<125xi32, #tpu.memory_space<vmem>>
    %dma_start3A_39 = arith.constant 0 : i32
    %dma_start3A_40 = arith.constant 0 : i32
    %dma_start3A_41 = tpu.memref_slice %arg2[%dma_start3A_39, %dma_start3A_40] : memref<20000x64xf32, #tpu.memory_space<hbm>> -> memref<19999x64xf32, #tpu.memory_space<hbm>>
    %dma_start3A_42 = arith.constant 0 : i32
    %dma_start3A_43 = arith.constant 0 : i32
    %dma_start3A_44 = tpu.memref_slice %dma_start3A_41[%dma_start3A_42, %dma_start3A_43] : memref<19999x64xf32, #tpu.memory_space<hbm>> -> memref<19999x64xf32, #tpu.memory_space<hbm>>
    tpu.enqueue_indirect_dma source(%dma_start3A_44 : memref<19999x64xf32, #tpu.memory_space<hbm>>) target(%arg8 : memref<125x64xf32, #tpu.memory_space<vmem>>) offsets(%dma_start3A_38 : memref<125xi32, #tpu.memory_space<vmem>>) semaphore(%arg19 : memref<!tpu.dma_semaphore, #tpu.memory_space<semaphore_mem>>)
    %dma_start3A_45 = arith.constant 1 : i32
    %dma_start3A_46 = arith.constant 0 : i32
    %dma_start3A_47 = tpu.memref_slice %arg6[%dma_start3A_45, %dma_start3A_46] : memref<80x125xi32, #tpu.memory_space<vmem>> -> memref<1x125xi32, #tpu.memory_space<vmem>>
    %dma_start3A_48 = tpu.memref_squeeze %dma_start3A_47 : memref<1x125xi32, #tpu.memory_space<vmem>> -> memref<125xi32, #tpu.memory_space<vmem>>
    %dma_start3A_49 = arith.constant 0 : i32
    %dma_start3A_50 = arith.constant 0 : i32
    %dma_start3A_51 = tpu.memref_slice %arg2[%dma_start3A_49, %dma_start3A_50] : memref<20000x64xf32, #tpu.memory_space<hbm>> -> memref<19999x64xf32, #tpu.memory_space<hbm>>
    %dma_start3A_52 = arith.constant 0 : i32
    %dma_start3A_53 = arith.constant 0 : i32
    %dma_start3A_54 = tpu.memref_slice %dma_start3A_51[%dma_start3A_52, %dma_start3A_53] : memref<19999x64xf32, #tpu.memory_space<hbm>> -> memref<19999x64xf32, #tpu.memory_space<hbm>>
    tpu.enqueue_indirect_dma source(%dma_start3A_54 : memref<19999x64xf32, #tpu.memory_space<hbm>>) target(%arg9 : memref<125x64xf32, #tpu.memory_space<vmem>>) offsets(%dma_start3A_48 : memref<125xi32, #tpu.memory_space<vmem>>) semaphore(%arg20 : memref<!tpu.dma_semaphore, #tpu.memory_space<semaphore_mem>>)
    %dma_start3A_55 = arith.constant 2 : i32
    %dma_start3A_56 = arith.constant 0 : i32
    %dma_start3A_57 = tpu.memref_slice %arg6[%dma_start3A_55, %dma_start3A_56] : memref<80x125xi32, #tpu.memory_space<vmem>> -> memref<1x125xi32, #tpu.memory_space<vmem>>
    %dma_start3A_58 = tpu.memref_squeeze %dma_start3A_57 : memref<1x125xi32, #tpu.memory_space<vmem>> -> memref<125xi32, #tpu.memory_space<vmem>>
    %dma_start3A_59 = arith.constant 0 : i32
    %dma_start3A_60 = arith.constant 0 : i32
    %dma_start3A_61 = tpu.memref_slice %arg2[%dma_start3A_59, %dma_start3A_60] : memref<20000x64xf32, #tpu.memory_space<hbm>> -> memref<19999x64xf32, #tpu.memory_space<hbm>>
    %dma_start3A_62 = arith.constant 0 : i32
    %dma_start3A_63 = arith.constant 0 : i32
    %dma_start3A_64 = tpu.memref_slice %dma_start3A_61[%dma_start3A_62, %dma_start3A_63] : memref<19999x64xf32, #tpu.memory_space<hbm>> -> memref<19999x64xf32, #tpu.memory_space<hbm>>
    tpu.enqueue_indirect_dma source(%dma_start3A_64 : memref<19999x64xf32, #tpu.memory_space<hbm>>) target(%arg10 : memref<125x64xf32, #tpu.memory_space<vmem>>) offsets(%dma_start3A_58 : memref<125xi32, #tpu.memory_space<vmem>>) semaphore(%arg21 : memref<!tpu.dma_semaphore, #tpu.memory_space<semaphore_mem>>)
    %dma_start3A_65 = arith.constant 3 : i32
    %dma_start3A_66 = arith.constant 0 : i32
    %dma_start3A_67 = tpu.memref_slice %arg6[%dma_start3A_65, %dma_start3A_66] : memref<80x125xi32, #tpu.memory_space<vmem>> -> memref<1x125xi32, #tpu.memory_space<vmem>>
    %dma_start3A_68 = tpu.memref_squeeze %dma_start3A_67 : memref<1x125xi32, #tpu.memory_space<vmem>> -> memref<125xi32, #tpu.memory_space<vmem>>
    %dma_start3A_69 = arith.constant 0 : i32
    %dma_start3A_70 = arith.constant 0 : i32
    %dma_start3A_71 = tpu.memref_slice %arg2[%dma_start3A_69, %dma_start3A_70] : memref<20000x64xf32, #tpu.memory_space<hbm>> -> memref<19999x64xf32, #tpu.memory_space<hbm>>
    %dma_start3A_72 = arith.constant 0 : i32
    %dma_start3A_73 = arith.constant 0 : i32
    %dma_start3A_74 = tpu.memref_slice %dma_start3A_71[%dma_start3A_72, %dma_start3A_73] : memref<19999x64xf32, #tpu.memory_space<hbm>> -> memref<19999x64xf32, #tpu.memory_space<hbm>>
    tpu.enqueue_indirect_dma source(%dma_start3A_74 : memref<19999x64xf32, #tpu.memory_space<hbm>>) target(%arg11 : memref<125x64xf32, #tpu.memory_space<vmem>>) offsets(%dma_start3A_68 : memref<125xi32, #tpu.memory_space<vmem>>) semaphore(%arg22 : memref<!tpu.dma_semaphore, #tpu.memory_space<semaphore_mem>>)
    %scan3A_75 = arith.constant 0 : i32
    %scan3A_76 = arith.constant 13 : i32
    %scan3A_77 = arith.addi %scan3A_75, %scan3A_76 : i32
    %scan3A_78 = arith.constant 1 : i32
    scf.for %scan3A_341 = %scan3A_75 to %scan3A_77 step %scan3A_78  : i32 {
      %mul3A_342 = arith.constant 1 : i32
      %mul3A_343 = arith.muli %scan3A_341, %mul3A_342 : i32
      %add3A_344 = arith.constant 0 : i32
      %add3A_345 = arith.addi %add3A_344, %mul3A_343 : i32
      %mul3A_346 = arith.constant 6 : i32
      %mul3A_347 = arith.muli %mul3A_346, %add3A_345 : i32
      %add3A_348 = arith.constant 0 : i32
      %add3A_349 = arith.addi %mul3A_347, %add3A_348 : i32
      %eq3A = arith.constant 0 : i32
      %eq3A_350 = arith.cmpi eq, %add3A_345, %eq3A : i32
      %dma_wait3A_351 = arith.constant 0 : i32
      %dma_wait3A_352 = tpu.memref_slice %arg6[%add3A_349, %dma_wait3A_351] : memref<80x125xi32, #tpu.memory_space<vmem>> -> memref<1x125xi32, #tpu.memory_space<vmem>>
      %dma_wait3A_353 = tpu.memref_squeeze %dma_wait3A_352 : memref<1x125xi32, #tpu.memory_space<vmem>> -> memref<125xi32, #tpu.memory_space<vmem>>
      %dma_wait3A_354 = arith.constant 0 : i32
      %dma_wait3A_355 = arith.constant 0 : i32
      %dma_wait3A_356 = tpu.memref_slice %arg2[%dma_wait3A_354, %dma_wait3A_355] : memref<20000x64xf32, #tpu.memory_space<hbm>> -> memref<19999x64xf32, #tpu.memory_space<hbm>>
      %dma_wait3A_357 = arith.constant 0 : i32
      %dma_wait3A_358 = arith.constant 0 : i32
      %dma_wait3A_359 = tpu.memref_slice %dma_wait3A_356[%dma_wait3A_357, %dma_wait3A_358] : memref<19999x64xf32, #tpu.memory_space<hbm>> -> memref<19999x64xf32, #tpu.memory_space<hbm>>
      tpu.wait_indirect_dma semaphore(%arg19 : memref<!tpu.dma_semaphore, #tpu.memory_space<semaphore_mem>>) src(%dma_wait3A_359 : memref<19999x64xf32, #tpu.memory_space<hbm>>) dst(%arg8 : memref<125x64xf32, #tpu.memory_space<vmem>>)
      %dma_start3A_360 = arith.constant 0 : i32
      %dma_start3A_361 = tpu.memref_slice %arg7[%add3A_349, %dma_start3A_360] : memref<80x125xi32, #tpu.memory_space<vmem>> -> memref<1x125xi32, #tpu.memory_space<vmem>>
      %dma_start3A_362 = tpu.memref_squeeze %dma_start3A_361 : memref<1x125xi32, #tpu.memory_space<vmem>> -> memref<125xi32, #tpu.memory_space<vmem>>
      %dma_start3A_363 = arith.constant 0 : i32
      %dma_start3A_364 = arith.constant 0 : i32
      %dma_start3A_365 = tpu.memref_slice %arg17[%dma_start3A_363, %dma_start3A_364] : memref<10000x64xf32, #tpu.memory_space<vmem_shared>> -> memref<10000x64xf32, #tpu.memory_space<vmem_shared>>
      tpu.enqueue_indirect_dma source(%arg8 : memref<125x64xf32, #tpu.memory_space<vmem>>) target(%dma_start3A_365 : memref<10000x64xf32, #tpu.memory_space<vmem_shared>>) offsets(%dma_start3A_362 : memref<125xi32, #tpu.memory_space<vmem>>) semaphore(%arg19 : memref<!tpu.dma_semaphore, #tpu.memory_space<semaphore_mem>>) {add = true}
      %dma_start3A_366 = arith.constant 0 : i32
      %dma_start3A_367 = tpu.memref_slice %arg7[%add3A_349, %dma_start3A_366] : memref<80x125xi32, #tpu.memory_space<vmem>> -> memref<1x125xi32, #tpu.memory_space<vmem>>
      %dma_start3A_368 = tpu.memref_squeeze %dma_start3A_367 : memref<1x125xi32, #tpu.memory_space<vmem>> -> memref<125xi32, #tpu.memory_space<vmem>>
      %dma_start3A_369 = arith.constant 0 : i32
      %dma_start3A_370 = arith.constant 0 : i32
      %dma_start3A_371 = tpu.memref_slice %arg18[%dma_start3A_369, %dma_start3A_370] : memref<10000x16xf32, #tpu.memory_space<vmem_shared>> -> memref<10000x16xf32, #tpu.memory_space<vmem_shared>>
      tpu.enqueue_indirect_dma source(%arg14 : memref<125x16xf32, #tpu.memory_space<vmem>>) target(%dma_start3A_371 : memref<10000x16xf32, #tpu.memory_space<vmem_shared>>) offsets(%dma_start3A_368 : memref<125xi32, #tpu.memory_space<vmem>>) semaphore(%arg25 : memref<!tpu.dma_semaphore, #tpu.memory_space<semaphore_mem>>) {add = true}
      %not3A_372 = arith.constant true
      %not3A_373 = arith.xori %eq3A_350, %not3A_372 : i1
      %convert_element_type3A_374 = arith.extui %not3A_373 : i1 to i32
      %cond3A_375 = arith.constant 0 : i32
      %cond3A_376 = arith.cmpi ne, %convert_element_type3A_374, %cond3A_375 : i32
      scf.if %cond3A_376 {
        %dma_wait3A_594 = arith.constant 0 : i32
        %dma_wait3A_595 = tpu.memref_slice %arg6[%add3A_349, %dma_wait3A_594] : memref<80x125xi32, #tpu.memory_space<vmem>> -> memref<1x125xi32, #tpu.memory_space<vmem>>
        %dma_wait3A_596 = tpu.memref_squeeze %dma_wait3A_595 : memref<1x125xi32, #tpu.memory_space<vmem>> -> memref<125xi32, #tpu.memory_space<vmem>>
        %dma_wait3A_597 = arith.constant 0 : i32
        %dma_wait3A_598 = arith.constant 0 : i32
        %dma_wait3A_599 = tpu.memref_slice %arg2[%dma_wait3A_597, %dma_wait3A_598] : memref<20000x64xf32, #tpu.memory_space<hbm>> -> memref<19999x64xf32, #tpu.memory_space<hbm>>
        %dma_wait3A_600 = arith.constant 0 : i32
        %dma_wait3A_601 = arith.constant 0 : i32
        %dma_wait3A_602 = tpu.memref_slice %dma_wait3A_599[%dma_wait3A_600, %dma_wait3A_601] : memref<19999x64xf32, #tpu.memory_space<hbm>> -> memref<19999x64xf32, #tpu.memory_space<hbm>>
        tpu.wait_indirect_dma semaphore(%arg23 : memref<!tpu.dma_semaphore, #tpu.memory_space<semaphore_mem>>) src(%dma_wait3A_602 : memref<19999x64xf32, #tpu.memory_space<hbm>>) dst(%arg12 : memref<125x64xf32, #tpu.memory_space<vmem>>)
      } else {
      }
      %add3A_377 = arith.constant 4 : i32
      %add3A_378 = arith.addi %add3A_349, %add3A_377 : i32
      %lt3A = arith.constant 80 : i32
      %lt3A_379 = arith.cmpi slt, %add3A_378, %lt3A : i32
      %convert_element_type3A_380 = arith.extui %lt3A_379 : i1 to i32
      %cond3A_381 = arith.constant 0 : i32
      %cond3A_382 = arith.cmpi ne, %convert_element_type3A_380, %cond3A_381 : i32
      scf.if %cond3A_382 {
        %add3A_594 = arith.constant 4 : i32
        %add3A_595 = arith.addi %add3A_349, %add3A_594 : i32
        %dma_start3A_596 = arith.constant 0 : i32
        %dma_start3A_597 = tpu.memref_slice %arg6[%add3A_595, %dma_start3A_596] : memref<80x125xi32, #tpu.memory_space<vmem>> -> memref<1x125xi32, #tpu.memory_space<vmem>>
        %dma_start3A_598 = tpu.memref_squeeze %dma_start3A_597 : memref<1x125xi32, #tpu.memory_space<vmem>> -> memref<125xi32, #tpu.memory_space<vmem>>
        %dma_start3A_599 = arith.constant 0 : i32
        %dma_start3A_600 = arith.constant 0 : i32
        %dma_start3A_601 = tpu.memref_slice %arg2[%dma_start3A_599, %dma_start3A_600] : memref<20000x64xf32, #tpu.memory_space<hbm>> -> memref<19999x64xf32, #tpu.memory_space<hbm>>
        %dma_start3A_602 = arith.constant 0 : i32
        %dma_start3A_603 = arith.constant 0 : i32
        %dma_start3A_604 = tpu.memref_slice %dma_start3A_601[%dma_start3A_602, %dma_start3A_603] : memref<19999x64xf32, #tpu.memory_space<hbm>> -> memref<19999x64xf32, #tpu.memory_space<hbm>>
        tpu.enqueue_indirect_dma source(%dma_start3A_604 : memref<19999x64xf32, #tpu.memory_space<hbm>>) target(%arg12 : memref<125x64xf32, #tpu.memory_space<vmem>>) offsets(%dma_start3A_598 : memref<125xi32, #tpu.memory_space<vmem>>) semaphore(%arg23 : memref<!tpu.dma_semaphore, #tpu.memory_space<semaphore_mem>>)
      } else {
      }
      %mul3A_383 = arith.constant 6 : i32
      %mul3A_384 = arith.muli %mul3A_383, %add3A_345 : i32
      %add3A_385 = arith.constant 1 : i32
      %add3A_386 = arith.addi %mul3A_384, %add3A_385 : i32
      %eq3A_387 = arith.constant 0 : i32
      %eq3A_388 = arith.cmpi eq, %add3A_345, %eq3A_387 : i32
      %dma_wait3A_389 = arith.constant 0 : i32
      %dma_wait3A_390 = tpu.memref_slice %arg6[%add3A_386, %dma_wait3A_389] : memref<80x125xi32, #tpu.memory_space<vmem>> -> memref<1x125xi32, #tpu.memory_space<vmem>>
      %dma_wait3A_391 = tpu.memref_squeeze %dma_wait3A_390 : memref<1x125xi32, #tpu.memory_space<vmem>> -> memref<125xi32, #tpu.memory_space<vmem>>
      %dma_wait3A_392 = arith.constant 0 : i32
      %dma_wait3A_393 = arith.constant 0 : i32
      %dma_wait3A_394 = tpu.memref_slice %arg2[%dma_wait3A_392, %dma_wait3A_393] : memref<20000x64xf32, #tpu.memory_space<hbm>> -> memref<19999x64xf32, #tpu.memory_space<hbm>>
      %dma_wait3A_395 = arith.constant 0 : i32
      %dma_wait3A_396 = arith.constant 0 : i32
      %dma_wait3A_397 = tpu.memref_slice %dma_wait3A_394[%dma_wait3A_395, %dma_wait3A_396] : memref<19999x64xf32, #tpu.memory_space<hbm>> -> memref<19999x64xf32, #tpu.memory_space<hbm>>
      tpu.wait_indirect_dma semaphore(%arg20 : memref<!tpu.dma_semaphore, #tpu.memory_space<semaphore_mem>>) src(%dma_wait3A_397 : memref<19999x64xf32, #tpu.memory_space<hbm>>) dst(%arg9 : memref<125x64xf32, #tpu.memory_space<vmem>>)
      %dma_start3A_398 = arith.constant 0 : i32
      %dma_start3A_399 = tpu.memref_slice %arg7[%add3A_386, %dma_start3A_398] : memref<80x125xi32, #tpu.memory_space<vmem>> -> memref<1x125xi32, #tpu.memory_space<vmem>>
      %dma_start3A_400 = tpu.memref_squeeze %dma_start3A_399 : memref<1x125xi32, #tpu.memory_space<vmem>> -> memref<125xi32, #tpu.memory_space<vmem>>
      %dma_start3A_401 = arith.constant 0 : i32
      %dma_start3A_402 = arith.constant 0 : i32
      %dma_start3A_403 = tpu.memref_slice %arg17[%dma_start3A_401, %dma_start3A_402] : memref<10000x64xf32, #tpu.memory_space<vmem_shared>> -> memref<10000x64xf32, #tpu.memory_space<vmem_shared>>
      tpu.enqueue_indirect_dma source(%arg9 : memref<125x64xf32, #tpu.memory_space<vmem>>) target(%dma_start3A_403 : memref<10000x64xf32, #tpu.memory_space<vmem_shared>>) offsets(%dma_start3A_400 : memref<125xi32, #tpu.memory_space<vmem>>) semaphore(%arg20 : memref<!tpu.dma_semaphore, #tpu.memory_space<semaphore_mem>>) {add = true}
      %dma_start3A_404 = arith.constant 0 : i32
      %dma_start3A_405 = tpu.memref_slice %arg7[%add3A_386, %dma_start3A_404] : memref<80x125xi32, #tpu.memory_space<vmem>> -> memref<1x125xi32, #tpu.memory_space<vmem>>
      %dma_start3A_406 = tpu.memref_squeeze %dma_start3A_405 : memref<1x125xi32, #tpu.memory_space<vmem>> -> memref<125xi32, #tpu.memory_space<vmem>>
      %dma_start3A_407 = arith.constant 0 : i32
      %dma_start3A_408 = arith.constant 0 : i32
      %dma_start3A_409 = tpu.memref_slice %arg18[%dma_start3A_407, %dma_start3A_408] : memref<10000x16xf32, #tpu.memory_space<vmem_shared>> -> memref<10000x16xf32, #tpu.memory_space<vmem_shared>>
      tpu.enqueue_indirect_dma source(%arg14 : memref<125x16xf32, #tpu.memory_space<vmem>>) target(%dma_start3A_409 : memref<10000x16xf32, #tpu.memory_space<vmem_shared>>) offsets(%dma_start3A_406 : memref<125xi32, #tpu.memory_space<vmem>>) semaphore(%arg25 : memref<!tpu.dma_semaphore, #tpu.memory_space<semaphore_mem>>) {add = true}
      %not3A_410 = arith.constant true
      %not3A_411 = arith.xori %eq3A_388, %not3A_410 : i1
      %convert_element_type3A_412 = arith.extui %not3A_411 : i1 to i32
      %cond3A_413 = arith.constant 0 : i32
      %cond3A_414 = arith.cmpi ne, %convert_element_type3A_412, %cond3A_413 : i32
      scf.if %cond3A_414 {
        %dma_wait3A_594 = arith.constant 0 : i32
        %dma_wait3A_595 = tpu.memref_slice %arg6[%add3A_386, %dma_wait3A_594] : memref<80x125xi32, #tpu.memory_space<vmem>> -> memref<1x125xi32, #tpu.memory_space<vmem>>
        %dma_wait3A_596 = tpu.memref_squeeze %dma_wait3A_595 : memref<1x125xi32, #tpu.memory_space<vmem>> -> memref<125xi32, #tpu.memory_space<vmem>>
        %dma_wait3A_597 = arith.constant 0 : i32
        %dma_wait3A_598 = arith.constant 0 : i32
        %dma_wait3A_599 = tpu.memref_slice %arg2[%dma_wait3A_597, %dma_wait3A_598] : memref<20000x64xf32, #tpu.memory_space<hbm>> -> memref<19999x64xf32, #tpu.memory_space<hbm>>
        %dma_wait3A_600 = arith.constant 0 : i32
        %dma_wait3A_601 = arith.constant 0 : i32
        %dma_wait3A_602 = tpu.memref_slice %dma_wait3A_599[%dma_wait3A_600, %dma_wait3A_601] : memref<19999x64xf32, #tpu.memory_space<hbm>> -> memref<19999x64xf32, #tpu.memory_space<hbm>>
        tpu.wait_indirect_dma semaphore(%arg24 : memref<!tpu.dma_semaphore, #tpu.memory_space<semaphore_mem>>) src(%dma_wait3A_602 : memref<19999x64xf32, #tpu.memory_space<hbm>>) dst(%arg13 : memref<125x64xf32, #tpu.memory_space<vmem>>)
      } else {
      }
      %add3A_415 = arith.constant 4 : i32
      %add3A_416 = arith.addi %add3A_386, %add3A_415 : i32
      %lt3A_417 = arith.constant 80 : i32
      %lt3A_418 = arith.cmpi slt, %add3A_416, %lt3A_417 : i32
      %convert_element_type3A_419 = arith.extui %lt3A_418 : i1 to i32
      %cond3A_420 = arith.constant 0 : i32
      %cond3A_421 = arith.cmpi ne, %convert_element_type3A_419, %cond3A_420 : i32
      scf.if %cond3A_421 {
        %add3A_594 = arith.constant 4 : i32
        %add3A_595 = arith.addi %add3A_386, %add3A_594 : i32
        %dma_start3A_596 = arith.constant 0 : i32
        %dma_start3A_597 = tpu.memref_slice %arg6[%add3A_595, %dma_start3A_596] : memref<80x125xi32, #tpu.memory_space<vmem>> -> memref<1x125xi32, #tpu.memory_space<vmem>>
        %dma_start3A_598 = tpu.memref_squeeze %dma_start3A_597 : memref<1x125xi32, #tpu.memory_space<vmem>> -> memref<125xi32, #tpu.memory_space<vmem>>
        %dma_start3A_599 = arith.constant 0 : i32
        %dma_start3A_600 = arith.constant 0 : i32
        %dma_start3A_601 = tpu.memref_slice %arg2[%dma_start3A_599, %dma_start3A_600] : memref<20000x64xf32, #tpu.memory_space<hbm>> -> memref<19999x64xf32, #tpu.memory_space<hbm>>
        %dma_start3A_602 = arith.constant 0 : i32
        %dma_start3A_603 = arith.constant 0 : i32
        %dma_start3A_604 = tpu.memref_slice %dma_start3A_601[%dma_start3A_602, %dma_start3A_603] : memref<19999x64xf32, #tpu.memory_space<hbm>> -> memref<19999x64xf32, #tpu.memory_space<hbm>>
        tpu.enqueue_indirect_dma source(%dma_start3A_604 : memref<19999x64xf32, #tpu.memory_space<hbm>>) target(%arg13 : memref<125x64xf32, #tpu.memory_space<vmem>>) offsets(%dma_start3A_598 : memref<125xi32, #tpu.memory_space<vmem>>) semaphore(%arg24 : memref<!tpu.dma_semaphore, #tpu.memory_space<semaphore_mem>>)
      } else {
      }
      %mul3A_422 = arith.constant 6 : i32
      %mul3A_423 = arith.muli %mul3A_422, %add3A_345 : i32
      %add3A_424 = arith.constant 2 : i32
      %add3A_425 = arith.addi %mul3A_423, %add3A_424 : i32
      %eq3A_426 = arith.constant 0 : i32
      %eq3A_427 = arith.cmpi eq, %add3A_345, %eq3A_426 : i32
      %dma_wait3A_428 = arith.constant 0 : i32
      %dma_wait3A_429 = tpu.memref_slice %arg6[%add3A_425, %dma_wait3A_428] : memref<80x125xi32, #tpu.memory_space<vmem>> -> memref<1x125xi32, #tpu.memory_space<vmem>>
      %dma_wait3A_430 = tpu.memref_squeeze %dma_wait3A_429 : memref<1x125xi32, #tpu.memory_space<vmem>> -> memref<125xi32, #tpu.memory_space<vmem>>
      %dma_wait3A_431 = arith.constant 0 : i32
      %dma_wait3A_432 = arith.constant 0 : i32
      %dma_wait3A_433 = tpu.memref_slice %arg2[%dma_wait3A_431, %dma_wait3A_432] : memref<20000x64xf32, #tpu.memory_space<hbm>> -> memref<19999x64xf32, #tpu.memory_space<hbm>>
      %dma_wait3A_434 = arith.constant 0 : i32
      %dma_wait3A_435 = arith.constant 0 : i32
      %dma_wait3A_436 = tpu.memref_slice %dma_wait3A_433[%dma_wait3A_434, %dma_wait3A_435] : memref<19999x64xf32, #tpu.memory_space<hbm>> -> memref<19999x64xf32, #tpu.memory_space<hbm>>
      tpu.wait_indirect_dma semaphore(%arg21 : memref<!tpu.dma_semaphore, #tpu.memory_space<semaphore_mem>>) src(%dma_wait3A_436 : memref<19999x64xf32, #tpu.memory_space<hbm>>) dst(%arg10 : memref<125x64xf32, #tpu.memory_space<vmem>>)
      %dma_start3A_437 = arith.constant 0 : i32
      %dma_start3A_438 = tpu.memref_slice %arg7[%add3A_425, %dma_start3A_437] : memref<80x125xi32, #tpu.memory_space<vmem>> -> memref<1x125xi32, #tpu.memory_space<vmem>>
      %dma_start3A_439 = tpu.memref_squeeze %dma_start3A_438 : memref<1x125xi32, #tpu.memory_space<vmem>> -> memref<125xi32, #tpu.memory_space<vmem>>
      %dma_start3A_440 = arith.constant 0 : i32
      %dma_start3A_441 = arith.constant 0 : i32
      %dma_start3A_442 = tpu.memref_slice %arg17[%dma_start3A_440, %dma_start3A_441] : memref<10000x64xf32, #tpu.memory_space<vmem_shared>> -> memref<10000x64xf32, #tpu.memory_space<vmem_shared>>
      tpu.enqueue_indirect_dma source(%arg10 : memref<125x64xf32, #tpu.memory_space<vmem>>) target(%dma_start3A_442 : memref<10000x64xf32, #tpu.memory_space<vmem_shared>>) offsets(%dma_start3A_439 : memref<125xi32, #tpu.memory_space<vmem>>) semaphore(%arg21 : memref<!tpu.dma_semaphore, #tpu.memory_space<semaphore_mem>>) {add = true}
      %dma_start3A_443 = arith.constant 0 : i32
      %dma_start3A_444 = tpu.memref_slice %arg7[%add3A_425, %dma_start3A_443] : memref<80x125xi32, #tpu.memory_space<vmem>> -> memref<1x125xi32, #tpu.memory_space<vmem>>
      %dma_start3A_445 = tpu.memref_squeeze %dma_start3A_444 : memref<1x125xi32, #tpu.memory_space<vmem>> -> memref<125xi32, #tpu.memory_space<vmem>>
      %dma_start3A_446 = arith.constant 0 : i32
      %dma_start3A_447 = arith.constant 0 : i32
      %dma_start3A_448 = tpu.memref_slice %arg18[%dma_start3A_446, %dma_start3A_447] : memref<10000x16xf32, #tpu.memory_space<vmem_shared>> -> memref<10000x16xf32, #tpu.memory_space<vmem_shared>>
      tpu.enqueue_indirect_dma source(%arg14 : memref<125x16xf32, #tpu.memory_space<vmem>>) target(%dma_start3A_448 : memref<10000x16xf32, #tpu.memory_space<vmem_shared>>) offsets(%dma_start3A_445 : memref<125xi32, #tpu.memory_space<vmem>>) semaphore(%arg25 : memref<!tpu.dma_semaphore, #tpu.memory_space<semaphore_mem>>) {add = true}
      %dma_wait3A_449 = arith.constant 0 : i32
      %dma_wait3A_450 = tpu.memref_slice %arg6[%add3A_425, %dma_wait3A_449] : memref<80x125xi32, #tpu.memory_space<vmem>> -> memref<1x125xi32, #tpu.memory_space<vmem>>
      %dma_wait3A_451 = tpu.memref_squeeze %dma_wait3A_450 : memref<1x125xi32, #tpu.memory_space<vmem>> -> memref<125xi32, #tpu.memory_space<vmem>>
      %dma_wait3A_452 = arith.constant 0 : i32
      %dma_wait3A_453 = arith.constant 0 : i32
      %dma_wait3A_454 = tpu.memref_slice %arg2[%dma_wait3A_452, %dma_wait3A_453] : memref<20000x64xf32, #tpu.memory_space<hbm>> -> memref<19999x64xf32, #tpu.memory_space<hbm>>
      %dma_wait3A_455 = arith.constant 0 : i32
      %dma_wait3A_456 = arith.constant 0 : i32
      %dma_wait3A_457 = tpu.memref_slice %dma_wait3A_454[%dma_wait3A_455, %dma_wait3A_456] : memref<19999x64xf32, #tpu.memory_space<hbm>> -> memref<19999x64xf32, #tpu.memory_space<hbm>>
      tpu.wait_indirect_dma semaphore(%arg19 : memref<!tpu.dma_semaphore, #tpu.memory_space<semaphore_mem>>) src(%dma_wait3A_457 : memref<19999x64xf32, #tpu.memory_space<hbm>>) dst(%arg8 : memref<125x64xf32, #tpu.memory_space<vmem>>)
      %add3A_458 = arith.constant 4 : i32
      %add3A_459 = arith.addi %add3A_425, %add3A_458 : i32
      %lt3A_460 = arith.constant 80 : i32
      %lt3A_461 = arith.cmpi slt, %add3A_459, %lt3A_460 : i32
      %convert_element_type3A_462 = arith.extui %lt3A_461 : i1 to i32
      %cond3A_463 = arith.constant 0 : i32
      %cond3A_464 = arith.cmpi ne, %convert_element_type3A_462, %cond3A_463 : i32
      scf.if %cond3A_464 {
        %add3A_594 = arith.constant 4 : i32
        %add3A_595 = arith.addi %add3A_425, %add3A_594 : i32
        %dma_start3A_596 = arith.constant 0 : i32
        %dma_start3A_597 = tpu.memref_slice %arg6[%add3A_595, %dma_start3A_596] : memref<80x125xi32, #tpu.memory_space<vmem>> -> memref<1x125xi32, #tpu.memory_space<vmem>>
        %dma_start3A_598 = tpu.memref_squeeze %dma_start3A_597 : memref<1x125xi32, #tpu.memory_space<vmem>> -> memref<125xi32, #tpu.memory_space<vmem>>
        %dma_start3A_599 = arith.constant 0 : i32
        %dma_start3A_600 = arith.constant 0 : i32
        %dma_start3A_601 = tpu.memref_slice %arg2[%dma_start3A_599, %dma_start3A_600] : memref<20000x64xf32, #tpu.memory_space<hbm>> -> memref<19999x64xf32, #tpu.memory_space<hbm>>
        %dma_start3A_602 = arith.constant 0 : i32
        %dma_start3A_603 = arith.constant 0 : i32
        %dma_start3A_604 = tpu.memref_slice %dma_start3A_601[%dma_start3A_602, %dma_start3A_603] : memref<19999x64xf32, #tpu.memory_space<hbm>> -> memref<19999x64xf32, #tpu.memory_space<hbm>>
        tpu.enqueue_indirect_dma source(%dma_start3A_604 : memref<19999x64xf32, #tpu.memory_space<hbm>>) target(%arg8 : memref<125x64xf32, #tpu.memory_space<vmem>>) offsets(%dma_start3A_598 : memref<125xi32, #tpu.memory_space<vmem>>) semaphore(%arg19 : memref<!tpu.dma_semaphore, #tpu.memory_space<semaphore_mem>>)
      } else {
      }
      %mul3A_465 = arith.constant 6 : i32
      %mul3A_466 = arith.muli %mul3A_465, %add3A_345 : i32
      %add3A_467 = arith.constant 3 : i32
      %add3A_468 = arith.addi %mul3A_466, %add3A_467 : i32
      %eq3A_469 = arith.constant 0 : i32
      %eq3A_470 = arith.cmpi eq, %add3A_345, %eq3A_469 : i32
      %dma_wait3A_471 = arith.constant 0 : i32
      %dma_wait3A_472 = tpu.memref_slice %arg6[%add3A_468, %dma_wait3A_471] : memref<80x125xi32, #tpu.memory_space<vmem>> -> memref<1x125xi32, #tpu.memory_space<vmem>>
      %dma_wait3A_473 = tpu.memref_squeeze %dma_wait3A_472 : memref<1x125xi32, #tpu.memory_space<vmem>> -> memref<125xi32, #tpu.memory_space<vmem>>
      %dma_wait3A_474 = arith.constant 0 : i32
      %dma_wait3A_475 = arith.constant 0 : i32
      %dma_wait3A_476 = tpu.memref_slice %arg2[%dma_wait3A_474, %dma_wait3A_475] : memref<20000x64xf32, #tpu.memory_space<hbm>> -> memref<19999x64xf32, #tpu.memory_space<hbm>>
      %dma_wait3A_477 = arith.constant 0 : i32
      %dma_wait3A_478 = arith.constant 0 : i32
      %dma_wait3A_479 = tpu.memref_slice %dma_wait3A_476[%dma_wait3A_477, %dma_wait3A_478] : memref<19999x64xf32, #tpu.memory_space<hbm>> -> memref<19999x64xf32, #tpu.memory_space<hbm>>
      tpu.wait_indirect_dma semaphore(%arg22 : memref<!tpu.dma_semaphore, #tpu.memory_space<semaphore_mem>>) src(%dma_wait3A_479 : memref<19999x64xf32, #tpu.memory_space<hbm>>) dst(%arg11 : memref<125x64xf32, #tpu.memory_space<vmem>>)
      %dma_start3A_480 = arith.constant 0 : i32
      %dma_start3A_481 = tpu.memref_slice %arg7[%add3A_468, %dma_start3A_480] : memref<80x125xi32, #tpu.memory_space<vmem>> -> memref<1x125xi32, #tpu.memory_space<vmem>>
      %dma_start3A_482 = tpu.memref_squeeze %dma_start3A_481 : memref<1x125xi32, #tpu.memory_space<vmem>> -> memref<125xi32, #tpu.memory_space<vmem>>
      %dma_start3A_483 = arith.constant 0 : i32
      %dma_start3A_484 = arith.constant 0 : i32
      %dma_start3A_485 = tpu.memref_slice %arg17[%dma_start3A_483, %dma_start3A_484] : memref<10000x64xf32, #tpu.memory_space<vmem_shared>> -> memref<10000x64xf32, #tpu.memory_space<vmem_shared>>
      tpu.enqueue_indirect_dma source(%arg11 : memref<125x64xf32, #tpu.memory_space<vmem>>) target(%dma_start3A_485 : memref<10000x64xf32, #tpu.memory_space<vmem_shared>>) offsets(%dma_start3A_482 : memref<125xi32, #tpu.memory_space<vmem>>) semaphore(%arg22 : memref<!tpu.dma_semaphore, #tpu.memory_space<semaphore_mem>>) {add = true}
      %dma_start3A_486 = arith.constant 0 : i32
      %dma_start3A_487 = tpu.memref_slice %arg7[%add3A_468, %dma_start3A_486] : memref<80x125xi32, #tpu.memory_space<vmem>> -> memref<1x125xi32, #tpu.memory_space<vmem>>
      %dma_start3A_488 = tpu.memref_squeeze %dma_start3A_487 : memref<1x125xi32, #tpu.memory_space<vmem>> -> memref<125xi32, #tpu.memory_space<vmem>>
      %dma_start3A_489 = arith.constant 0 : i32
      %dma_start3A_490 = arith.constant 0 : i32
      %dma_start3A_491 = tpu.memref_slice %arg18[%dma_start3A_489, %dma_start3A_490] : memref<10000x16xf32, #tpu.memory_space<vmem_shared>> -> memref<10000x16xf32, #tpu.memory_space<vmem_shared>>
      tpu.enqueue_indirect_dma source(%arg14 : memref<125x16xf32, #tpu.memory_space<vmem>>) target(%dma_start3A_491 : memref<10000x16xf32, #tpu.memory_space<vmem_shared>>) offsets(%dma_start3A_488 : memref<125xi32, #tpu.memory_space<vmem>>) semaphore(%arg25 : memref<!tpu.dma_semaphore, #tpu.memory_space<semaphore_mem>>) {add = true}
      %dma_wait3A_492 = arith.constant 0 : i32
      %dma_wait3A_493 = tpu.memref_slice %arg6[%add3A_468, %dma_wait3A_492] : memref<80x125xi32, #tpu.memory_space<vmem>> -> memref<1x125xi32, #tpu.memory_space<vmem>>
      %dma_wait3A_494 = tpu.memref_squeeze %dma_wait3A_493 : memref<1x125xi32, #tpu.memory_space<vmem>> -> memref<125xi32, #tpu.memory_space<vmem>>
      %dma_wait3A_495 = arith.constant 0 : i32
      %dma_wait3A_496 = arith.constant 0 : i32
      %dma_wait3A_497 = tpu.memref_slice %arg2[%dma_wait3A_495, %dma_wait3A_496] : memref<20000x64xf32, #tpu.memory_space<hbm>> -> memref<19999x64xf32, #tpu.memory_space<hbm>>
      %dma_wait3A_498 = arith.constant 0 : i32
      %dma_wait3A_499 = arith.constant 0 : i32
      %dma_wait3A_500 = tpu.memref_slice %dma_wait3A_497[%dma_wait3A_498, %dma_wait3A_499] : memref<19999x64xf32, #tpu.memory_space<hbm>> -> memref<19999x64xf32, #tpu.memory_space<hbm>>
      tpu.wait_indirect_dma semaphore(%arg20 : memref<!tpu.dma_semaphore, #tpu.memory_space<semaphore_mem>>) src(%dma_wait3A_500 : memref<19999x64xf32, #tpu.memory_space<hbm>>) dst(%arg9 : memref<125x64xf32, #tpu.memory_space<vmem>>)
      %add3A_501 = arith.constant 4 : i32
      %add3A_502 = arith.addi %add3A_468, %add3A_501 : i32
      %lt3A_503 = arith.constant 80 : i32
      %lt3A_504 = arith.cmpi slt, %add3A_502, %lt3A_503 : i32
      %convert_element_type3A_505 = arith.extui %lt3A_504 : i1 to i32
      %cond3A_506 = arith.constant 0 : i32
      %cond3A_507 = arith.cmpi ne, %convert_element_type3A_505, %cond3A_506 : i32
      scf.if %cond3A_507 {
        %add3A_594 = arith.constant 4 : i32
        %add3A_595 = arith.addi %add3A_468, %add3A_594 : i32
        %dma_start3A_596 = arith.constant 0 : i32
        %dma_start3A_597 = tpu.memref_slice %arg6[%add3A_595, %dma_start3A_596] : memref<80x125xi32, #tpu.memory_space<vmem>> -> memref<1x125xi32, #tpu.memory_space<vmem>>
        %dma_start3A_598 = tpu.memref_squeeze %dma_start3A_597 : memref<1x125xi32, #tpu.memory_space<vmem>> -> memref<125xi32, #tpu.memory_space<vmem>>
        %dma_start3A_599 = arith.constant 0 : i32
        %dma_start3A_600 = arith.constant 0 : i32
        %dma_start3A_601 = tpu.memref_slice %arg2[%dma_start3A_599, %dma_start3A_600] : memref<20000x64xf32, #tpu.memory_space<hbm>> -> memref<19999x64xf32, #tpu.memory_space<hbm>>
        %dma_start3A_602 = arith.constant 0 : i32
        %dma_start3A_603 = arith.constant 0 : i32
        %dma_start3A_604 = tpu.memref_slice %dma_start3A_601[%dma_start3A_602, %dma_start3A_603] : memref<19999x64xf32, #tpu.memory_space<hbm>> -> memref<19999x64xf32, #tpu.memory_space<hbm>>
        tpu.enqueue_indirect_dma source(%dma_start3A_604 : memref<19999x64xf32, #tpu.memory_space<hbm>>) target(%arg9 : memref<125x64xf32, #tpu.memory_space<vmem>>) offsets(%dma_start3A_598 : memref<125xi32, #tpu.memory_space<vmem>>) semaphore(%arg20 : memref<!tpu.dma_semaphore, #tpu.memory_space<semaphore_mem>>)
      } else {
      }
      %mul3A_508 = arith.constant 6 : i32
      %mul3A_509 = arith.muli %mul3A_508, %add3A_345 : i32
      %add3A_510 = arith.constant 4 : i32
      %add3A_511 = arith.addi %mul3A_509, %add3A_510 : i32
      %eq3A_512 = arith.constant 0 : i32
      %eq3A_513 = arith.cmpi eq, %add3A_345, %eq3A_512 : i32
      %dma_wait3A_514 = arith.constant 0 : i32
      %dma_wait3A_515 = tpu.memref_slice %arg6[%add3A_511, %dma_wait3A_514] : memref<80x125xi32, #tpu.memory_space<vmem>> -> memref<1x125xi32, #tpu.memory_space<vmem>>
      %dma_wait3A_516 = tpu.memref_squeeze %dma_wait3A_515 : memref<1x125xi32, #tpu.memory_space<vmem>> -> memref<125xi32, #tpu.memory_space<vmem>>
      %dma_wait3A_517 = arith.constant 0 : i32
      %dma_wait3A_518 = arith.constant 0 : i32
      %dma_wait3A_519 = tpu.memref_slice %arg2[%dma_wait3A_517, %dma_wait3A_518] : memref<20000x64xf32, #tpu.memory_space<hbm>> -> memref<19999x64xf32, #tpu.memory_space<hbm>>
      %dma_wait3A_520 = arith.constant 0 : i32
      %dma_wait3A_521 = arith.constant 0 : i32
      %dma_wait3A_522 = tpu.memref_slice %dma_wait3A_519[%dma_wait3A_520, %dma_wait3A_521] : memref<19999x64xf32, #tpu.memory_space<hbm>> -> memref<19999x64xf32, #tpu.memory_space<hbm>>
      tpu.wait_indirect_dma semaphore(%arg23 : memref<!tpu.dma_semaphore, #tpu.memory_space<semaphore_mem>>) src(%dma_wait3A_522 : memref<19999x64xf32, #tpu.memory_space<hbm>>) dst(%arg12 : memref<125x64xf32, #tpu.memory_space<vmem>>)
      %dma_start3A_523 = arith.constant 0 : i32
      %dma_start3A_524 = tpu.memref_slice %arg7[%add3A_511, %dma_start3A_523] : memref<80x125xi32, #tpu.memory_space<vmem>> -> memref<1x125xi32, #tpu.memory_space<vmem>>
      %dma_start3A_525 = tpu.memref_squeeze %dma_start3A_524 : memref<1x125xi32, #tpu.memory_space<vmem>> -> memref<125xi32, #tpu.memory_space<vmem>>
      %dma_start3A_526 = arith.constant 0 : i32
      %dma_start3A_527 = arith.constant 0 : i32
      %dma_start3A_528 = tpu.memref_slice %arg17[%dma_start3A_526, %dma_start3A_527] : memref<10000x64xf32, #tpu.memory_space<vmem_shared>> -> memref<10000x64xf32, #tpu.memory_space<vmem_shared>>
      tpu.enqueue_indirect_dma source(%arg12 : memref<125x64xf32, #tpu.memory_space<vmem>>) target(%dma_start3A_528 : memref<10000x64xf32, #tpu.memory_space<vmem_shared>>) offsets(%dma_start3A_525 : memref<125xi32, #tpu.memory_space<vmem>>) semaphore(%arg23 : memref<!tpu.dma_semaphore, #tpu.memory_space<semaphore_mem>>) {add = true}
      %dma_start3A_529 = arith.constant 0 : i32
      %dma_start3A_530 = tpu.memref_slice %arg7[%add3A_511, %dma_start3A_529] : memref<80x125xi32, #tpu.memory_space<vmem>> -> memref<1x125xi32, #tpu.memory_space<vmem>>
      %dma_start3A_531 = tpu.memref_squeeze %dma_start3A_530 : memref<1x125xi32, #tpu.memory_space<vmem>> -> memref<125xi32, #tpu.memory_space<vmem>>
      %dma_start3A_532 = arith.constant 0 : i32
      %dma_start3A_533 = arith.constant 0 : i32
      %dma_start3A_534 = tpu.memref_slice %arg18[%dma_start3A_532, %dma_start3A_533] : memref<10000x16xf32, #tpu.memory_space<vmem_shared>> -> memref<10000x16xf32, #tpu.memory_space<vmem_shared>>
      tpu.enqueue_indirect_dma source(%arg14 : memref<125x16xf32, #tpu.memory_space<vmem>>) target(%dma_start3A_534 : memref<10000x16xf32, #tpu.memory_space<vmem_shared>>) offsets(%dma_start3A_531 : memref<125xi32, #tpu.memory_space<vmem>>) semaphore(%arg25 : memref<!tpu.dma_semaphore, #tpu.memory_space<semaphore_mem>>) {add = true}
      %dma_wait3A_535 = arith.constant 0 : i32
      %dma_wait3A_536 = tpu.memref_slice %arg6[%add3A_511, %dma_wait3A_535] : memref<80x125xi32, #tpu.memory_space<vmem>> -> memref<1x125xi32, #tpu.memory_space<vmem>>
      %dma_wait3A_537 = tpu.memref_squeeze %dma_wait3A_536 : memref<1x125xi32, #tpu.memory_space<vmem>> -> memref<125xi32, #tpu.memory_space<vmem>>
      %dma_wait3A_538 = arith.constant 0 : i32
      %dma_wait3A_539 = arith.constant 0 : i32
      %dma_wait3A_540 = tpu.memref_slice %arg2[%dma_wait3A_538, %dma_wait3A_539] : memref<20000x64xf32, #tpu.memory_space<hbm>> -> memref<19999x64xf32, #tpu.memory_space<hbm>>
      %dma_wait3A_541 = arith.constant 0 : i32
      %dma_wait3A_542 = arith.constant 0 : i32
      %dma_wait3A_543 = tpu.memref_slice %dma_wait3A_540[%dma_wait3A_541, %dma_wait3A_542] : memref<19999x64xf32, #tpu.memory_space<hbm>> -> memref<19999x64xf32, #tpu.memory_space<hbm>>
      tpu.wait_indirect_dma semaphore(%arg21 : memref<!tpu.dma_semaphore, #tpu.memory_space<semaphore_mem>>) src(%dma_wait3A_543 : memref<19999x64xf32, #tpu.memory_space<hbm>>) dst(%arg10 : memref<125x64xf32, #tpu.memory_space<vmem>>)
      %add3A_544 = arith.constant 4 : i32
      %add3A_545 = arith.addi %add3A_511, %add3A_544 : i32
      %lt3A_546 = arith.constant 80 : i32
      %lt3A_547 = arith.cmpi slt, %add3A_545, %lt3A_546 : i32
      %convert_element_type3A_548 = arith.extui %lt3A_547 : i1 to i32
      %cond3A_549 = arith.constant 0 : i32
      %cond3A_550 = arith.cmpi ne, %convert_element_type3A_548, %cond3A_549 : i32
      scf.if %cond3A_550 {
        %add3A_594 = arith.constant 4 : i32
        %add3A_595 = arith.addi %add3A_511, %add3A_594 : i32
        %dma_start3A_596 = arith.constant 0 : i32
        %dma_start3A_597 = tpu.memref_slice %arg6[%add3A_595, %dma_start3A_596] : memref<80x125xi32, #tpu.memory_space<vmem>> -> memref<1x125xi32, #tpu.memory_space<vmem>>
        %dma_start3A_598 = tpu.memref_squeeze %dma_start3A_597 : memref<1x125xi32, #tpu.memory_space<vmem>> -> memref<125xi32, #tpu.memory_space<vmem>>
        %dma_start3A_599 = arith.constant 0 : i32
        %dma_start3A_600 = arith.constant 0 : i32
        %dma_start3A_601 = tpu.memref_slice %arg2[%dma_start3A_599, %dma_start3A_600] : memref<20000x64xf32, #tpu.memory_space<hbm>> -> memref<19999x64xf32, #tpu.memory_space<hbm>>
        %dma_start3A_602 = arith.constant 0 : i32
        %dma_start3A_603 = arith.constant 0 : i32
        %dma_start3A_604 = tpu.memref_slice %dma_start3A_601[%dma_start3A_602, %dma_start3A_603] : memref<19999x64xf32, #tpu.memory_space<hbm>> -> memref<19999x64xf32, #tpu.memory_space<hbm>>
        tpu.enqueue_indirect_dma source(%dma_start3A_604 : memref<19999x64xf32, #tpu.memory_space<hbm>>) target(%arg10 : memref<125x64xf32, #tpu.memory_space<vmem>>) offsets(%dma_start3A_598 : memref<125xi32, #tpu.memory_space<vmem>>) semaphore(%arg21 : memref<!tpu.dma_semaphore, #tpu.memory_space<semaphore_mem>>)
      } else {
      }
      %mul3A_551 = arith.constant 6 : i32
      %mul3A_552 = arith.muli %mul3A_551, %add3A_345 : i32
      %add3A_553 = arith.constant 5 : i32
      %add3A_554 = arith.addi %mul3A_552, %add3A_553 : i32
      %eq3A_555 = arith.constant 0 : i32
      %eq3A_556 = arith.cmpi eq, %add3A_345, %eq3A_555 : i32
      %dma_wait3A_557 = arith.constant 0 : i32
      %dma_wait3A_558 = tpu.memref_slice %arg6[%add3A_554, %dma_wait3A_557] : memref<80x125xi32, #tpu.memory_space<vmem>> -> memref<1x125xi32, #tpu.memory_space<vmem>>
      %dma_wait3A_559 = tpu.memref_squeeze %dma_wait3A_558 : memref<1x125xi32, #tpu.memory_space<vmem>> -> memref<125xi32, #tpu.memory_space<vmem>>
      %dma_wait3A_560 = arith.constant 0 : i32
      %dma_wait3A_561 = arith.constant 0 : i32
      %dma_wait3A_562 = tpu.memref_slice %arg2[%dma_wait3A_560, %dma_wait3A_561] : memref<20000x64xf32, #tpu.memory_space<hbm>> -> memref<19999x64xf32, #tpu.memory_space<hbm>>
      %dma_wait3A_563 = arith.constant 0 : i32
      %dma_wait3A_564 = arith.constant 0 : i32
      %dma_wait3A_565 = tpu.memref_slice %dma_wait3A_562[%dma_wait3A_563, %dma_wait3A_564] : memref<19999x64xf32, #tpu.memory_space<hbm>> -> memref<19999x64xf32, #tpu.memory_space<hbm>>
      tpu.wait_indirect_dma semaphore(%arg24 : memref<!tpu.dma_semaphore, #tpu.memory_space<semaphore_mem>>) src(%dma_wait3A_565 : memref<19999x64xf32, #tpu.memory_space<hbm>>) dst(%arg13 : memref<125x64xf32, #tpu.memory_space<vmem>>)
      %dma_start3A_566 = arith.constant 0 : i32
      %dma_start3A_567 = tpu.memref_slice %arg7[%add3A_554, %dma_start3A_566] : memref<80x125xi32, #tpu.memory_space<vmem>> -> memref<1x125xi32, #tpu.memory_space<vmem>>
      %dma_start3A_568 = tpu.memref_squeeze %dma_start3A_567 : memref<1x125xi32, #tpu.memory_space<vmem>> -> memref<125xi32, #tpu.memory_space<vmem>>
      %dma_start3A_569 = arith.constant 0 : i32
      %dma_start3A_570 = arith.constant 0 : i32
      %dma_start3A_571 = tpu.memref_slice %arg17[%dma_start3A_569, %dma_start3A_570] : memref<10000x64xf32, #tpu.memory_space<vmem_shared>> -> memref<10000x64xf32, #tpu.memory_space<vmem_shared>>
      tpu.enqueue_indirect_dma source(%arg13 : memref<125x64xf32, #tpu.memory_space<vmem>>) target(%dma_start3A_571 : memref<10000x64xf32, #tpu.memory_space<vmem_shared>>) offsets(%dma_start3A_568 : memref<125xi32, #tpu.memory_space<vmem>>) semaphore(%arg24 : memref<!tpu.dma_semaphore, #tpu.memory_space<semaphore_mem>>) {add = true}
      %dma_start3A_572 = arith.constant 0 : i32
      %dma_start3A_573 = tpu.memref_slice %arg7[%add3A_554, %dma_start3A_572] : memref<80x125xi32, #tpu.memory_space<vmem>> -> memref<1x125xi32, #tpu.memory_space<vmem>>
      %dma_start3A_574 = tpu.memref_squeeze %dma_start3A_573 : memref<1x125xi32, #tpu.memory_space<vmem>> -> memref<125xi32, #tpu.memory_space<vmem>>
      %dma_start3A_575 = arith.constant 0 : i32
      %dma_start3A_576 = arith.constant 0 : i32
      %dma_start3A_577 = tpu.memref_slice %arg18[%dma_start3A_575, %dma_start3A_576] : memref<10000x16xf32, #tpu.memory_space<vmem_shared>> -> memref<10000x16xf32, #tpu.memory_space<vmem_shared>>
      tpu.enqueue_indirect_dma source(%arg14 : memref<125x16xf32, #tpu.memory_space<vmem>>) target(%dma_start3A_577 : memref<10000x16xf32, #tpu.memory_space<vmem_shared>>) offsets(%dma_start3A_574 : memref<125xi32, #tpu.memory_space<vmem>>) semaphore(%arg25 : memref<!tpu.dma_semaphore, #tpu.memory_space<semaphore_mem>>) {add = true}
      %dma_wait3A_578 = arith.constant 0 : i32
      %dma_wait3A_579 = tpu.memref_slice %arg6[%add3A_554, %dma_wait3A_578] : memref<80x125xi32, #tpu.memory_space<vmem>> -> memref<1x125xi32, #tpu.memory_space<vmem>>
      %dma_wait3A_580 = tpu.memref_squeeze %dma_wait3A_579 : memref<1x125xi32, #tpu.memory_space<vmem>> -> memref<125xi32, #tpu.memory_space<vmem>>
      %dma_wait3A_581 = arith.constant 0 : i32
      %dma_wait3A_582 = arith.constant 0 : i32
      %dma_wait3A_583 = tpu.memref_slice %arg2[%dma_wait3A_581, %dma_wait3A_582] : memref<20000x64xf32, #tpu.memory_space<hbm>> -> memref<19999x64xf32, #tpu.memory_space<hbm>>
      %dma_wait3A_584 = arith.constant 0 : i32
      %dma_wait3A_585 = arith.constant 0 : i32
      %dma_wait3A_586 = tpu.memref_slice %dma_wait3A_583[%dma_wait3A_584, %dma_wait3A_585] : memref<19999x64xf32, #tpu.memory_space<hbm>> -> memref<19999x64xf32, #tpu.memory_space<hbm>>
      tpu.wait_indirect_dma semaphore(%arg22 : memref<!tpu.dma_semaphore, #tpu.memory_space<semaphore_mem>>) src(%dma_wait3A_586 : memref<19999x64xf32, #tpu.memory_space<hbm>>) dst(%arg11 : memref<125x64xf32, #tpu.memory_space<vmem>>)
      %add3A_587 = arith.constant 4 : i32
      %add3A_588 = arith.addi %add3A_554, %add3A_587 : i32
      %lt3A_589 = arith.constant 80 : i32
      %lt3A_590 = arith.cmpi slt, %add3A_588, %lt3A_589 : i32
      %convert_element_type3A_591 = arith.extui %lt3A_590 : i1 to i32
      %cond3A_592 = arith.constant 0 : i32
      %cond3A_593 = arith.cmpi ne, %convert_element_type3A_591, %cond3A_592 : i32
      scf.if %cond3A_593 {
        %add3A_594 = arith.constant 4 : i32
        %add3A_595 = arith.addi %add3A_554, %add3A_594 : i32
        %dma_start3A_596 = arith.constant 0 : i32
        %dma_start3A_597 = tpu.memref_slice %arg6[%add3A_595, %dma_start3A_596] : memref<80x125xi32, #tpu.memory_space<vmem>> -> memref<1x125xi32, #tpu.memory_space<vmem>>
        %dma_start3A_598 = tpu.memref_squeeze %dma_start3A_597 : memref<1x125xi32, #tpu.memory_space<vmem>> -> memref<125xi32, #tpu.memory_space<vmem>>
        %dma_start3A_599 = arith.constant 0 : i32
        %dma_start3A_600 = arith.constant 0 : i32
        %dma_start3A_601 = tpu.memref_slice %arg2[%dma_start3A_599, %dma_start3A_600] : memref<20000x64xf32, #tpu.memory_space<hbm>> -> memref<19999x64xf32, #tpu.memory_space<hbm>>
        %dma_start3A_602 = arith.constant 0 : i32
        %dma_start3A_603 = arith.constant 0 : i32
        %dma_start3A_604 = tpu.memref_slice %dma_start3A_601[%dma_start3A_602, %dma_start3A_603] : memref<19999x64xf32, #tpu.memory_space<hbm>> -> memref<19999x64xf32, #tpu.memory_space<hbm>>
        tpu.enqueue_indirect_dma source(%dma_start3A_604 : memref<19999x64xf32, #tpu.memory_space<hbm>>) target(%arg11 : memref<125x64xf32, #tpu.memory_space<vmem>>) offsets(%dma_start3A_598 : memref<125xi32, #tpu.memory_space<vmem>>) semaphore(%arg22 : memref<!tpu.dma_semaphore, #tpu.memory_space<semaphore_mem>>)
      } else {
      }
    }
    %scan3A_79 = arith.constant 13 : i32
    %dma_wait3A = arith.constant 78 : i32
    %dma_wait3A_80 = arith.constant 0 : i32
    %dma_wait3A_81 = tpu.memref_slice %arg6[%dma_wait3A, %dma_wait3A_80] : memref<80x125xi32, #tpu.memory_space<vmem>> -> memref<1x125xi32, #tpu.memory_space<vmem>>
    %dma_wait3A_82 = tpu.memref_squeeze %dma_wait3A_81 : memref<1x125xi32, #tpu.memory_space<vmem>> -> memref<125xi32, #tpu.memory_space<vmem>>
    %dma_wait3A_83 = arith.constant 0 : i32
    %dma_wait3A_84 = arith.constant 0 : i32
    %dma_wait3A_85 = tpu.memref_slice %arg2[%dma_wait3A_83, %dma_wait3A_84] : memref<20000x64xf32, #tpu.memory_space<hbm>> -> memref<19999x64xf32, #tpu.memory_space<hbm>>
    %dma_wait3A_86 = arith.constant 0 : i32
    %dma_wait3A_87 = arith.constant 0 : i32
    %dma_wait3A_88 = tpu.memref_slice %dma_wait3A_85[%dma_wait3A_86, %dma_wait3A_87] : memref<19999x64xf32, #tpu.memory_space<hbm>> -> memref<19999x64xf32, #tpu.memory_space<hbm>>
    tpu.wait_indirect_dma semaphore(%arg19 : memref<!tpu.dma_semaphore, #tpu.memory_space<semaphore_mem>>) src(%dma_wait3A_88 : memref<19999x64xf32, #tpu.memory_space<hbm>>) dst(%arg8 : memref<125x64xf32, #tpu.memory_space<vmem>>)
    %dma_start3A_89 = arith.constant 78 : i32
    %dma_start3A_90 = arith.constant 0 : i32
    %dma_start3A_91 = tpu.memref_slice %arg7[%dma_start3A_89, %dma_start3A_90] : memref<80x125xi32, #tpu.memory_space<vmem>> -> memref<1x125xi32, #tpu.memory_space<vmem>>
    %dma_start3A_92 = tpu.memref_squeeze %dma_start3A_91 : memref<1x125xi32, #tpu.memory_space<vmem>> -> memref<125xi32, #tpu.memory_space<vmem>>
    %dma_start3A_93 = arith.constant 0 : i32
    %dma_start3A_94 = arith.constant 0 : i32
    %dma_start3A_95 = tpu.memref_slice %arg17[%dma_start3A_93, %dma_start3A_94] : memref<10000x64xf32, #tpu.memory_space<vmem_shared>> -> memref<10000x64xf32, #tpu.memory_space<vmem_shared>>
    tpu.enqueue_indirect_dma source(%arg8 : memref<125x64xf32, #tpu.memory_space<vmem>>) target(%dma_start3A_95 : memref<10000x64xf32, #tpu.memory_space<vmem_shared>>) offsets(%dma_start3A_92 : memref<125xi32, #tpu.memory_space<vmem>>) semaphore(%arg19 : memref<!tpu.dma_semaphore, #tpu.memory_space<semaphore_mem>>) {add = true}
    %dma_start3A_96 = arith.constant 78 : i32
    %dma_start3A_97 = arith.constant 0 : i32
    %dma_start3A_98 = tpu.memref_slice %arg7[%dma_start3A_96, %dma_start3A_97] : memref<80x125xi32, #tpu.memory_space<vmem>> -> memref<1x125xi32, #tpu.memory_space<vmem>>
    %dma_start3A_99 = tpu.memref_squeeze %dma_start3A_98 : memref<1x125xi32, #tpu.memory_space<vmem>> -> memref<125xi32, #tpu.memory_space<vmem>>
    %dma_start3A_100 = arith.constant 0 : i32
    %dma_start3A_101 = arith.constant 0 : i32
    %dma_start3A_102 = tpu.memref_slice %arg18[%dma_start3A_100, %dma_start3A_101] : memref<10000x16xf32, #tpu.memory_space<vmem_shared>> -> memref<10000x16xf32, #tpu.memory_space<vmem_shared>>
    tpu.enqueue_indirect_dma source(%arg14 : memref<125x16xf32, #tpu.memory_space<vmem>>) target(%dma_start3A_102 : memref<10000x16xf32, #tpu.memory_space<vmem_shared>>) offsets(%dma_start3A_99 : memref<125xi32, #tpu.memory_space<vmem>>) semaphore(%arg25 : memref<!tpu.dma_semaphore, #tpu.memory_space<semaphore_mem>>) {add = true}
    %not3A = arith.constant false
    %not3A_103 = arith.constant true
    %not3A_104 = arith.xori %not3A, %not3A_103 : i1
    %convert_element_type3A = arith.extui %not3A_104 : i1 to i32
    %cond3A = arith.constant 0 : i32
    %cond3A_105 = arith.cmpi ne, %convert_element_type3A, %cond3A : i32
    scf.if %cond3A_105 {
      %dma_wait3A_341 = arith.constant 78 : i32
      %dma_wait3A_342 = arith.constant 0 : i32
      %dma_wait3A_343 = tpu.memref_slice %arg6[%dma_wait3A_341, %dma_wait3A_342] : memref<80x125xi32, #tpu.memory_space<vmem>> -> memref<1x125xi32, #tpu.memory_space<vmem>>
      %dma_wait3A_344 = tpu.memref_squeeze %dma_wait3A_343 : memref<1x125xi32, #tpu.memory_space<vmem>> -> memref<125xi32, #tpu.memory_space<vmem>>
      %dma_wait3A_345 = arith.constant 0 : i32
      %dma_wait3A_346 = arith.constant 0 : i32
      %dma_wait3A_347 = tpu.memref_slice %arg2[%dma_wait3A_345, %dma_wait3A_346] : memref<20000x64xf32, #tpu.memory_space<hbm>> -> memref<19999x64xf32, #tpu.memory_space<hbm>>
      %dma_wait3A_348 = arith.constant 0 : i32
      %dma_wait3A_349 = arith.constant 0 : i32
      %dma_wait3A_350 = tpu.memref_slice %dma_wait3A_347[%dma_wait3A_348, %dma_wait3A_349] : memref<19999x64xf32, #tpu.memory_space<hbm>> -> memref<19999x64xf32, #tpu.memory_space<hbm>>
      tpu.wait_indirect_dma semaphore(%arg23 : memref<!tpu.dma_semaphore, #tpu.memory_space<semaphore_mem>>) src(%dma_wait3A_350 : memref<19999x64xf32, #tpu.memory_space<hbm>>) dst(%arg12 : memref<125x64xf32, #tpu.memory_space<vmem>>)
    } else {
    }
    %dma_wait3A_106 = arith.constant 79 : i32
    %dma_wait3A_107 = arith.constant 0 : i32
    %dma_wait3A_108 = tpu.memref_slice %arg6[%dma_wait3A_106, %dma_wait3A_107] : memref<80x125xi32, #tpu.memory_space<vmem>> -> memref<1x125xi32, #tpu.memory_space<vmem>>
    %dma_wait3A_109 = tpu.memref_squeeze %dma_wait3A_108 : memref<1x125xi32, #tpu.memory_space<vmem>> -> memref<125xi32, #tpu.memory_space<vmem>>
    %dma_wait3A_110 = arith.constant 0 : i32
    %dma_wait3A_111 = arith.constant 0 : i32
    %dma_wait3A_112 = tpu.memref_slice %arg2[%dma_wait3A_110, %dma_wait3A_111] : memref<20000x64xf32, #tpu.memory_space<hbm>> -> memref<19999x64xf32, #tpu.memory_space<hbm>>
    %dma_wait3A_113 = arith.constant 0 : i32
    %dma_wait3A_114 = arith.constant 0 : i32
    %dma_wait3A_115 = tpu.memref_slice %dma_wait3A_112[%dma_wait3A_113, %dma_wait3A_114] : memref<19999x64xf32, #tpu.memory_space<hbm>> -> memref<19999x64xf32, #tpu.memory_space<hbm>>
    tpu.wait_indirect_dma semaphore(%arg20 : memref<!tpu.dma_semaphore, #tpu.memory_space<semaphore_mem>>) src(%dma_wait3A_115 : memref<19999x64xf32, #tpu.memory_space<hbm>>) dst(%arg9 : memref<125x64xf32, #tpu.memory_space<vmem>>)
    %dma_start3A_116 = arith.constant 79 : i32
    %dma_start3A_117 = arith.constant 0 : i32
    %dma_start3A_118 = tpu.memref_slice %arg7[%dma_start3A_116, %dma_start3A_117] : memref<80x125xi32, #tpu.memory_space<vmem>> -> memref<1x125xi32, #tpu.memory_space<vmem>>
    %dma_start3A_119 = tpu.memref_squeeze %dma_start3A_118 : memref<1x125xi32, #tpu.memory_space<vmem>> -> memref<125xi32, #tpu.memory_space<vmem>>
    %dma_start3A_120 = arith.constant 0 : i32
    %dma_start3A_121 = arith.constant 0 : i32
    %dma_start3A_122 = tpu.memref_slice %arg17[%dma_start3A_120, %dma_start3A_121] : memref<10000x64xf32, #tpu.memory_space<vmem_shared>> -> memref<10000x64xf32, #tpu.memory_space<vmem_shared>>
    tpu.enqueue_indirect_dma source(%arg9 : memref<125x64xf32, #tpu.memory_space<vmem>>) target(%dma_start3A_122 : memref<10000x64xf32, #tpu.memory_space<vmem_shared>>) offsets(%dma_start3A_119 : memref<125xi32, #tpu.memory_space<vmem>>) semaphore(%arg20 : memref<!tpu.dma_semaphore, #tpu.memory_space<semaphore_mem>>) {add = true}
    %dma_start3A_123 = arith.constant 79 : i32
    %dma_start3A_124 = arith.constant 0 : i32
    %dma_start3A_125 = tpu.memref_slice %arg7[%dma_start3A_123, %dma_start3A_124] : memref<80x125xi32, #tpu.memory_space<vmem>> -> memref<1x125xi32, #tpu.memory_space<vmem>>
    %dma_start3A_126 = tpu.memref_squeeze %dma_start3A_125 : memref<1x125xi32, #tpu.memory_space<vmem>> -> memref<125xi32, #tpu.memory_space<vmem>>
    %dma_start3A_127 = arith.constant 0 : i32
    %dma_start3A_128 = arith.constant 0 : i32
    %dma_start3A_129 = tpu.memref_slice %arg18[%dma_start3A_127, %dma_start3A_128] : memref<10000x16xf32, #tpu.memory_space<vmem_shared>> -> memref<10000x16xf32, #tpu.memory_space<vmem_shared>>
    tpu.enqueue_indirect_dma source(%arg14 : memref<125x16xf32, #tpu.memory_space<vmem>>) target(%dma_start3A_129 : memref<10000x16xf32, #tpu.memory_space<vmem_shared>>) offsets(%dma_start3A_126 : memref<125xi32, #tpu.memory_space<vmem>>) semaphore(%arg25 : memref<!tpu.dma_semaphore, #tpu.memory_space<semaphore_mem>>) {add = true}
    %not3A_130 = arith.constant false
    %not3A_131 = arith.constant true
    %not3A_132 = arith.xori %not3A_130, %not3A_131 : i1
    %convert_element_type3A_133 = arith.extui %not3A_132 : i1 to i32
    %cond3A_134 = arith.constant 0 : i32
    %cond3A_135 = arith.cmpi ne, %convert_element_type3A_133, %cond3A_134 : i32
    scf.if %cond3A_135 {
      %dma_wait3A_341 = arith.constant 79 : i32
      %dma_wait3A_342 = arith.constant 0 : i32
      %dma_wait3A_343 = tpu.memref_slice %arg6[%dma_wait3A_341, %dma_wait3A_342] : memref<80x125xi32, #tpu.memory_space<vmem>> -> memref<1x125xi32, #tpu.memory_space<vmem>>
      %dma_wait3A_344 = tpu.memref_squeeze %dma_wait3A_343 : memref<1x125xi32, #tpu.memory_space<vmem>> -> memref<125xi32, #tpu.memory_space<vmem>>
      %dma_wait3A_345 = arith.constant 0 : i32
      %dma_wait3A_346 = arith.constant 0 : i32
      %dma_wait3A_347 = tpu.memref_slice %arg2[%dma_wait3A_345, %dma_wait3A_346] : memref<20000x64xf32, #tpu.memory_space<hbm>> -> memref<19999x64xf32, #tpu.memory_space<hbm>>
      %dma_wait3A_348 = arith.constant 0 : i32
      %dma_wait3A_349 = arith.constant 0 : i32
      %dma_wait3A_350 = tpu.memref_slice %dma_wait3A_347[%dma_wait3A_348, %dma_wait3A_349] : memref<19999x64xf32, #tpu.memory_space<hbm>> -> memref<19999x64xf32, #tpu.memory_space<hbm>>
      tpu.wait_indirect_dma semaphore(%arg24 : memref<!tpu.dma_semaphore, #tpu.memory_space<semaphore_mem>>) src(%dma_wait3A_350 : memref<19999x64xf32, #tpu.memory_space<hbm>>) dst(%arg13 : memref<125x64xf32, #tpu.memory_space<vmem>>)
    } else {
    }
    %dma_wait3A_136 = arith.constant 0 : i32
    %dma_wait3A_137 = arith.constant 0 : i32
    %dma_wait3A_138 = tpu.memref_slice %arg6[%dma_wait3A_136, %dma_wait3A_137] : memref<80x125xi32, #tpu.memory_space<vmem>> -> memref<1x125xi32, #tpu.memory_space<vmem>>
    %dma_wait3A_139 = tpu.memref_squeeze %dma_wait3A_138 : memref<1x125xi32, #tpu.memory_space<vmem>> -> memref<125xi32, #tpu.memory_space<vmem>>
    %dma_wait3A_140 = arith.constant 0 : i32
    %dma_wait3A_141 = arith.constant 0 : i32
    %dma_wait3A_142 = tpu.memref_slice %arg2[%dma_wait3A_140, %dma_wait3A_141] : memref<20000x64xf32, #tpu.memory_space<hbm>> -> memref<19999x64xf32, #tpu.memory_space<hbm>>
    %dma_wait3A_143 = arith.constant 0 : i32
    %dma_wait3A_144 = arith.constant 0 : i32
    %dma_wait3A_145 = tpu.memref_slice %dma_wait3A_142[%dma_wait3A_143, %dma_wait3A_144] : memref<19999x64xf32, #tpu.memory_space<hbm>> -> memref<19999x64xf32, #tpu.memory_space<hbm>>
    tpu.wait_indirect_dma semaphore(%arg19 : memref<!tpu.dma_semaphore, #tpu.memory_space<semaphore_mem>>) src(%dma_wait3A_145 : memref<19999x64xf32, #tpu.memory_space<hbm>>) dst(%arg8 : memref<125x64xf32, #tpu.memory_space<vmem>>)
    %dma_wait3A_146 = arith.constant 0 : i32
    %dma_wait3A_147 = arith.constant 0 : i32
    %dma_wait3A_148 = tpu.memref_slice %arg6[%dma_wait3A_146, %dma_wait3A_147] : memref<80x125xi32, #tpu.memory_space<vmem>> -> memref<1x125xi32, #tpu.memory_space<vmem>>
    %dma_wait3A_149 = tpu.memref_squeeze %dma_wait3A_148 : memref<1x125xi32, #tpu.memory_space<vmem>> -> memref<125xi32, #tpu.memory_space<vmem>>
    %dma_wait3A_150 = arith.constant 0 : i32
    %dma_wait3A_151 = arith.constant 0 : i32
    %dma_wait3A_152 = tpu.memref_slice %arg2[%dma_wait3A_150, %dma_wait3A_151] : memref<20000x64xf32, #tpu.memory_space<hbm>> -> memref<19999x64xf32, #tpu.memory_space<hbm>>
    %dma_wait3A_153 = arith.constant 0 : i32
    %dma_wait3A_154 = arith.constant 0 : i32
    %dma_wait3A_155 = tpu.memref_slice %dma_wait3A_152[%dma_wait3A_153, %dma_wait3A_154] : memref<19999x64xf32, #tpu.memory_space<hbm>> -> memref<19999x64xf32, #tpu.memory_space<hbm>>
    tpu.wait_indirect_dma semaphore(%arg20 : memref<!tpu.dma_semaphore, #tpu.memory_space<semaphore_mem>>) src(%dma_wait3A_155 : memref<19999x64xf32, #tpu.memory_space<hbm>>) dst(%arg9 : memref<125x64xf32, #tpu.memory_space<vmem>>)
    %scan3A_156 = arith.constant 0 : i32
    %scan3A_157 = arith.constant 80 : i32
    %scan3A_158 = arith.addi %scan3A_156, %scan3A_157 : i32
    %scan3A_159 = arith.constant 1 : i32
    scf.for %scan3A_341 = %scan3A_156 to %scan3A_158 step %scan3A_159  : i32 {
      %mul3A_342 = arith.constant 1 : i32
      %mul3A_343 = arith.muli %scan3A_341, %mul3A_342 : i32
      %add3A_344 = arith.constant 0 : i32
      %add3A_345 = arith.addi %add3A_344, %mul3A_343 : i32
      %dma_wait3A_346 = arith.constant 0 : i32
      %dma_wait3A_347 = arith.constant 0 : i32
      %dma_wait3A_348 = tpu.memref_slice %arg7[%dma_wait3A_346, %dma_wait3A_347] : memref<80x125xi32, #tpu.memory_space<vmem>> -> memref<1x125xi32, #tpu.memory_space<vmem>>
      %dma_wait3A_349 = tpu.memref_squeeze %dma_wait3A_348 : memref<1x125xi32, #tpu.memory_space<vmem>> -> memref<125xi32, #tpu.memory_space<vmem>>
      %dma_wait3A_350 = arith.constant 0 : i32
      %dma_wait3A_351 = arith.constant 0 : i32
      %dma_wait3A_352 = tpu.memref_slice %arg18[%dma_wait3A_350, %dma_wait3A_351] : memref<10000x16xf32, #tpu.memory_space<vmem_shared>> -> memref<10000x16xf32, #tpu.memory_space<vmem_shared>>
      tpu.wait_indirect_dma semaphore(%arg25 : memref<!tpu.dma_semaphore, #tpu.memory_space<semaphore_mem>>) src(%arg14 : memref<125x16xf32, #tpu.memory_space<vmem>>) dst(%dma_wait3A_352 : memref<10000x16xf32, #tpu.memory_space<vmem_shared>>)
    }
    %scan3A_160 = arith.constant 80 : i32
    %barrier3A_161 = arith.constant 0 : index
    tpu.barrier barrier_id(%barrier3A_161)
    %mul3A_162 = arith.constant 625 : i32
    %mul3A_163 = arith.muli %arg1, %mul3A_162 : i32
    %add3A_164 = arith.constant 0 : i32
    %add3A_165 = arith.addi %mul3A_163, %add3A_164 : i32
    "tpu.region"() ({
      %run_scoped3A_341 = tpu.sem_alloc : memref<!tpu.dma_semaphore, #tpu.memory_space<semaphore_mem>>
      %dma_start3A_342 = arith.constant 0 : i32
      %dma_start3A_343 = tpu.memref_slice %arg17[%add3A_165, %dma_start3A_342] : memref<10000x64xf32, #tpu.memory_space<vmem_shared>> -> memref<125x64xf32, #tpu.memory_space<vmem_shared>>
      %dma_start3A_344 = arith.constant 0 : i32
      %dma_start3A_345 = tpu.memref_slice %arg17[%add3A_165, %dma_start3A_344] : memref<10000x64xf32, #tpu.memory_space<vmem_shared>> -> memref<125x64xf32, #tpu.memory_space<vmem_shared>>
      tpu.enqueue_dma source(%dma_start3A_345 : memref<125x64xf32, #tpu.memory_space<vmem_shared>>) target(%arg15 : memref<125x64xf32, #tpu.memory_space<vmem>>) target_semaphore(%run_scoped3A_341 : memref<!tpu.dma_semaphore, #tpu.memory_space<semaphore_mem>>)
      %dma_wait3A_346 = arith.constant 0 : i32
      %dma_wait3A_347 = tpu.memref_slice %arg17[%add3A_165, %dma_wait3A_346] : memref<10000x64xf32, #tpu.memory_space<vmem_shared>> -> memref<125x64xf32, #tpu.memory_space<vmem_shared>>
      %dma_wait3A_348 = arith.constant 0 : i32
      %dma_wait3A_349 = tpu.memref_slice %arg17[%add3A_165, %dma_wait3A_348] : memref<10000x64xf32, #tpu.memory_space<vmem_shared>> -> memref<125x64xf32, #tpu.memory_space<vmem_shared>>
      tpu.wait_dma2 semaphore(%run_scoped3A_341 : memref<!tpu.dma_semaphore, #tpu.memory_space<semaphore_mem>>) src(%dma_wait3A_349 : memref<125x64xf32, #tpu.memory_space<vmem_shared>>) dst(%arg15 : memref<125x64xf32, #tpu.memory_space<vmem>>)
      tpu.yield
    }) : () -> ()
    "tpu.region"() ({
      %run_scoped3A_341 = tpu.sem_alloc : memref<!tpu.dma_semaphore, #tpu.memory_space<semaphore_mem>>
      %dma_start3A_342 = arith.constant 0 : i32
      %dma_start3A_343 = tpu.memref_slice %arg4[%arg0, %add3A_165, %dma_start3A_342] : memref<2x10000x128xf32, #tpu.memory_space<hbm>> -> memref<1x125x64xf32, #tpu.memory_space<hbm>>
      %dma_start3A_344 = tpu.memref_squeeze %dma_start3A_343 : memref<1x125x64xf32, #tpu.memory_space<hbm>> -> memref<125x64xf32, #tpu.memory_space<hbm>>
      %dma_start3A_345 = arith.constant 0 : i32
      %dma_start3A_346 = tpu.memref_slice %arg4[%arg0, %add3A_165, %dma_start3A_345] : memref<2x10000x128xf32, #tpu.memory_space<hbm>> -> memref<1x125x64xf32, #tpu.memory_space<hbm>>
      %dma_start3A_347 = tpu.memref_squeeze %dma_start3A_346 : memref<1x125x64xf32, #tpu.memory_space<hbm>> -> memref<125x64xf32, #tpu.memory_space<hbm>>
      tpu.enqueue_dma source(%arg15 : memref<125x64xf32, #tpu.memory_space<vmem>>) target(%dma_start3A_347 : memref<125x64xf32, #tpu.memory_space<hbm>>) target_semaphore(%run_scoped3A_341 : memref<!tpu.dma_semaphore, #tpu.memory_space<semaphore_mem>>)
      %dma_wait3A_348 = arith.constant 0 : i32
      %dma_wait3A_349 = tpu.memref_slice %arg4[%arg0, %add3A_165, %dma_wait3A_348] : memref<2x10000x128xf32, #tpu.memory_space<hbm>> -> memref<1x125x64xf32, #tpu.memory_space<hbm>>
      %dma_wait3A_350 = tpu.memref_squeeze %dma_wait3A_349 : memref<1x125x64xf32, #tpu.memory_space<hbm>> -> memref<125x64xf32, #tpu.memory_space<hbm>>
      %dma_wait3A_351 = arith.constant 0 : i32
      %dma_wait3A_352 = tpu.memref_slice %arg4[%arg0, %add3A_165, %dma_wait3A_351] : memref<2x10000x128xf32, #tpu.memory_space<hbm>> -> memref<1x125x64xf32, #tpu.memory_space<hbm>>
      %dma_wait3A_353 = tpu.memref_squeeze %dma_wait3A_352 : memref<1x125x64xf32, #tpu.memory_space<hbm>> -> memref<125x64xf32, #tpu.memory_space<hbm>>
      tpu.wait_dma2 semaphore(%run_scoped3A_341 : memref<!tpu.dma_semaphore, #tpu.memory_space<semaphore_mem>>) src(%arg15 : memref<125x64xf32, #tpu.memory_space<vmem>>) dst(%dma_wait3A_353 : memref<125x64xf32, #tpu.memory_space<hbm>>)
      tpu.yield
    }) : () -> ()
    "tpu.region"() ({
      %run_scoped3A_341 = tpu.sem_alloc : memref<!tpu.dma_semaphore, #tpu.memory_space<semaphore_mem>>
      %dma_start3A_342 = arith.constant 0 : i32
      %dma_start3A_343 = tpu.memref_slice %arg18[%add3A_165, %dma_start3A_342] : memref<10000x16xf32, #tpu.memory_space<vmem_shared>> -> memref<125x16xf32, #tpu.memory_space<vmem_shared>>
      %dma_start3A_344 = arith.constant 0 : i32
      %dma_start3A_345 = tpu.memref_slice %arg18[%add3A_165, %dma_start3A_344] : memref<10000x16xf32, #tpu.memory_space<vmem_shared>> -> memref<125x16xf32, #tpu.memory_space<vmem_shared>>
      tpu.enqueue_dma source(%dma_start3A_345 : memref<125x16xf32, #tpu.memory_space<vmem_shared>>) target(%arg16 : memref<125x16xf32, #tpu.memory_space<vmem>>) target_semaphore(%run_scoped3A_341 : memref<!tpu.dma_semaphore, #tpu.memory_space<semaphore_mem>>)
      %dma_wait3A_346 = arith.constant 0 : i32
      %dma_wait3A_347 = tpu.memref_slice %arg18[%add3A_165, %dma_wait3A_346] : memref<10000x16xf32, #tpu.memory_space<vmem_shared>> -> memref<125x16xf32, #tpu.memory_space<vmem_shared>>
      %dma_wait3A_348 = arith.constant 0 : i32
      %dma_wait3A_349 = tpu.memref_slice %arg18[%add3A_165, %dma_wait3A_348] : memref<10000x16xf32, #tpu.memory_space<vmem_shared>> -> memref<125x16xf32, #tpu.memory_space<vmem_shared>>
      tpu.wait_dma2 semaphore(%run_scoped3A_341 : memref<!tpu.dma_semaphore, #tpu.memory_space<semaphore_mem>>) src(%dma_wait3A_349 : memref<125x16xf32, #tpu.memory_space<vmem_shared>>) dst(%arg16 : memref<125x16xf32, #tpu.memory_space<vmem>>)
      tpu.yield
    }) : () -> ()
    "tpu.region"() ({
      %run_scoped3A_341 = tpu.sem_alloc : memref<!tpu.dma_semaphore, #tpu.memory_space<semaphore_mem>>
      %dma_start3A_342 = arith.constant 0 : i32
      %dma_start3A_343 = tpu.memref_slice %arg5[%arg0, %add3A_165, %dma_start3A_342] : memref<2x10000x16xf32, #tpu.memory_space<hbm>> -> memref<1x125x16xf32, #tpu.memory_space<hbm>>
      %dma_start3A_344 = tpu.memref_squeeze %dma_start3A_343 : memref<1x125x16xf32, #tpu.memory_space<hbm>> -> memref<125x16xf32, #tpu.memory_space<hbm>>
      %dma_start3A_345 = arith.constant 0 : i32
      %dma_start3A_346 = tpu.memref_slice %arg5[%arg0, %add3A_165, %dma_start3A_345] : memref<2x10000x16xf32, #tpu.memory_space<hbm>> -> memref<1x125x16xf32, #tpu.memory_space<hbm>>
      %dma_start3A_347 = tpu.memref_squeeze %dma_start3A_346 : memref<1x125x16xf32, #tpu.memory_space<hbm>> -> memref<125x16xf32, #tpu.memory_space<hbm>>
      tpu.enqueue_dma source(%arg16 : memref<125x16xf32, #tpu.memory_space<vmem>>) target(%dma_start3A_347 : memref<125x16xf32, #tpu.memory_space<hbm>>) target_semaphore(%run_scoped3A_341 : memref<!tpu.dma_semaphore, #tpu.memory_space<semaphore_mem>>)
      %dma_wait3A_348 = arith.constant 0 : i32
      %dma_wait3A_349 = tpu.memref_slice %arg5[%arg0, %add3A_165, %dma_wait3A_348] : memref<2x10000x16xf32, #tpu.memory_space<hbm>> -> memref<1x125x16xf32, #tpu.memory_space<hbm>>
      %dma_wait3A_350 = tpu.memref_squeeze %dma_wait3A_349 : memref<1x125x16xf32, #tpu.memory_space<hbm>> -> memref<125x16xf32, #tpu.memory_space<hbm>>
      %dma_wait3A_351 = arith.constant 0 : i32
      %dma_wait3A_352 = tpu.memref_slice %arg5[%arg0, %add3A_165, %dma_wait3A_351] : memref<2x10000x16xf32, #tpu.memory_space<hbm>> -> memref<1x125x16xf32, #tpu.memory_space<hbm>>
      %dma_wait3A_353 = tpu.memref_squeeze %dma_wait3A_352 : memref<1x125x16xf32, #tpu.memory_space<hbm>> -> memref<125x16xf32, #tpu.memory_space<hbm>>
      tpu.wait_dma2 semaphore(%run_scoped3A_341 : memref<!tpu.dma_semaphore, #tpu.memory_space<semaphore_mem>>) src(%arg16 : memref<125x16xf32, #tpu.memory_space<vmem>>) dst(%dma_wait3A_353 : memref<125x16xf32, #tpu.memory_space<hbm>>)
      tpu.yield
    }) : () -> ()
    %mul3A_166 = arith.constant 625 : i32
    %mul3A_167 = arith.muli %arg1, %mul3A_166 : i32
    %add3A_168 = arith.constant 125 : i32
    %add3A_169 = arith.addi %mul3A_167, %add3A_168 : i32
    "tpu.region"() ({
      %run_scoped3A_341 = tpu.sem_alloc : memref<!tpu.dma_semaphore, #tpu.memory_space<semaphore_mem>>
      %dma_start3A_342 = arith.constant 0 : i32
      %dma_start3A_343 = tpu.memref_slice %arg17[%add3A_169, %dma_start3A_342] : memref<10000x64xf32, #tpu.memory_space<vmem_shared>> -> memref<125x64xf32, #tpu.memory_space<vmem_shared>>
      %dma_start3A_344 = arith.constant 0 : i32
      %dma_start3A_345 = tpu.memref_slice %arg17[%add3A_169, %dma_start3A_344] : memref<10000x64xf32, #tpu.memory_space<vmem_shared>> -> memref<125x64xf32, #tpu.memory_space<vmem_shared>>
      tpu.enqueue_dma source(%dma_start3A_345 : memref<125x64xf32, #tpu.memory_space<vmem_shared>>) target(%arg15 : memref<125x64xf32, #tpu.memory_space<vmem>>) target_semaphore(%run_scoped3A_341 : memref<!tpu.dma_semaphore, #tpu.memory_space<semaphore_mem>>)
      %dma_wait3A_346 = arith.constant 0 : i32
      %dma_wait3A_347 = tpu.memref_slice %arg17[%add3A_169, %dma_wait3A_346] : memref<10000x64xf32, #tpu.memory_space<vmem_shared>> -> memref<125x64xf32, #tpu.memory_space<vmem_shared>>
      %dma_wait3A_348 = arith.constant 0 : i32
      %dma_wait3A_349 = tpu.memref_slice %arg17[%add3A_169, %dma_wait3A_348] : memref<10000x64xf32, #tpu.memory_space<vmem_shared>> -> memref<125x64xf32, #tpu.memory_space<vmem_shared>>
      tpu.wait_dma2 semaphore(%run_scoped3A_341 : memref<!tpu.dma_semaphore, #tpu.memory_space<semaphore_mem>>) src(%dma_wait3A_349 : memref<125x64xf32, #tpu.memory_space<vmem_shared>>) dst(%arg15 : memref<125x64xf32, #tpu.memory_space<vmem>>)
      tpu.yield
    }) : () -> ()
    "tpu.region"() ({
      %run_scoped3A_341 = tpu.sem_alloc : memref<!tpu.dma_semaphore, #tpu.memory_space<semaphore_mem>>
      %dma_start3A_342 = arith.constant 0 : i32
      %dma_start3A_343 = tpu.memref_slice %arg4[%arg0, %add3A_169, %dma_start3A_342] : memref<2x10000x128xf32, #tpu.memory_space<hbm>> -> memref<1x125x64xf32, #tpu.memory_space<hbm>>
      %dma_start3A_344 = tpu.memref_squeeze %dma_start3A_343 : memref<1x125x64xf32, #tpu.memory_space<hbm>> -> memref<125x64xf32, #tpu.memory_space<hbm>>
      %dma_start3A_345 = arith.constant 0 : i32
      %dma_start3A_346 = tpu.memref_slice %arg4[%arg0, %add3A_169, %dma_start3A_345] : memref<2x10000x128xf32, #tpu.memory_space<hbm>> -> memref<1x125x64xf32, #tpu.memory_space<hbm>>
      %dma_start3A_347 = tpu.memref_squeeze %dma_start3A_346 : memref<1x125x64xf32, #tpu.memory_space<hbm>> -> memref<125x64xf32, #tpu.memory_space<hbm>>
      tpu.enqueue_dma source(%arg15 : memref<125x64xf32, #tpu.memory_space<vmem>>) target(%dma_start3A_347 : memref<125x64xf32, #tpu.memory_space<hbm>>) target_semaphore(%run_scoped3A_341 : memref<!tpu.dma_semaphore, #tpu.memory_space<semaphore_mem>>)
      %dma_wait3A_348 = arith.constant 0 : i32
      %dma_wait3A_349 = tpu.memref_slice %arg4[%arg0, %add3A_169, %dma_wait3A_348] : memref<2x10000x128xf32, #tpu.memory_space<hbm>> -> memref<1x125x64xf32, #tpu.memory_space<hbm>>
      %dma_wait3A_350 = tpu.memref_squeeze %dma_wait3A_349 : memref<1x125x64xf32, #tpu.memory_space<hbm>> -> memref<125x64xf32, #tpu.memory_space<hbm>>
      %dma_wait3A_351 = arith.constant 0 : i32
      %dma_wait3A_352 = tpu.memref_slice %arg4[%arg0, %add3A_169, %dma_wait3A_351] : memref<2x10000x128xf32, #tpu.memory_space<hbm>> -> memref<1x125x64xf32, #tpu.memory_space<hbm>>
      %dma_wait3A_353 = tpu.memref_squeeze %dma_wait3A_352 : memref<1x125x64xf32, #tpu.memory_space<hbm>> -> memref<125x64xf32, #tpu.memory_space<hbm>>
      tpu.wait_dma2 semaphore(%run_scoped3A_341 : memref<!tpu.dma_semaphore, #tpu.memory_space<semaphore_mem>>) src(%arg15 : memref<125x64xf32, #tpu.memory_space<vmem>>) dst(%dma_wait3A_353 : memref<125x64xf32, #tpu.memory_space<hbm>>)
      tpu.yield
    }) : () -> ()
    "tpu.region"() ({
      %run_scoped3A_341 = tpu.sem_alloc : memref<!tpu.dma_semaphore, #tpu.memory_space<semaphore_mem>>
      %dma_start3A_342 = arith.constant 0 : i32
      %dma_start3A_343 = tpu.memref_slice %arg18[%add3A_169, %dma_start3A_342] : memref<10000x16xf32, #tpu.memory_space<vmem_shared>> -> memref<125x16xf32, #tpu.memory_space<vmem_shared>>
      %dma_start3A_344 = arith.constant 0 : i32
      %dma_start3A_345 = tpu.memref_slice %arg18[%add3A_169, %dma_start3A_344] : memref<10000x16xf32, #tpu.memory_space<vmem_shared>> -> memref<125x16xf32, #tpu.memory_space<vmem_shared>>
      tpu.enqueue_dma source(%dma_start3A_345 : memref<125x16xf32, #tpu.memory_space<vmem_shared>>) target(%arg16 : memref<125x16xf32, #tpu.memory_space<vmem>>) target_semaphore(%run_scoped3A_341 : memref<!tpu.dma_semaphore, #tpu.memory_space<semaphore_mem>>)
      %dma_wait3A_346 = arith.constant 0 : i32
      %dma_wait3A_347 = tpu.memref_slice %arg18[%add3A_169, %dma_wait3A_346] : memref<10000x16xf32, #tpu.memory_space<vmem_shared>> -> memref<125x16xf32, #tpu.memory_space<vmem_shared>>
      %dma_wait3A_348 = arith.constant 0 : i32
      %dma_wait3A_349 = tpu.memref_slice %arg18[%add3A_169, %dma_wait3A_348] : memref<10000x16xf32, #tpu.memory_space<vmem_shared>> -> memref<125x16xf32, #tpu.memory_space<vmem_shared>>
      tpu.wait_dma2 semaphore(%run_scoped3A_341 : memref<!tpu.dma_semaphore, #tpu.memory_space<semaphore_mem>>) src(%dma_wait3A_349 : memref<125x16xf32, #tpu.memory_space<vmem_shared>>) dst(%arg16 : memref<125x16xf32, #tpu.memory_space<vmem>>)
      tpu.yield
    }) : () -> ()
    "tpu.region"() ({
      %run_scoped3A_341 = tpu.sem_alloc : memref<!tpu.dma_semaphore, #tpu.memory_space<semaphore_mem>>
      %dma_start3A_342 = arith.constant 0 : i32
      %dma_start3A_343 = tpu.memref_slice %arg5[%arg0, %add3A_169, %dma_start3A_342] : memref<2x10000x16xf32, #tpu.memory_space<hbm>> -> memref<1x125x16xf32, #tpu.memory_space<hbm>>
      %dma_start3A_344 = tpu.memref_squeeze %dma_start3A_343 : memref<1x125x16xf32, #tpu.memory_space<hbm>> -> memref<125x16xf32, #tpu.memory_space<hbm>>
      %dma_start3A_345 = arith.constant 0 : i32
      %dma_start3A_346 = tpu.memref_slice %arg5[%arg0, %add3A_169, %dma_start3A_345] : memref<2x10000x16xf32, #tpu.memory_space<hbm>> -> memref<1x125x16xf32, #tpu.memory_space<hbm>>
      %dma_start3A_347 = tpu.memref_squeeze %dma_start3A_346 : memref<1x125x16xf32, #tpu.memory_space<hbm>> -> memref<125x16xf32, #tpu.memory_space<hbm>>
      tpu.enqueue_dma source(%arg16 : memref<125x16xf32, #tpu.memory_space<vmem>>) target(%dma_start3A_347 : memref<125x16xf32, #tpu.memory_space<hbm>>) target_semaphore(%run_scoped3A_341 : memref<!tpu.dma_semaphore, #tpu.memory_space<semaphore_mem>>)
      %dma_wait3A_348 = arith.constant 0 : i32
      %dma_wait3A_349 = tpu.memref_slice %arg5[%arg0, %add3A_169, %dma_wait3A_348] : memref<2x10000x16xf32, #tpu.memory_space<hbm>> -> memref<1x125x16xf32, #tpu.memory_space<hbm>>
      %dma_wait3A_350 = tpu.memref_squeeze %dma_wait3A_349 : memref<1x125x16xf32, #tpu.memory_space<hbm>> -> memref<125x16xf32, #tpu.memory_space<hbm>>
      %dma_wait3A_351 = arith.constant 0 : i32
      %dma_wait3A_352 = tpu.memref_slice %arg5[%arg0, %add3A_169, %dma_wait3A_351] : memref<2x10000x16xf32, #tpu.memory_space<hbm>> -> memref<1x125x16xf32, #tpu.memory_space<hbm>>
      %dma_wait3A_353 = tpu.memref_squeeze %dma_wait3A_352 : memref<1x125x16xf32, #tpu.memory_space<hbm>> -> memref<125x16xf32, #tpu.memory_space<hbm>>
      tpu.wait_dma2 semaphore(%run_scoped3A_341 : memref<!tpu.dma_semaphore, #tpu.memory_space<semaphore_mem>>) src(%arg16 : memref<125x16xf32, #tpu.memory_space<vmem>>) dst(%dma_wait3A_353 : memref<125x16xf32, #tpu.memory_space<hbm>>)
      tpu.yield
    }) : () -> ()
    %mul3A_170 = arith.constant 625 : i32
    %mul3A_171 = arith.muli %arg1, %mul3A_170 : i32
    %add3A_172 = arith.constant 250 : i32
    %add3A_173 = arith.addi %mul3A_171, %add3A_172 : i32
    "tpu.region"() ({
      %run_scoped3A_341 = tpu.sem_alloc : memref<!tpu.dma_semaphore, #tpu.memory_space<semaphore_mem>>
      %dma_start3A_342 = arith.constant 0 : i32
      %dma_start3A_343 = tpu.memref_slice %arg17[%add3A_173, %dma_start3A_342] : memref<10000x64xf32, #tpu.memory_space<vmem_shared>> -> memref<125x64xf32, #tpu.memory_space<vmem_shared>>
      %dma_start3A_344 = arith.constant 0 : i32
      %dma_start3A_345 = tpu.memref_slice %arg17[%add3A_173, %dma_start3A_344] : memref<10000x64xf32, #tpu.memory_space<vmem_shared>> -> memref<125x64xf32, #tpu.memory_space<vmem_shared>>
      tpu.enqueue_dma source(%dma_start3A_345 : memref<125x64xf32, #tpu.memory_space<vmem_shared>>) target(%arg15 : memref<125x64xf32, #tpu.memory_space<vmem>>) target_semaphore(%run_scoped3A_341 : memref<!tpu.dma_semaphore, #tpu.memory_space<semaphore_mem>>)
      %dma_wait3A_346 = arith.constant 0 : i32
      %dma_wait3A_347 = tpu.memref_slice %arg17[%add3A_173, %dma_wait3A_346] : memref<10000x64xf32, #tpu.memory_space<vmem_shared>> -> memref<125x64xf32, #tpu.memory_space<vmem_shared>>
      %dma_wait3A_348 = arith.constant 0 : i32
      %dma_wait3A_349 = tpu.memref_slice %arg17[%add3A_173, %dma_wait3A_348] : memref<10000x64xf32, #tpu.memory_space<vmem_shared>> -> memref<125x64xf32, #tpu.memory_space<vmem_shared>>
      tpu.wait_dma2 semaphore(%run_scoped3A_341 : memref<!tpu.dma_semaphore, #tpu.memory_space<semaphore_mem>>) src(%dma_wait3A_349 : memref<125x64xf32, #tpu.memory_space<vmem_shared>>) dst(%arg15 : memref<125x64xf32, #tpu.memory_space<vmem>>)
      tpu.yield
    }) : () -> ()
    "tpu.region"() ({
      %run_scoped3A_341 = tpu.sem_alloc : memref<!tpu.dma_semaphore, #tpu.memory_space<semaphore_mem>>
      %dma_start3A_342 = arith.constant 0 : i32
      %dma_start3A_343 = tpu.memref_slice %arg4[%arg0, %add3A_173, %dma_start3A_342] : memref<2x10000x128xf32, #tpu.memory_space<hbm>> -> memref<1x125x64xf32, #tpu.memory_space<hbm>>
      %dma_start3A_344 = tpu.memref_squeeze %dma_start3A_343 : memref<1x125x64xf32, #tpu.memory_space<hbm>> -> memref<125x64xf32, #tpu.memory_space<hbm>>
      %dma_start3A_345 = arith.constant 0 : i32
      %dma_start3A_346 = tpu.memref_slice %arg4[%arg0, %add3A_173, %dma_start3A_345] : memref<2x10000x128xf32, #tpu.memory_space<hbm>> -> memref<1x125x64xf32, #tpu.memory_space<hbm>>
      %dma_start3A_347 = tpu.memref_squeeze %dma_start3A_346 : memref<1x125x64xf32, #tpu.memory_space<hbm>> -> memref<125x64xf32, #tpu.memory_space<hbm>>
      tpu.enqueue_dma source(%arg15 : memref<125x64xf32, #tpu.memory_space<vmem>>) target(%dma_start3A_347 : memref<125x64xf32, #tpu.memory_space<hbm>>) target_semaphore(%run_scoped3A_341 : memref<!tpu.dma_semaphore, #tpu.memory_space<semaphore_mem>>)
      %dma_wait3A_348 = arith.constant 0 : i32
      %dma_wait3A_349 = tpu.memref_slice %arg4[%arg0, %add3A_173, %dma_wait3A_348] : memref<2x10000x128xf32, #tpu.memory_space<hbm>> -> memref<1x125x64xf32, #tpu.memory_space<hbm>>
      %dma_wait3A_350 = tpu.memref_squeeze %dma_wait3A_349 : memref<1x125x64xf32, #tpu.memory_space<hbm>> -> memref<125x64xf32, #tpu.memory_space<hbm>>
      %dma_wait3A_351 = arith.constant 0 : i32
      %dma_wait3A_352 = tpu.memref_slice %arg4[%arg0, %add3A_173, %dma_wait3A_351] : memref<2x10000x128xf32, #tpu.memory_space<hbm>> -> memref<1x125x64xf32, #tpu.memory_space<hbm>>
      %dma_wait3A_353 = tpu.memref_squeeze %dma_wait3A_352 : memref<1x125x64xf32, #tpu.memory_space<hbm>> -> memref<125x64xf32, #tpu.memory_space<hbm>>
      tpu.wait_dma2 semaphore(%run_scoped3A_341 : memref<!tpu.dma_semaphore, #tpu.memory_space<semaphore_mem>>) src(%arg15 : memref<125x64xf32, #tpu.memory_space<vmem>>) dst(%dma_wait3A_353 : memref<125x64xf32, #tpu.memory_space<hbm>>)
      tpu.yield
    }) : () -> ()
    "tpu.region"() ({
      %run_scoped3A_341 = tpu.sem_alloc : memref<!tpu.dma_semaphore, #tpu.memory_space<semaphore_mem>>
      %dma_start3A_342 = arith.constant 0 : i32
      %dma_start3A_343 = tpu.memref_slice %arg18[%add3A_173, %dma_start3A_342] : memref<10000x16xf32, #tpu.memory_space<vmem_shared>> -> memref<125x16xf32, #tpu.memory_space<vmem_shared>>
      %dma_start3A_344 = arith.constant 0 : i32
      %dma_start3A_345 = tpu.memref_slice %arg18[%add3A_173, %dma_start3A_344] : memref<10000x16xf32, #tpu.memory_space<vmem_shared>> -> memref<125x16xf32, #tpu.memory_space<vmem_shared>>
      tpu.enqueue_dma source(%dma_start3A_345 : memref<125x16xf32, #tpu.memory_space<vmem_shared>>) target(%arg16 : memref<125x16xf32, #tpu.memory_space<vmem>>) target_semaphore(%run_scoped3A_341 : memref<!tpu.dma_semaphore, #tpu.memory_space<semaphore_mem>>)
      %dma_wait3A_346 = arith.constant 0 : i32
      %dma_wait3A_347 = tpu.memref_slice %arg18[%add3A_173, %dma_wait3A_346] : memref<10000x16xf32, #tpu.memory_space<vmem_shared>> -> memref<125x16xf32, #tpu.memory_space<vmem_shared>>
      %dma_wait3A_348 = arith.constant 0 : i32
      %dma_wait3A_349 = tpu.memref_slice %arg18[%add3A_173, %dma_wait3A_348] : memref<10000x16xf32, #tpu.memory_space<vmem_shared>> -> memref<125x16xf32, #tpu.memory_space<vmem_shared>>
      tpu.wait_dma2 semaphore(%run_scoped3A_341 : memref<!tpu.dma_semaphore, #tpu.memory_space<semaphore_mem>>) src(%dma_wait3A_349 : memref<125x16xf32, #tpu.memory_space<vmem_shared>>) dst(%arg16 : memref<125x16xf32, #tpu.memory_space<vmem>>)
      tpu.yield
    }) : () -> ()
    "tpu.region"() ({
      %run_scoped3A_341 = tpu.sem_alloc : memref<!tpu.dma_semaphore, #tpu.memory_space<semaphore_mem>>
      %dma_start3A_342 = arith.constant 0 : i32
      %dma_start3A_343 = tpu.memref_slice %arg5[%arg0, %add3A_173, %dma_start3A_342] : memref<2x10000x16xf32, #tpu.memory_space<hbm>> -> memref<1x125x16xf32, #tpu.memory_space<hbm>>
      %dma_start3A_344 = tpu.memref_squeeze %dma_start3A_343 : memref<1x125x16xf32, #tpu.memory_space<hbm>> -> memref<125x16xf32, #tpu.memory_space<hbm>>
      %dma_start3A_345 = arith.constant 0 : i32
      %dma_start3A_346 = tpu.memref_slice %arg5[%arg0, %add3A_173, %dma_start3A_345] : memref<2x10000x16xf32, #tpu.memory_space<hbm>> -> memref<1x125x16xf32, #tpu.memory_space<hbm>>
      %dma_start3A_347 = tpu.memref_squeeze %dma_start3A_346 : memref<1x125x16xf32, #tpu.memory_space<hbm>> -> memref<125x16xf32, #tpu.memory_space<hbm>>
      tpu.enqueue_dma source(%arg16 : memref<125x16xf32, #tpu.memory_space<vmem>>) target(%dma_start3A_347 : memref<125x16xf32, #tpu.memory_space<hbm>>) target_semaphore(%run_scoped3A_341 : memref<!tpu.dma_semaphore, #tpu.memory_space<semaphore_mem>>)
      %dma_wait3A_348 = arith.constant 0 : i32
      %dma_wait3A_349 = tpu.memref_slice %arg5[%arg0, %add3A_173, %dma_wait3A_348] : memref<2x10000x16xf32, #tpu.memory_space<hbm>> -> memref<1x125x16xf32, #tpu.memory_space<hbm>>
      %dma_wait3A_350 = tpu.memref_squeeze %dma_wait3A_349 : memref<1x125x16xf32, #tpu.memory_space<hbm>> -> memref<125x16xf32, #tpu.memory_space<hbm>>
      %dma_wait3A_351 = arith.constant 0 : i32
      %dma_wait3A_352 = tpu.memref_slice %arg5[%arg0, %add3A_173, %dma_wait3A_351] : memref<2x10000x16xf32, #tpu.memory_space<hbm>> -> memref<1x125x16xf32, #tpu.memory_space<hbm>>
      %dma_wait3A_353 = tpu.memref_squeeze %dma_wait3A_352 : memref<1x125x16xf32, #tpu.memory_space<hbm>> -> memref<125x16xf32, #tpu.memory_space<hbm>>
      tpu.wait_dma2 semaphore(%run_scoped3A_341 : memref<!tpu.dma_semaphore, #tpu.memory_space<semaphore_mem>>) src(%arg16 : memref<125x16xf32, #tpu.memory_space<vmem>>) dst(%dma_wait3A_353 : memref<125x16xf32, #tpu.memory_space<hbm>>)
      tpu.yield
    }) : () -> ()
    %mul3A_174 = arith.constant 625 : i32
    %mul3A_175 = arith.muli %arg1, %mul3A_174 : i32
    %add3A_176 = arith.constant 375 : i32
    %add3A_177 = arith.addi %mul3A_175, %add3A_176 : i32
    "tpu.region"() ({
      %run_scoped3A_341 = tpu.sem_alloc : memref<!tpu.dma_semaphore, #tpu.memory_space<semaphore_mem>>
      %dma_start3A_342 = arith.constant 0 : i32
      %dma_start3A_343 = tpu.memref_slice %arg17[%add3A_177, %dma_start3A_342] : memref<10000x64xf32, #tpu.memory_space<vmem_shared>> -> memref<125x64xf32, #tpu.memory_space<vmem_shared>>
      %dma_start3A_344 = arith.constant 0 : i32
      %dma_start3A_345 = tpu.memref_slice %arg17[%add3A_177, %dma_start3A_344] : memref<10000x64xf32, #tpu.memory_space<vmem_shared>> -> memref<125x64xf32, #tpu.memory_space<vmem_shared>>
      tpu.enqueue_dma source(%dma_start3A_345 : memref<125x64xf32, #tpu.memory_space<vmem_shared>>) target(%arg15 : memref<125x64xf32, #tpu.memory_space<vmem>>) target_semaphore(%run_scoped3A_341 : memref<!tpu.dma_semaphore, #tpu.memory_space<semaphore_mem>>)
      %dma_wait3A_346 = arith.constant 0 : i32
      %dma_wait3A_347 = tpu.memref_slice %arg17[%add3A_177, %dma_wait3A_346] : memref<10000x64xf32, #tpu.memory_space<vmem_shared>> -> memref<125x64xf32, #tpu.memory_space<vmem_shared>>
      %dma_wait3A_348 = arith.constant 0 : i32
      %dma_wait3A_349 = tpu.memref_slice %arg17[%add3A_177, %dma_wait3A_348] : memref<10000x64xf32, #tpu.memory_space<vmem_shared>> -> memref<125x64xf32, #tpu.memory_space<vmem_shared>>
      tpu.wait_dma2 semaphore(%run_scoped3A_341 : memref<!tpu.dma_semaphore, #tpu.memory_space<semaphore_mem>>) src(%dma_wait3A_349 : memref<125x64xf32, #tpu.memory_space<vmem_shared>>) dst(%arg15 : memref<125x64xf32, #tpu.memory_space<vmem>>)
      tpu.yield
    }) : () -> ()
    "tpu.region"() ({
      %run_scoped3A_341 = tpu.sem_alloc : memref<!tpu.dma_semaphore, #tpu.memory_space<semaphore_mem>>
      %dma_start3A_342 = arith.constant 0 : i32
      %dma_start3A_343 = tpu.memref_slice %arg4[%arg0, %add3A_177, %dma_start3A_342] : memref<2x10000x128xf32, #tpu.memory_space<hbm>> -> memref<1x125x64xf32, #tpu.memory_space<hbm>>
      %dma_start3A_344 = tpu.memref_squeeze %dma_start3A_343 : memref<1x125x64xf32, #tpu.memory_space<hbm>> -> memref<125x64xf32, #tpu.memory_space<hbm>>
      %dma_start3A_345 = arith.constant 0 : i32
      %dma_start3A_346 = tpu.memref_slice %arg4[%arg0, %add3A_177, %dma_start3A_345] : memref<2x10000x128xf32, #tpu.memory_space<hbm>> -> memref<1x125x64xf32, #tpu.memory_space<hbm>>
      %dma_start3A_347 = tpu.memref_squeeze %dma_start3A_346 : memref<1x125x64xf32, #tpu.memory_space<hbm>> -> memref<125x64xf32, #tpu.memory_space<hbm>>
      tpu.enqueue_dma source(%arg15 : memref<125x64xf32, #tpu.memory_space<vmem>>) target(%dma_start3A_347 : memref<125x64xf32, #tpu.memory_space<hbm>>) target_semaphore(%run_scoped3A_341 : memref<!tpu.dma_semaphore, #tpu.memory_space<semaphore_mem>>)
      %dma_wait3A_348 = arith.constant 0 : i32
      %dma_wait3A_349 = tpu.memref_slice %arg4[%arg0, %add3A_177, %dma_wait3A_348] : memref<2x10000x128xf32, #tpu.memory_space<hbm>> -> memref<1x125x64xf32, #tpu.memory_space<hbm>>
      %dma_wait3A_350 = tpu.memref_squeeze %dma_wait3A_349 : memref<1x125x64xf32, #tpu.memory_space<hbm>> -> memref<125x64xf32, #tpu.memory_space<hbm>>
      %dma_wait3A_351 = arith.constant 0 : i32
      %dma_wait3A_352 = tpu.memref_slice %arg4[%arg0, %add3A_177, %dma_wait3A_351] : memref<2x10000x128xf32, #tpu.memory_space<hbm>> -> memref<1x125x64xf32, #tpu.memory_space<hbm>>
      %dma_wait3A_353 = tpu.memref_squeeze %dma_wait3A_352 : memref<1x125x64xf32, #tpu.memory_space<hbm>> -> memref<125x64xf32, #tpu.memory_space<hbm>>
      tpu.wait_dma2 semaphore(%run_scoped3A_341 : memref<!tpu.dma_semaphore, #tpu.memory_space<semaphore_mem>>) src(%arg15 : memref<125x64xf32, #tpu.memory_space<vmem>>) dst(%dma_wait3A_353 : memref<125x64xf32, #tpu.memory_space<hbm>>)
      tpu.yield
    }) : () -> ()
    "tpu.region"() ({
      %run_scoped3A_341 = tpu.sem_alloc : memref<!tpu.dma_semaphore, #tpu.memory_space<semaphore_mem>>
      %dma_start3A_342 = arith.constant 0 : i32
      %dma_start3A_343 = tpu.memref_slice %arg18[%add3A_177, %dma_start3A_342] : memref<10000x16xf32, #tpu.memory_space<vmem_shared>> -> memref<125x16xf32, #tpu.memory_space<vmem_shared>>
      %dma_start3A_344 = arith.constant 0 : i32
      %dma_start3A_345 = tpu.memref_slice %arg18[%add3A_177, %dma_start3A_344] : memref<10000x16xf32, #tpu.memory_space<vmem_shared>> -> memref<125x16xf32, #tpu.memory_space<vmem_shared>>
      tpu.enqueue_dma source(%dma_start3A_345 : memref<125x16xf32, #tpu.memory_space<vmem_shared>>) target(%arg16 : memref<125x16xf32, #tpu.memory_space<vmem>>) target_semaphore(%run_scoped3A_341 : memref<!tpu.dma_semaphore, #tpu.memory_space<semaphore_mem>>)
      %dma_wait3A_346 = arith.constant 0 : i32
      %dma_wait3A_347 = tpu.memref_slice %arg18[%add3A_177, %dma_wait3A_346] : memref<10000x16xf32, #tpu.memory_space<vmem_shared>> -> memref<125x16xf32, #tpu.memory_space<vmem_shared>>
      %dma_wait3A_348 = arith.constant 0 : i32
      %dma_wait3A_349 = tpu.memref_slice %arg18[%add3A_177, %dma_wait3A_348] : memref<10000x16xf32, #tpu.memory_space<vmem_shared>> -> memref<125x16xf32, #tpu.memory_space<vmem_shared>>
      tpu.wait_dma2 semaphore(%run_scoped3A_341 : memref<!tpu.dma_semaphore, #tpu.memory_space<semaphore_mem>>) src(%dma_wait3A_349 : memref<125x16xf32, #tpu.memory_space<vmem_shared>>) dst(%arg16 : memref<125x16xf32, #tpu.memory_space<vmem>>)
      tpu.yield
    }) : () -> ()
    "tpu.region"() ({
      %run_scoped3A_341 = tpu.sem_alloc : memref<!tpu.dma_semaphore, #tpu.memory_space<semaphore_mem>>
      %dma_start3A_342 = arith.constant 0 : i32
      %dma_start3A_343 = tpu.memref_slice %arg5[%arg0, %add3A_177, %dma_start3A_342] : memref<2x10000x16xf32, #tpu.memory_space<hbm>> -> memref<1x125x16xf32, #tpu.memory_space<hbm>>
      %dma_start3A_344 = tpu.memref_squeeze %dma_start3A_343 : memref<1x125x16xf32, #tpu.memory_space<hbm>> -> memref<125x16xf32, #tpu.memory_space<hbm>>
      %dma_start3A_345 = arith.constant 0 : i32
      %dma_start3A_346 = tpu.memref_slice %arg5[%arg0, %add3A_177, %dma_start3A_345] : memref<2x10000x16xf32, #tpu.memory_space<hbm>> -> memref<1x125x16xf32, #tpu.memory_space<hbm>>
      %dma_start3A_347 = tpu.memref_squeeze %dma_start3A_346 : memref<1x125x16xf32, #tpu.memory_space<hbm>> -> memref<125x16xf32, #tpu.memory_space<hbm>>
      tpu.enqueue_dma source(%arg16 : memref<125x16xf32, #tpu.memory_space<vmem>>) target(%dma_start3A_347 : memref<125x16xf32, #tpu.memory_space<hbm>>) target_semaphore(%run_scoped3A_341 : memref<!tpu.dma_semaphore, #tpu.memory_space<semaphore_mem>>)
      %dma_wait3A_348 = arith.constant 0 : i32
      %dma_wait3A_349 = tpu.memref_slice %arg5[%arg0, %add3A_177, %dma_wait3A_348] : memref<2x10000x16xf32, #tpu.memory_space<hbm>> -> memref<1x125x16xf32, #tpu.memory_space<hbm>>
      %dma_wait3A_350 = tpu.memref_squeeze %dma_wait3A_349 : memref<1x125x16xf32, #tpu.memory_space<hbm>> -> memref<125x16xf32, #tpu.memory_space<hbm>>
      %dma_wait3A_351 = arith.constant 0 : i32
      %dma_wait3A_352 = tpu.memref_slice %arg5[%arg0, %add3A_177, %dma_wait3A_351] : memref<2x10000x16xf32, #tpu.memory_space<hbm>> -> memref<1x125x16xf32, #tpu.memory_space<hbm>>
      %dma_wait3A_353 = tpu.memref_squeeze %dma_wait3A_352 : memref<1x125x16xf32, #tpu.memory_space<hbm>> -> memref<125x16xf32, #tpu.memory_space<hbm>>
      tpu.wait_dma2 semaphore(%run_scoped3A_341 : memref<!tpu.dma_semaphore, #tpu.memory_space<semaphore_mem>>) src(%arg16 : memref<125x16xf32, #tpu.memory_space<vmem>>) dst(%dma_wait3A_353 : memref<125x16xf32, #tpu.memory_space<hbm>>)
      tpu.yield
    }) : () -> ()
    %mul3A_178 = arith.constant 625 : i32
    %mul3A_179 = arith.muli %arg1, %mul3A_178 : i32
    %add3A_180 = arith.constant 500 : i32
    %add3A_181 = arith.addi %mul3A_179, %add3A_180 : i32
    "tpu.region"() ({
      %run_scoped3A_341 = tpu.sem_alloc : memref<!tpu.dma_semaphore, #tpu.memory_space<semaphore_mem>>
      %dma_start3A_342 = arith.constant 0 : i32
      %dma_start3A_343 = tpu.memref_slice %arg17[%add3A_181, %dma_start3A_342] : memref<10000x64xf32, #tpu.memory_space<vmem_shared>> -> memref<125x64xf32, #tpu.memory_space<vmem_shared>>
      %dma_start3A_344 = arith.constant 0 : i32
      %dma_start3A_345 = tpu.memref_slice %arg17[%add3A_181, %dma_start3A_344] : memref<10000x64xf32, #tpu.memory_space<vmem_shared>> -> memref<125x64xf32, #tpu.memory_space<vmem_shared>>
      tpu.enqueue_dma source(%dma_start3A_345 : memref<125x64xf32, #tpu.memory_space<vmem_shared>>) target(%arg15 : memref<125x64xf32, #tpu.memory_space<vmem>>) target_semaphore(%run_scoped3A_341 : memref<!tpu.dma_semaphore, #tpu.memory_space<semaphore_mem>>)
      %dma_wait3A_346 = arith.constant 0 : i32
      %dma_wait3A_347 = tpu.memref_slice %arg17[%add3A_181, %dma_wait3A_346] : memref<10000x64xf32, #tpu.memory_space<vmem_shared>> -> memref<125x64xf32, #tpu.memory_space<vmem_shared>>
      %dma_wait3A_348 = arith.constant 0 : i32
      %dma_wait3A_349 = tpu.memref_slice %arg17[%add3A_181, %dma_wait3A_348] : memref<10000x64xf32, #tpu.memory_space<vmem_shared>> -> memref<125x64xf32, #tpu.memory_space<vmem_shared>>
      tpu.wait_dma2 semaphore(%run_scoped3A_341 : memref<!tpu.dma_semaphore, #tpu.memory_space<semaphore_mem>>) src(%dma_wait3A_349 : memref<125x64xf32, #tpu.memory_space<vmem_shared>>) dst(%arg15 : memref<125x64xf32, #tpu.memory_space<vmem>>)
      tpu.yield
    }) : () -> ()
    "tpu.region"() ({
      %run_scoped3A_341 = tpu.sem_alloc : memref<!tpu.dma_semaphore, #tpu.memory_space<semaphore_mem>>
      %dma_start3A_342 = arith.constant 0 : i32
      %dma_start3A_343 = tpu.memref_slice %arg4[%arg0, %add3A_181, %dma_start3A_342] : memref<2x10000x128xf32, #tpu.memory_space<hbm>> -> memref<1x125x64xf32, #tpu.memory_space<hbm>>
      %dma_start3A_344 = tpu.memref_squeeze %dma_start3A_343 : memref<1x125x64xf32, #tpu.memory_space<hbm>> -> memref<125x64xf32, #tpu.memory_space<hbm>>
      %dma_start3A_345 = arith.constant 0 : i32
      %dma_start3A_346 = tpu.memref_slice %arg4[%arg0, %add3A_181, %dma_start3A_345] : memref<2x10000x128xf32, #tpu.memory_space<hbm>> -> memref<1x125x64xf32, #tpu.memory_space<hbm>>
      %dma_start3A_347 = tpu.memref_squeeze %dma_start3A_346 : memref<1x125x64xf32, #tpu.memory_space<hbm>> -> memref<125x64xf32, #tpu.memory_space<hbm>>
      tpu.enqueue_dma source(%arg15 : memref<125x64xf32, #tpu.memory_space<vmem>>) target(%dma_start3A_347 : memref<125x64xf32, #tpu.memory_space<hbm>>) target_semaphore(%run_scoped3A_341 : memref<!tpu.dma_semaphore, #tpu.memory_space<semaphore_mem>>)
      %dma_wait3A_348 = arith.constant 0 : i32
      %dma_wait3A_349 = tpu.memref_slice %arg4[%arg0, %add3A_181, %dma_wait3A_348] : memref<2x10000x128xf32, #tpu.memory_space<hbm>> -> memref<1x125x64xf32, #tpu.memory_space<hbm>>
      %dma_wait3A_350 = tpu.memref_squeeze %dma_wait3A_349 : memref<1x125x64xf32, #tpu.memory_space<hbm>> -> memref<125x64xf32, #tpu.memory_space<hbm>>
      %dma_wait3A_351 = arith.constant 0 : i32
      %dma_wait3A_352 = tpu.memref_slice %arg4[%arg0, %add3A_181, %dma_wait3A_351] : memref<2x10000x128xf32, #tpu.memory_space<hbm>> -> memref<1x125x64xf32, #tpu.memory_space<hbm>>
      %dma_wait3A_353 = tpu.memref_squeeze %dma_wait3A_352 : memref<1x125x64xf32, #tpu.memory_space<hbm>> -> memref<125x64xf32, #tpu.memory_space<hbm>>
      tpu.wait_dma2 semaphore(%run_scoped3A_341 : memref<!tpu.dma_semaphore, #tpu.memory_space<semaphore_mem>>) src(%arg15 : memref<125x64xf32, #tpu.memory_space<vmem>>) dst(%dma_wait3A_353 : memref<125x64xf32, #tpu.memory_space<hbm>>)
      tpu.yield
    }) : () -> ()
    "tpu.region"() ({
      %run_scoped3A_341 = tpu.sem_alloc : memref<!tpu.dma_semaphore, #tpu.memory_space<semaphore_mem>>
      %dma_start3A_342 = arith.constant 0 : i32
      %dma_start3A_343 = tpu.memref_slice %arg18[%add3A_181, %dma_start3A_342] : memref<10000x16xf32, #tpu.memory_space<vmem_shared>> -> memref<125x16xf32, #tpu.memory_space<vmem_shared>>
      %dma_start3A_344 = arith.constant 0 : i32
      %dma_start3A_345 = tpu.memref_slice %arg18[%add3A_181, %dma_start3A_344] : memref<10000x16xf32, #tpu.memory_space<vmem_shared>> -> memref<125x16xf32, #tpu.memory_space<vmem_shared>>
      tpu.enqueue_dma source(%dma_start3A_345 : memref<125x16xf32, #tpu.memory_space<vmem_shared>>) target(%arg16 : memref<125x16xf32, #tpu.memory_space<vmem>>) target_semaphore(%run_scoped3A_341 : memref<!tpu.dma_semaphore, #tpu.memory_space<semaphore_mem>>)
      %dma_wait3A_346 = arith.constant 0 : i32
      %dma_wait3A_347 = tpu.memref_slice %arg18[%add3A_181, %dma_wait3A_346] : memref<10000x16xf32, #tpu.memory_space<vmem_shared>> -> memref<125x16xf32, #tpu.memory_space<vmem_shared>>
      %dma_wait3A_348 = arith.constant 0 : i32
      %dma_wait3A_349 = tpu.memref_slice %arg18[%add3A_181, %dma_wait3A_348] : memref<10000x16xf32, #tpu.memory_space<vmem_shared>> -> memref<125x16xf32, #tpu.memory_space<vmem_shared>>
      tpu.wait_dma2 semaphore(%run_scoped3A_341 : memref<!tpu.dma_semaphore, #tpu.memory_space<semaphore_mem>>) src(%dma_wait3A_349 : memref<125x16xf32, #tpu.memory_space<vmem_shared>>) dst(%arg16 : memref<125x16xf32, #tpu.memory_space<vmem>>)
      tpu.yield
    }) : () -> ()
    "tpu.region"() ({
      %run_scoped3A_341 = tpu.sem_alloc : memref<!tpu.dma_semaphore, #tpu.memory_space<semaphore_mem>>
      %dma_start3A_342 = arith.constant 0 : i32
      %dma_start3A_343 = tpu.memref_slice %arg5[%arg0, %add3A_181, %dma_start3A_342] : memref<2x10000x16xf32, #tpu.memory_space<hbm>> -> memref<1x125x16xf32, #tpu.memory_space<hbm>>
      %dma_start3A_344 = tpu.memref_squeeze %dma_start3A_343 : memref<1x125x16xf32, #tpu.memory_space<hbm>> -> memref<125x16xf32, #tpu.memory_space<hbm>>
      %dma_start3A_345 = arith.constant 0 : i32
      %dma_start3A_346 = tpu.memref_slice %arg5[%arg0, %add3A_181, %dma_start3A_345] : memref<2x10000x16xf32, #tpu.memory_space<hbm>> -> memref<1x125x16xf32, #tpu.memory_space<hbm>>
      %dma_start3A_347 = tpu.memref_squeeze %dma_start3A_346 : memref<1x125x16xf32, #tpu.memory_space<hbm>> -> memref<125x16xf32, #tpu.memory_space<hbm>>
      tpu.enqueue_dma source(%arg16 : memref<125x16xf32, #tpu.memory_space<vmem>>) target(%dma_start3A_347 : memref<125x16xf32, #tpu.memory_space<hbm>>) target_semaphore(%run_scoped3A_341 : memref<!tpu.dma_semaphore, #tpu.memory_space<semaphore_mem>>)
      %dma_wait3A_348 = arith.constant 0 : i32
      %dma_wait3A_349 = tpu.memref_slice %arg5[%arg0, %add3A_181, %dma_wait3A_348] : memref<2x10000x16xf32, #tpu.memory_space<hbm>> -> memref<1x125x16xf32, #tpu.memory_space<hbm>>
      %dma_wait3A_350 = tpu.memref_squeeze %dma_wait3A_349 : memref<1x125x16xf32, #tpu.memory_space<hbm>> -> memref<125x16xf32, #tpu.memory_space<hbm>>
      %dma_wait3A_351 = arith.constant 0 : i32
      %dma_wait3A_352 = tpu.memref_slice %arg5[%arg0, %add3A_181, %dma_wait3A_351] : memref<2x10000x16xf32, #tpu.memory_space<hbm>> -> memref<1x125x16xf32, #tpu.memory_space<hbm>>
      %dma_wait3A_353 = tpu.memref_squeeze %dma_wait3A_352 : memref<1x125x16xf32, #tpu.memory_space<hbm>> -> memref<125x16xf32, #tpu.memory_space<hbm>>
      tpu.wait_dma2 semaphore(%run_scoped3A_341 : memref<!tpu.dma_semaphore, #tpu.memory_space<semaphore_mem>>) src(%arg16 : memref<125x16xf32, #tpu.memory_space<vmem>>) dst(%dma_wait3A_353 : memref<125x16xf32, #tpu.memory_space<hbm>>)
      tpu.yield
    }) : () -> ()
    %barrier3A_182 = arith.constant 0 : index
    tpu.barrier barrier_id(%barrier3A_182)
    %scan3A_183 = arith.constant 0 : i32
    %scan3A_184 = arith.constant 125 : i32
    %scan3A_185 = arith.addi %scan3A_183, %scan3A_184 : i32
    %scan3A_186 = arith.constant 1 : i32
    scf.for %scan3A_341 = %scan3A_183 to %scan3A_185 step %scan3A_186  : i32 {
      %mul3A_342 = arith.constant 1 : i32
      %mul3A_343 = arith.muli %scan3A_341, %mul3A_342 : i32
      %add3A_344 = arith.constant 0 : i32
      %add3A_345 = arith.addi %add3A_344, %mul3A_343 : i32
      %broadcast_in_dim3A = arith.constant 0.000000e+00 : f32
      %broadcast_in_dim3A_346 = vector.broadcast %broadcast_in_dim3A : f32 to vector<16xf32>
      %swap3A = arith.index_cast %add3A_345 : i32 to index
      %swap3A_347 = arith.constant 0 : index
      %swap3A_348 = tpu.vector_load %arg15[%swap3A, %swap3A_347] {strides = array<i32>} : memref<125x64xf32, #tpu.memory_space<vmem>>, vector<1x16xf32>,
      %swap3A_349 = vector.shape_cast %swap3A_348 : vector<1x16xf32> to vector<16xf32>
      %swap3A_350 = vector.shape_cast %broadcast_in_dim3A_346 : vector<16xf32> to vector<1x16xf32>
      tpu.vector_store %arg15[%swap3A, %swap3A_347], %swap3A_350 {strides = array<i32>} : memref<125x64xf32, #tpu.memory_space<vmem>>, vector<1x16xf32>,
      %broadcast_in_dim3A_351 = arith.constant 0.000000e+00 : f32
      %broadcast_in_dim3A_352 = vector.broadcast %broadcast_in_dim3A_351 : f32 to vector<16xf32>
      %swap3A_353 = arith.index_cast %add3A_345 : i32 to index
      %swap3A_354 = arith.constant 16 : index
      %swap3A_355 = tpu.vector_load %arg15[%swap3A_353, %swap3A_354] {strides = array<i32>} : memref<125x64xf32, #tpu.memory_space<vmem>>, vector<1x16xf32>,
      %swap3A_356 = vector.shape_cast %swap3A_355 : vector<1x16xf32> to vector<16xf32>
      %swap3A_357 = vector.shape_cast %broadcast_in_dim3A_352 : vector<16xf32> to vector<1x16xf32>
      tpu.vector_store %arg15[%swap3A_353, %swap3A_354], %swap3A_357 {strides = array<i32>} : memref<125x64xf32, #tpu.memory_space<vmem>>, vector<1x16xf32>,
      %broadcast_in_dim3A_358 = arith.constant 0.000000e+00 : f32
      %broadcast_in_dim3A_359 = vector.broadcast %broadcast_in_dim3A_358 : f32 to vector<16xf32>
      %swap3A_360 = arith.index_cast %add3A_345 : i32 to index
      %swap3A_361 = arith.constant 32 : index
      %swap3A_362 = tpu.vector_load %arg15[%swap3A_360, %swap3A_361] {strides = array<i32>} : memref<125x64xf32, #tpu.memory_space<vmem>>, vector<1x16xf32>,
      %swap3A_363 = vector.shape_cast %swap3A_362 : vector<1x16xf32> to vector<16xf32>
      %swap3A_364 = vector.shape_cast %broadcast_in_dim3A_359 : vector<16xf32> to vector<1x16xf32>
      tpu.vector_store %arg15[%swap3A_360, %swap3A_361], %swap3A_364 {strides = array<i32>} : memref<125x64xf32, #tpu.memory_space<vmem>>, vector<1x16xf32>,
      %broadcast_in_dim3A_365 = arith.constant 0.000000e+00 : f32
      %broadcast_in_dim3A_366 = vector.broadcast %broadcast_in_dim3A_365 : f32 to vector<16xf32>
      %swap3A_367 = arith.index_cast %add3A_345 : i32 to index
      %swap3A_368 = arith.constant 48 : index
      %swap3A_369 = tpu.vector_load %arg15[%swap3A_367, %swap3A_368] {strides = array<i32>} : memref<125x64xf32, #tpu.memory_space<vmem>>, vector<1x16xf32>,
      %swap3A_370 = vector.shape_cast %swap3A_369 : vector<1x16xf32> to vector<16xf32>
      %swap3A_371 = vector.shape_cast %broadcast_in_dim3A_366 : vector<16xf32> to vector<1x16xf32>
      tpu.vector_store %arg15[%swap3A_367, %swap3A_368], %swap3A_371 {strides = array<i32>} : memref<125x64xf32, #tpu.memory_space<vmem>>, vector<1x16xf32>,
    }
    %scan3A_187 = arith.constant 125 : i32
    %mul3A_188 = arith.constant 625 : i32
    %mul3A_189 = arith.muli %arg1, %mul3A_188 : i32
    %add3A_190 = arith.constant 0 : i32
    %add3A_191 = arith.addi %mul3A_189, %add3A_190 : i32
    "tpu.region"() ({
      %run_scoped3A_341 = tpu.sem_alloc : memref<!tpu.dma_semaphore, #tpu.memory_space<semaphore_mem>>
      %dma_start3A_342 = arith.constant 0 : i32
      %dma_start3A_343 = tpu.memref_slice %arg17[%add3A_191, %dma_start3A_342] : memref<10000x64xf32, #tpu.memory_space<vmem_shared>> -> memref<125x64xf32, #tpu.memory_space<vmem_shared>>
      %dma_start3A_344 = arith.constant 0 : i32
      %dma_start3A_345 = tpu.memref_slice %arg17[%add3A_191, %dma_start3A_344] : memref<10000x64xf32, #tpu.memory_space<vmem_shared>> -> memref<125x64xf32, #tpu.memory_space<vmem_shared>>
      tpu.enqueue_dma source(%arg15 : memref<125x64xf32, #tpu.memory_space<vmem>>) target(%dma_start3A_345 : memref<125x64xf32, #tpu.memory_space<vmem_shared>>) target_semaphore(%run_scoped3A_341 : memref<!tpu.dma_semaphore, #tpu.memory_space<semaphore_mem>>)
      %dma_wait3A_346 = arith.constant 0 : i32
      %dma_wait3A_347 = tpu.memref_slice %arg17[%add3A_191, %dma_wait3A_346] : memref<10000x64xf32, #tpu.memory_space<vmem_shared>> -> memref<125x64xf32, #tpu.memory_space<vmem_shared>>
      %dma_wait3A_348 = arith.constant 0 : i32
      %dma_wait3A_349 = tpu.memref_slice %arg17[%add3A_191, %dma_wait3A_348] : memref<10000x64xf32, #tpu.memory_space<vmem_shared>> -> memref<125x64xf32, #tpu.memory_space<vmem_shared>>
      tpu.wait_dma2 semaphore(%run_scoped3A_341 : memref<!tpu.dma_semaphore, #tpu.memory_space<semaphore_mem>>) src(%arg15 : memref<125x64xf32, #tpu.memory_space<vmem>>) dst(%dma_wait3A_349 : memref<125x64xf32, #tpu.memory_space<vmem_shared>>)
      tpu.yield
    }) : () -> ()
    %mul3A_192 = arith.constant 625 : i32
    %mul3A_193 = arith.muli %arg1, %mul3A_192 : i32
    %add3A_194 = arith.constant 125 : i32
    %add3A_195 = arith.addi %mul3A_193, %add3A_194 : i32
    "tpu.region"() ({
      %run_scoped3A_341 = tpu.sem_alloc : memref<!tpu.dma_semaphore, #tpu.memory_space<semaphore_mem>>
      %dma_start3A_342 = arith.constant 0 : i32
      %dma_start3A_343 = tpu.memref_slice %arg17[%add3A_195, %dma_start3A_342] : memref<10000x64xf32, #tpu.memory_space<vmem_shared>> -> memref<125x64xf32, #tpu.memory_space<vmem_shared>>
      %dma_start3A_344 = arith.constant 0 : i32
      %dma_start3A_345 = tpu.memref_slice %arg17[%add3A_195, %dma_start3A_344] : memref<10000x64xf32, #tpu.memory_space<vmem_shared>> -> memref<125x64xf32, #tpu.memory_space<vmem_shared>>
      tpu.enqueue_dma source(%arg15 : memref<125x64xf32, #tpu.memory_space<vmem>>) target(%dma_start3A_345 : memref<125x64xf32, #tpu.memory_space<vmem_shared>>) target_semaphore(%run_scoped3A_341 : memref<!tpu.dma_semaphore, #tpu.memory_space<semaphore_mem>>)
      %dma_wait3A_346 = arith.constant 0 : i32
      %dma_wait3A_347 = tpu.memref_slice %arg17[%add3A_195, %dma_wait3A_346] : memref<10000x64xf32, #tpu.memory_space<vmem_shared>> -> memref<125x64xf32, #tpu.memory_space<vmem_shared>>
      %dma_wait3A_348 = arith.constant 0 : i32
      %dma_wait3A_349 = tpu.memref_slice %arg17[%add3A_195, %dma_wait3A_348] : memref<10000x64xf32, #tpu.memory_space<vmem_shared>> -> memref<125x64xf32, #tpu.memory_space<vmem_shared>>
      tpu.wait_dma2 semaphore(%run_scoped3A_341 : memref<!tpu.dma_semaphore, #tpu.memory_space<semaphore_mem>>) src(%arg15 : memref<125x64xf32, #tpu.memory_space<vmem>>) dst(%dma_wait3A_349 : memref<125x64xf32, #tpu.memory_space<vmem_shared>>)
      tpu.yield
    }) : () -> ()
    %mul3A_196 = arith.constant 625 : i32
    %mul3A_197 = arith.muli %arg1, %mul3A_196 : i32
    %add3A_198 = arith.constant 250 : i32
    %add3A_199 = arith.addi %mul3A_197, %add3A_198 : i32
    "tpu.region"() ({
      %run_scoped3A_341 = tpu.sem_alloc : memref<!tpu.dma_semaphore, #tpu.memory_space<semaphore_mem>>
      %dma_start3A_342 = arith.constant 0 : i32
      %dma_start3A_343 = tpu.memref_slice %arg17[%add3A_199, %dma_start3A_342] : memref<10000x64xf32, #tpu.memory_space<vmem_shared>> -> memref<125x64xf32, #tpu.memory_space<vmem_shared>>
      %dma_start3A_344 = arith.constant 0 : i32
      %dma_start3A_345 = tpu.memref_slice %arg17[%add3A_199, %dma_start3A_344] : memref<10000x64xf32, #tpu.memory_space<vmem_shared>> -> memref<125x64xf32, #tpu.memory_space<vmem_shared>>
      tpu.enqueue_dma source(%arg15 : memref<125x64xf32, #tpu.memory_space<vmem>>) target(%dma_start3A_345 : memref<125x64xf32, #tpu.memory_space<vmem_shared>>) target_semaphore(%run_scoped3A_341 : memref<!tpu.dma_semaphore, #tpu.memory_space<semaphore_mem>>)
      %dma_wait3A_346 = arith.constant 0 : i32
      %dma_wait3A_347 = tpu.memref_slice %arg17[%add3A_199, %dma_wait3A_346] : memref<10000x64xf32, #tpu.memory_space<vmem_shared>> -> memref<125x64xf32, #tpu.memory_space<vmem_shared>>
      %dma_wait3A_348 = arith.constant 0 : i32
      %dma_wait3A_349 = tpu.memref_slice %arg17[%add3A_199, %dma_wait3A_348] : memref<10000x64xf32, #tpu.memory_space<vmem_shared>> -> memref<125x64xf32, #tpu.memory_space<vmem_shared>>
      tpu.wait_dma2 semaphore(%run_scoped3A_341 : memref<!tpu.dma_semaphore, #tpu.memory_space<semaphore_mem>>) src(%arg15 : memref<125x64xf32, #tpu.memory_space<vmem>>) dst(%dma_wait3A_349 : memref<125x64xf32, #tpu.memory_space<vmem_shared>>)
      tpu.yield
    }) : () -> ()
    %mul3A_200 = arith.constant 625 : i32
    %mul3A_201 = arith.muli %arg1, %mul3A_200 : i32
    %add3A_202 = arith.constant 375 : i32
    %add3A_203 = arith.addi %mul3A_201, %add3A_202 : i32
    "tpu.region"() ({
      %run_scoped3A_341 = tpu.sem_alloc : memref<!tpu.dma_semaphore, #tpu.memory_space<semaphore_mem>>
      %dma_start3A_342 = arith.constant 0 : i32
      %dma_start3A_343 = tpu.memref_slice %arg17[%add3A_203, %dma_start3A_342] : memref<10000x64xf32, #tpu.memory_space<vmem_shared>> -> memref<125x64xf32, #tpu.memory_space<vmem_shared>>
      %dma_start3A_344 = arith.constant 0 : i32
      %dma_start3A_345 = tpu.memref_slice %arg17[%add3A_203, %dma_start3A_344] : memref<10000x64xf32, #tpu.memory_space<vmem_shared>> -> memref<125x64xf32, #tpu.memory_space<vmem_shared>>
      tpu.enqueue_dma source(%arg15 : memref<125x64xf32, #tpu.memory_space<vmem>>) target(%dma_start3A_345 : memref<125x64xf32, #tpu.memory_space<vmem_shared>>) target_semaphore(%run_scoped3A_341 : memref<!tpu.dma_semaphore, #tpu.memory_space<semaphore_mem>>)
      %dma_wait3A_346 = arith.constant 0 : i32
      %dma_wait3A_347 = tpu.memref_slice %arg17[%add3A_203, %dma_wait3A_346] : memref<10000x64xf32, #tpu.memory_space<vmem_shared>> -> memref<125x64xf32, #tpu.memory_space<vmem_shared>>
      %dma_wait3A_348 = arith.constant 0 : i32
      %dma_wait3A_349 = tpu.memref_slice %arg17[%add3A_203, %dma_wait3A_348] : memref<10000x64xf32, #tpu.memory_space<vmem_shared>> -> memref<125x64xf32, #tpu.memory_space<vmem_shared>>
      tpu.wait_dma2 semaphore(%run_scoped3A_341 : memref<!tpu.dma_semaphore, #tpu.memory_space<semaphore_mem>>) src(%arg15 : memref<125x64xf32, #tpu.memory_space<vmem>>) dst(%dma_wait3A_349 : memref<125x64xf32, #tpu.memory_space<vmem_shared>>)
      tpu.yield
    }) : () -> ()
    %mul3A_204 = arith.constant 625 : i32
    %mul3A_205 = arith.muli %arg1, %mul3A_204 : i32
    %add3A_206 = arith.constant 500 : i32
    %add3A_207 = arith.addi %mul3A_205, %add3A_206 : i32
    "tpu.region"() ({
      %run_scoped3A_341 = tpu.sem_alloc : memref<!tpu.dma_semaphore, #tpu.memory_space<semaphore_mem>>
      %dma_start3A_342 = arith.constant 0 : i32
      %dma_start3A_343 = tpu.memref_slice %arg17[%add3A_207, %dma_start3A_342] : memref<10000x64xf32, #tpu.memory_space<vmem_shared>> -> memref<125x64xf32, #tpu.memory_space<vmem_shared>>
      %dma_start3A_344 = arith.constant 0 : i32
      %dma_start3A_345 = tpu.memref_slice %arg17[%add3A_207, %dma_start3A_344] : memref<10000x64xf32, #tpu.memory_space<vmem_shared>> -> memref<125x64xf32, #tpu.memory_space<vmem_shared>>
      tpu.enqueue_dma source(%arg15 : memref<125x64xf32, #tpu.memory_space<vmem>>) target(%dma_start3A_345 : memref<125x64xf32, #tpu.memory_space<vmem_shared>>) target_semaphore(%run_scoped3A_341 : memref<!tpu.dma_semaphore, #tpu.memory_space<semaphore_mem>>)
      %dma_wait3A_346 = arith.constant 0 : i32
      %dma_wait3A_347 = tpu.memref_slice %arg17[%add3A_207, %dma_wait3A_346] : memref<10000x64xf32, #tpu.memory_space<vmem_shared>> -> memref<125x64xf32, #tpu.memory_space<vmem_shared>>
      %dma_wait3A_348 = arith.constant 0 : i32
      %dma_wait3A_349 = tpu.memref_slice %arg17[%add3A_207, %dma_wait3A_348] : memref<10000x64xf32, #tpu.memory_space<vmem_shared>> -> memref<125x64xf32, #tpu.memory_space<vmem_shared>>
      tpu.wait_dma2 semaphore(%run_scoped3A_341 : memref<!tpu.dma_semaphore, #tpu.memory_space<semaphore_mem>>) src(%arg15 : memref<125x64xf32, #tpu.memory_space<vmem>>) dst(%dma_wait3A_349 : memref<125x64xf32, #tpu.memory_space<vmem_shared>>)
      tpu.yield
    }) : () -> ()
    %barrier3A_208 = arith.constant 0 : index
    tpu.barrier barrier_id(%barrier3A_208)
    %dma_start3A_209 = arith.constant 0 : i32
    %dma_start3A_210 = arith.constant 0 : i32
    %dma_start3A_211 = tpu.memref_slice %arg6[%dma_start3A_209, %dma_start3A_210] : memref<80x125xi32, #tpu.memory_space<vmem>> -> memref<1x125xi32, #tpu.memory_space<vmem>>
    %dma_start3A_212 = tpu.memref_squeeze %dma_start3A_211 : memref<1x125xi32, #tpu.memory_space<vmem>> -> memref<125xi32, #tpu.memory_space<vmem>>
    %dma_start3A_213 = arith.constant 1 : i32
    %dma_start3A_214 = arith.constant 0 : i32
    %dma_start3A_215 = tpu.memref_slice %arg2[%dma_start3A_213, %dma_start3A_214] : memref<20000x64xf32, #tpu.memory_space<hbm>> -> memref<19999x64xf32, #tpu.memory_space<hbm>>
    %dma_start3A_216 = arith.constant 0 : i32
    %dma_start3A_217 = arith.constant 0 : i32
    %dma_start3A_218 = tpu.memref_slice %dma_start3A_215[%dma_start3A_216, %dma_start3A_217] : memref<19999x64xf32, #tpu.memory_space<hbm>> -> memref<19999x64xf32, #tpu.memory_space<hbm>>
    tpu.enqueue_indirect_dma source(%dma_start3A_218 : memref<19999x64xf32, #tpu.memory_space<hbm>>) target(%arg8 : memref<125x64xf32, #tpu.memory_space<vmem>>) offsets(%dma_start3A_212 : memref<125xi32, #tpu.memory_space<vmem>>) semaphore(%arg19 : memref<!tpu.dma_semaphore, #tpu.memory_space<semaphore_mem>>)
    %dma_start3A_219 = arith.constant 1 : i32
    %dma_start3A_220 = arith.constant 0 : i32
    %dma_start3A_221 = tpu.memref_slice %arg6[%dma_start3A_219, %dma_start3A_220] : memref<80x125xi32, #tpu.memory_space<vmem>> -> memref<1x125xi32, #tpu.memory_space<vmem>>
    %dma_start3A_222 = tpu.memref_squeeze %dma_start3A_221 : memref<1x125xi32, #tpu.memory_space<vmem>> -> memref<125xi32, #tpu.memory_space<vmem>>
    %dma_start3A_223 = arith.constant 1 : i32
    %dma_start3A_224 = arith.constant 0 : i32
    %dma_start3A_225 = tpu.memref_slice %arg2[%dma_start3A_223, %dma_start3A_224] : memref<20000x64xf32, #tpu.memory_space<hbm>> -> memref<19999x64xf32, #tpu.memory_space<hbm>>
    %dma_start3A_226 = arith.constant 0 : i32
    %dma_start3A_227 = arith.constant 0 : i32
    %dma_start3A_228 = tpu.memref_slice %dma_start3A_225[%dma_start3A_226, %dma_start3A_227] : memref<19999x64xf32, #tpu.memory_space<hbm>> -> memref<19999x64xf32, #tpu.memory_space<hbm>>
    tpu.enqueue_indirect_dma source(%dma_start3A_228 : memref<19999x64xf32, #tpu.memory_space<hbm>>) target(%arg9 : memref<125x64xf32, #tpu.memory_space<vmem>>) offsets(%dma_start3A_222 : memref<125xi32, #tpu.memory_space<vmem>>) semaphore(%arg20 : memref<!tpu.dma_semaphore, #tpu.memory_space<semaphore_mem>>)
    %dma_start3A_229 = arith.constant 2 : i32
    %dma_start3A_230 = arith.constant 0 : i32
    %dma_start3A_231 = tpu.memref_slice %arg6[%dma_start3A_229, %dma_start3A_230] : memref<80x125xi32, #tpu.memory_space<vmem>> -> memref<1x125xi32, #tpu.memory_space<vmem>>
    %dma_start3A_232 = tpu.memref_squeeze %dma_start3A_231 : memref<1x125xi32, #tpu.memory_space<vmem>> -> memref<125xi32, #tpu.memory_space<vmem>>
    %dma_start3A_233 = arith.constant 1 : i32
    %dma_start3A_234 = arith.constant 0 : i32
    %dma_start3A_235 = tpu.memref_slice %arg2[%dma_start3A_233, %dma_start3A_234] : memref<20000x64xf32, #tpu.memory_space<hbm>> -> memref<19999x64xf32, #tpu.memory_space<hbm>>
    %dma_start3A_236 = arith.constant 0 : i32
    %dma_start3A_237 = arith.constant 0 : i32
    %dma_start3A_238 = tpu.memref_slice %dma_start3A_235[%dma_start3A_236, %dma_start3A_237] : memref<19999x64xf32, #tpu.memory_space<hbm>> -> memref<19999x64xf32, #tpu.memory_space<hbm>>
    tpu.enqueue_indirect_dma source(%dma_start3A_238 : memref<19999x64xf32, #tpu.memory_space<hbm>>) target(%arg10 : memref<125x64xf32, #tpu.memory_space<vmem>>) offsets(%dma_start3A_232 : memref<125xi32, #tpu.memory_space<vmem>>) semaphore(%arg21 : memref<!tpu.dma_semaphore, #tpu.memory_space<semaphore_mem>>)
    %dma_start3A_239 = arith.constant 3 : i32
    %dma_start3A_240 = arith.constant 0 : i32
    %dma_start3A_241 = tpu.memref_slice %arg6[%dma_start3A_239, %dma_start3A_240] : memref<80x125xi32, #tpu.memory_space<vmem>> -> memref<1x125xi32, #tpu.memory_space<vmem>>
    %dma_start3A_242 = tpu.memref_squeeze %dma_start3A_241 : memref<1x125xi32, #tpu.memory_space<vmem>> -> memref<125xi32, #tpu.memory_space<vmem>>
    %dma_start3A_243 = arith.constant 1 : i32
    %dma_start3A_244 = arith.constant 0 : i32
    %dma_start3A_245 = tpu.memref_slice %arg2[%dma_start3A_243, %dma_start3A_244] : memref<20000x64xf32, #tpu.memory_space<hbm>> -> memref<19999x64xf32, #tpu.memory_space<hbm>>
    %dma_start3A_246 = arith.constant 0 : i32
    %dma_start3A_247 = arith.constant 0 : i32
    %dma_start3A_248 = tpu.memref_slice %dma_start3A_245[%dma_start3A_246, %dma_start3A_247] : memref<19999x64xf32, #tpu.memory_space<hbm>> -> memref<19999x64xf32, #tpu.memory_space<hbm>>
    tpu.enqueue_indirect_dma source(%dma_start3A_248 : memref<19999x64xf32, #tpu.memory_space<hbm>>) target(%arg11 : memref<125x64xf32, #tpu.memory_space<vmem>>) offsets(%dma_start3A_242 : memref<125xi32, #tpu.memory_space<vmem>>) semaphore(%arg22 : memref<!tpu.dma_semaphore, #tpu.memory_space<semaphore_mem>>)
    %scan3A_249 = arith.constant 0 : i32
    %scan3A_250 = arith.constant 13 : i32
    %scan3A_251 = arith.addi %scan3A_249, %scan3A_250 : i32
    %scan3A_252 = arith.constant 1 : i32
    scf.for %scan3A_341 = %scan3A_249 to %scan3A_251 step %scan3A_252  : i32 {
      %mul3A_342 = arith.constant 1 : i32
      %mul3A_343 = arith.muli %scan3A_341, %mul3A_342 : i32
      %add3A_344 = arith.constant 0 : i32
      %add3A_345 = arith.addi %add3A_344, %mul3A_343 : i32
      %mul3A_346 = arith.constant 6 : i32
      %mul3A_347 = arith.muli %mul3A_346, %add3A_345 : i32
      %add3A_348 = arith.constant 0 : i32
      %add3A_349 = arith.addi %mul3A_347, %add3A_348 : i32
      %eq3A = arith.constant 0 : i32
      %eq3A_350 = arith.cmpi eq, %add3A_345, %eq3A : i32
      %dma_wait3A_351 = arith.constant 0 : i32
      %dma_wait3A_352 = tpu.memref_slice %arg6[%add3A_349, %dma_wait3A_351] : memref<80x125xi32, #tpu.memory_space<vmem>> -> memref<1x125xi32, #tpu.memory_space<vmem>>
      %dma_wait3A_353 = tpu.memref_squeeze %dma_wait3A_352 : memref<1x125xi32, #tpu.memory_space<vmem>> -> memref<125xi32, #tpu.memory_space<vmem>>
      %dma_wait3A_354 = arith.constant 1 : i32
      %dma_wait3A_355 = arith.constant 0 : i32
      %dma_wait3A_356 = tpu.memref_slice %arg2[%dma_wait3A_354, %dma_wait3A_355] : memref<20000x64xf32, #tpu.memory_space<hbm>> -> memref<19999x64xf32, #tpu.memory_space<hbm>>
      %dma_wait3A_357 = arith.constant 0 : i32
      %dma_wait3A_358 = arith.constant 0 : i32
      %dma_wait3A_359 = tpu.memref_slice %dma_wait3A_356[%dma_wait3A_357, %dma_wait3A_358] : memref<19999x64xf32, #tpu.memory_space<hbm>> -> memref<19999x64xf32, #tpu.memory_space<hbm>>
      tpu.wait_indirect_dma semaphore(%arg19 : memref<!tpu.dma_semaphore, #tpu.memory_space<semaphore_mem>>) src(%dma_wait3A_359 : memref<19999x64xf32, #tpu.memory_space<hbm>>) dst(%arg8 : memref<125x64xf32, #tpu.memory_space<vmem>>)
      %dma_start3A_360 = arith.constant 0 : i32
      %dma_start3A_361 = tpu.memref_slice %arg7[%add3A_349, %dma_start3A_360] : memref<80x125xi32, #tpu.memory_space<vmem>> -> memref<1x125xi32, #tpu.memory_space<vmem>>
      %dma_start3A_362 = tpu.memref_squeeze %dma_start3A_361 : memref<1x125xi32, #tpu.memory_space<vmem>> -> memref<125xi32, #tpu.memory_space<vmem>>
      %dma_start3A_363 = arith.constant 0 : i32
      %dma_start3A_364 = arith.constant 0 : i32
      %dma_start3A_365 = tpu.memref_slice %arg17[%dma_start3A_363, %dma_start3A_364] : memref<10000x64xf32, #tpu.memory_space<vmem_shared>> -> memref<10000x64xf32, #tpu.memory_space<vmem_shared>>
      tpu.enqueue_indirect_dma source(%arg8 : memref<125x64xf32, #tpu.memory_space<vmem>>) target(%dma_start3A_365 : memref<10000x64xf32, #tpu.memory_space<vmem_shared>>) offsets(%dma_start3A_362 : memref<125xi32, #tpu.memory_space<vmem>>) semaphore(%arg19 : memref<!tpu.dma_semaphore, #tpu.memory_space<semaphore_mem>>) {add = true}
      %not3A_366 = arith.constant true
      %not3A_367 = arith.xori %eq3A_350, %not3A_366 : i1
      %convert_element_type3A_368 = arith.extui %not3A_367 : i1 to i32
      %cond3A_369 = arith.constant 0 : i32
      %cond3A_370 = arith.cmpi ne, %convert_element_type3A_368, %cond3A_369 : i32
      scf.if %cond3A_370 {
        %dma_wait3A_558 = arith.constant 0 : i32
        %dma_wait3A_559 = tpu.memref_slice %arg6[%add3A_349, %dma_wait3A_558] : memref<80x125xi32, #tpu.memory_space<vmem>> -> memref<1x125xi32, #tpu.memory_space<vmem>>
        %dma_wait3A_560 = tpu.memref_squeeze %dma_wait3A_559 : memref<1x125xi32, #tpu.memory_space<vmem>> -> memref<125xi32, #tpu.memory_space<vmem>>
        %dma_wait3A_561 = arith.constant 1 : i32
        %dma_wait3A_562 = arith.constant 0 : i32
        %dma_wait3A_563 = tpu.memref_slice %arg2[%dma_wait3A_561, %dma_wait3A_562] : memref<20000x64xf32, #tpu.memory_space<hbm>> -> memref<19999x64xf32, #tpu.memory_space<hbm>>
        %dma_wait3A_564 = arith.constant 0 : i32
        %dma_wait3A_565 = arith.constant 0 : i32
        %dma_wait3A_566 = tpu.memref_slice %dma_wait3A_563[%dma_wait3A_564, %dma_wait3A_565] : memref<19999x64xf32, #tpu.memory_space<hbm>> -> memref<19999x64xf32, #tpu.memory_space<hbm>>
        tpu.wait_indirect_dma semaphore(%arg23 : memref<!tpu.dma_semaphore, #tpu.memory_space<semaphore_mem>>) src(%dma_wait3A_566 : memref<19999x64xf32, #tpu.memory_space<hbm>>) dst(%arg12 : memref<125x64xf32, #tpu.memory_space<vmem>>)
      } else {
      }
      %add3A_371 = arith.constant 4 : i32
      %add3A_372 = arith.addi %add3A_349, %add3A_371 : i32
      %lt3A = arith.constant 80 : i32
      %lt3A_373 = arith.cmpi slt, %add3A_372, %lt3A : i32
      %convert_element_type3A_374 = arith.extui %lt3A_373 : i1 to i32
      %cond3A_375 = arith.constant 0 : i32
      %cond3A_376 = arith.cmpi ne, %convert_element_type3A_374, %cond3A_375 : i32
      scf.if %cond3A_376 {
        %add3A_558 = arith.constant 4 : i32
        %add3A_559 = arith.addi %add3A_349, %add3A_558 : i32
        %dma_start3A_560 = arith.constant 0 : i32
        %dma_start3A_561 = tpu.memref_slice %arg6[%add3A_559, %dma_start3A_560] : memref<80x125xi32, #tpu.memory_space<vmem>> -> memref<1x125xi32, #tpu.memory_space<vmem>>
        %dma_start3A_562 = tpu.memref_squeeze %dma_start3A_561 : memref<1x125xi32, #tpu.memory_space<vmem>> -> memref<125xi32, #tpu.memory_space<vmem>>
        %dma_start3A_563 = arith.constant 1 : i32
        %dma_start3A_564 = arith.constant 0 : i32
        %dma_start3A_565 = tpu.memref_slice %arg2[%dma_start3A_563, %dma_start3A_564] : memref<20000x64xf32, #tpu.memory_space<hbm>> -> memref<19999x64xf32, #tpu.memory_space<hbm>>
        %dma_start3A_566 = arith.constant 0 : i32
        %dma_start3A_567 = arith.constant 0 : i32
        %dma_start3A_568 = tpu.memref_slice %dma_start3A_565[%dma_start3A_566, %dma_start3A_567] : memref<19999x64xf32, #tpu.memory_space<hbm>> -> memref<19999x64xf32, #tpu.memory_space<hbm>>
        tpu.enqueue_indirect_dma source(%dma_start3A_568 : memref<19999x64xf32, #tpu.memory_space<hbm>>) target(%arg12 : memref<125x64xf32, #tpu.memory_space<vmem>>) offsets(%dma_start3A_562 : memref<125xi32, #tpu.memory_space<vmem>>) semaphore(%arg23 : memref<!tpu.dma_semaphore, #tpu.memory_space<semaphore_mem>>)
      } else {
      }
      %mul3A_377 = arith.constant 6 : i32
      %mul3A_378 = arith.muli %mul3A_377, %add3A_345 : i32
      %add3A_379 = arith.constant 1 : i32
      %add3A_380 = arith.addi %mul3A_378, %add3A_379 : i32
      %eq3A_381 = arith.constant 0 : i32
      %eq3A_382 = arith.cmpi eq, %add3A_345, %eq3A_381 : i32
      %dma_wait3A_383 = arith.constant 0 : i32
      %dma_wait3A_384 = tpu.memref_slice %arg6[%add3A_380, %dma_wait3A_383] : memref<80x125xi32, #tpu.memory_space<vmem>> -> memref<1x125xi32, #tpu.memory_space<vmem>>
      %dma_wait3A_385 = tpu.memref_squeeze %dma_wait3A_384 : memref<1x125xi32, #tpu.memory_space<vmem>> -> memref<125xi32, #tpu.memory_space<vmem>>
      %dma_wait3A_386 = arith.constant 1 : i32
      %dma_wait3A_387 = arith.constant 0 : i32
      %dma_wait3A_388 = tpu.memref_slice %arg2[%dma_wait3A_386, %dma_wait3A_387] : memref<20000x64xf32, #tpu.memory_space<hbm>> -> memref<19999x64xf32, #tpu.memory_space<hbm>>
      %dma_wait3A_389 = arith.constant 0 : i32
      %dma_wait3A_390 = arith.constant 0 : i32
      %dma_wait3A_391 = tpu.memref_slice %dma_wait3A_388[%dma_wait3A_389, %dma_wait3A_390] : memref<19999x64xf32, #tpu.memory_space<hbm>> -> memref<19999x64xf32, #tpu.memory_space<hbm>>
      tpu.wait_indirect_dma semaphore(%arg20 : memref<!tpu.dma_semaphore, #tpu.memory_space<semaphore_mem>>) src(%dma_wait3A_391 : memref<19999x64xf32, #tpu.memory_space<hbm>>) dst(%arg9 : memref<125x64xf32, #tpu.memory_space<vmem>>)
      %dma_start3A_392 = arith.constant 0 : i32
      %dma_start3A_393 = tpu.memref_slice %arg7[%add3A_380, %dma_start3A_392] : memref<80x125xi32, #tpu.memory_space<vmem>> -> memref<1x125xi32, #tpu.memory_space<vmem>>
      %dma_start3A_394 = tpu.memref_squeeze %dma_start3A_393 : memref<1x125xi32, #tpu.memory_space<vmem>> -> memref<125xi32, #tpu.memory_space<vmem>>
      %dma_start3A_395 = arith.constant 0 : i32
      %dma_start3A_396 = arith.constant 0 : i32
      %dma_start3A_397 = tpu.memref_slice %arg17[%dma_start3A_395, %dma_start3A_396] : memref<10000x64xf32, #tpu.memory_space<vmem_shared>> -> memref<10000x64xf32, #tpu.memory_space<vmem_shared>>
      tpu.enqueue_indirect_dma source(%arg9 : memref<125x64xf32, #tpu.memory_space<vmem>>) target(%dma_start3A_397 : memref<10000x64xf32, #tpu.memory_space<vmem_shared>>) offsets(%dma_start3A_394 : memref<125xi32, #tpu.memory_space<vmem>>) semaphore(%arg20 : memref<!tpu.dma_semaphore, #tpu.memory_space<semaphore_mem>>) {add = true}
      %not3A_398 = arith.constant true
      %not3A_399 = arith.xori %eq3A_382, %not3A_398 : i1
      %convert_element_type3A_400 = arith.extui %not3A_399 : i1 to i32
      %cond3A_401 = arith.constant 0 : i32
      %cond3A_402 = arith.cmpi ne, %convert_element_type3A_400, %cond3A_401 : i32
      scf.if %cond3A_402 {
        %dma_wait3A_558 = arith.constant 0 : i32
        %dma_wait3A_559 = tpu.memref_slice %arg6[%add3A_380, %dma_wait3A_558] : memref<80x125xi32, #tpu.memory_space<vmem>> -> memref<1x125xi32, #tpu.memory_space<vmem>>
        %dma_wait3A_560 = tpu.memref_squeeze %dma_wait3A_559 : memref<1x125xi32, #tpu.memory_space<vmem>> -> memref<125xi32, #tpu.memory_space<vmem>>
        %dma_wait3A_561 = arith.constant 1 : i32
        %dma_wait3A_562 = arith.constant 0 : i32
        %dma_wait3A_563 = tpu.memref_slice %arg2[%dma_wait3A_561, %dma_wait3A_562] : memref<20000x64xf32, #tpu.memory_space<hbm>> -> memref<19999x64xf32, #tpu.memory_space<hbm>>
        %dma_wait3A_564 = arith.constant 0 : i32
        %dma_wait3A_565 = arith.constant 0 : i32
        %dma_wait3A_566 = tpu.memref_slice %dma_wait3A_563[%dma_wait3A_564, %dma_wait3A_565] : memref<19999x64xf32, #tpu.memory_space<hbm>> -> memref<19999x64xf32, #tpu.memory_space<hbm>>
        tpu.wait_indirect_dma semaphore(%arg24 : memref<!tpu.dma_semaphore, #tpu.memory_space<semaphore_mem>>) src(%dma_wait3A_566 : memref<19999x64xf32, #tpu.memory_space<hbm>>) dst(%arg13 : memref<125x64xf32, #tpu.memory_space<vmem>>)
      } else {
      }
      %add3A_403 = arith.constant 4 : i32
      %add3A_404 = arith.addi %add3A_380, %add3A_403 : i32
      %lt3A_405 = arith.constant 80 : i32
      %lt3A_406 = arith.cmpi slt, %add3A_404, %lt3A_405 : i32
      %convert_element_type3A_407 = arith.extui %lt3A_406 : i1 to i32
      %cond3A_408 = arith.constant 0 : i32
      %cond3A_409 = arith.cmpi ne, %convert_element_type3A_407, %cond3A_408 : i32
      scf.if %cond3A_409 {
        %add3A_558 = arith.constant 4 : i32
        %add3A_559 = arith.addi %add3A_380, %add3A_558 : i32
        %dma_start3A_560 = arith.constant 0 : i32
        %dma_start3A_561 = tpu.memref_slice %arg6[%add3A_559, %dma_start3A_560] : memref<80x125xi32, #tpu.memory_space<vmem>> -> memref<1x125xi32, #tpu.memory_space<vmem>>
        %dma_start3A_562 = tpu.memref_squeeze %dma_start3A_561 : memref<1x125xi32, #tpu.memory_space<vmem>> -> memref<125xi32, #tpu.memory_space<vmem>>
        %dma_start3A_563 = arith.constant 1 : i32
        %dma_start3A_564 = arith.constant 0 : i32
        %dma_start3A_565 = tpu.memref_slice %arg2[%dma_start3A_563, %dma_start3A_564] : memref<20000x64xf32, #tpu.memory_space<hbm>> -> memref<19999x64xf32, #tpu.memory_space<hbm>>
        %dma_start3A_566 = arith.constant 0 : i32
        %dma_start3A_567 = arith.constant 0 : i32
        %dma_start3A_568 = tpu.memref_slice %dma_start3A_565[%dma_start3A_566, %dma_start3A_567] : memref<19999x64xf32, #tpu.memory_space<hbm>> -> memref<19999x64xf32, #tpu.memory_space<hbm>>
        tpu.enqueue_indirect_dma source(%dma_start3A_568 : memref<19999x64xf32, #tpu.memory_space<hbm>>) target(%arg13 : memref<125x64xf32, #tpu.memory_space<vmem>>) offsets(%dma_start3A_562 : memref<125xi32, #tpu.memory_space<vmem>>) semaphore(%arg24 : memref<!tpu.dma_semaphore, #tpu.memory_space<semaphore_mem>>)
      } else {
      }
      %mul3A_410 = arith.constant 6 : i32
      %mul3A_411 = arith.muli %mul3A_410, %add3A_345 : i32
      %add3A_412 = arith.constant 2 : i32
      %add3A_413 = arith.addi %mul3A_411, %add3A_412 : i32
      %eq3A_414 = arith.constant 0 : i32
      %eq3A_415 = arith.cmpi eq, %add3A_345, %eq3A_414 : i32
      %dma_wait3A_416 = arith.constant 0 : i32
      %dma_wait3A_417 = tpu.memref_slice %arg6[%add3A_413, %dma_wait3A_416] : memref<80x125xi32, #tpu.memory_space<vmem>> -> memref<1x125xi32, #tpu.memory_space<vmem>>
      %dma_wait3A_418 = tpu.memref_squeeze %dma_wait3A_417 : memref<1x125xi32, #tpu.memory_space<vmem>> -> memref<125xi32, #tpu.memory_space<vmem>>
      %dma_wait3A_419 = arith.constant 1 : i32
      %dma_wait3A_420 = arith.constant 0 : i32
      %dma_wait3A_421 = tpu.memref_slice %arg2[%dma_wait3A_419, %dma_wait3A_420] : memref<20000x64xf32, #tpu.memory_space<hbm>> -> memref<19999x64xf32, #tpu.memory_space<hbm>>
      %dma_wait3A_422 = arith.constant 0 : i32
      %dma_wait3A_423 = arith.constant 0 : i32
      %dma_wait3A_424 = tpu.memref_slice %dma_wait3A_421[%dma_wait3A_422, %dma_wait3A_423] : memref<19999x64xf32, #tpu.memory_space<hbm>> -> memref<19999x64xf32, #tpu.memory_space<hbm>>
      tpu.wait_indirect_dma semaphore(%arg21 : memref<!tpu.dma_semaphore, #tpu.memory_space<semaphore_mem>>) src(%dma_wait3A_424 : memref<19999x64xf32, #tpu.memory_space<hbm>>) dst(%arg10 : memref<125x64xf32, #tpu.memory_space<vmem>>)
      %dma_start3A_425 = arith.constant 0 : i32
      %dma_start3A_426 = tpu.memref_slice %arg7[%add3A_413, %dma_start3A_425] : memref<80x125xi32, #tpu.memory_space<vmem>> -> memref<1x125xi32, #tpu.memory_space<vmem>>
      %dma_start3A_427 = tpu.memref_squeeze %dma_start3A_426 : memref<1x125xi32, #tpu.memory_space<vmem>> -> memref<125xi32, #tpu.memory_space<vmem>>
      %dma_start3A_428 = arith.constant 0 : i32
      %dma_start3A_429 = arith.constant 0 : i32
      %dma_start3A_430 = tpu.memref_slice %arg17[%dma_start3A_428, %dma_start3A_429] : memref<10000x64xf32, #tpu.memory_space<vmem_shared>> -> memref<10000x64xf32, #tpu.memory_space<vmem_shared>>
      tpu.enqueue_indirect_dma source(%arg10 : memref<125x64xf32, #tpu.memory_space<vmem>>) target(%dma_start3A_430 : memref<10000x64xf32, #tpu.memory_space<vmem_shared>>) offsets(%dma_start3A_427 : memref<125xi32, #tpu.memory_space<vmem>>) semaphore(%arg21 : memref<!tpu.dma_semaphore, #tpu.memory_space<semaphore_mem>>) {add = true}
      %dma_wait3A_431 = arith.constant 0 : i32
      %dma_wait3A_432 = tpu.memref_slice %arg6[%add3A_413, %dma_wait3A_431] : memref<80x125xi32, #tpu.memory_space<vmem>> -> memref<1x125xi32, #tpu.memory_space<vmem>>
      %dma_wait3A_433 = tpu.memref_squeeze %dma_wait3A_432 : memref<1x125xi32, #tpu.memory_space<vmem>> -> memref<125xi32, #tpu.memory_space<vmem>>
      %dma_wait3A_434 = arith.constant 1 : i32
      %dma_wait3A_435 = arith.constant 0 : i32
      %dma_wait3A_436 = tpu.memref_slice %arg2[%dma_wait3A_434, %dma_wait3A_435] : memref<20000x64xf32, #tpu.memory_space<hbm>> -> memref<19999x64xf32, #tpu.memory_space<hbm>>
      %dma_wait3A_437 = arith.constant 0 : i32
      %dma_wait3A_438 = arith.constant 0 : i32
      %dma_wait3A_439 = tpu.memref_slice %dma_wait3A_436[%dma_wait3A_437, %dma_wait3A_438] : memref<19999x64xf32, #tpu.memory_space<hbm>> -> memref<19999x64xf32, #tpu.memory_space<hbm>>
      tpu.wait_indirect_dma semaphore(%arg19 : memref<!tpu.dma_semaphore, #tpu.memory_space<semaphore_mem>>) src(%dma_wait3A_439 : memref<19999x64xf32, #tpu.memory_space<hbm>>) dst(%arg8 : memref<125x64xf32, #tpu.memory_space<vmem>>)
      %add3A_440 = arith.constant 4 : i32
      %add3A_441 = arith.addi %add3A_413, %add3A_440 : i32
      %lt3A_442 = arith.constant 80 : i32
      %lt3A_443 = arith.cmpi slt, %add3A_441, %lt3A_442 : i32
      %convert_element_type3A_444 = arith.extui %lt3A_443 : i1 to i32
      %cond3A_445 = arith.constant 0 : i32
      %cond3A_446 = arith.cmpi ne, %convert_element_type3A_444, %cond3A_445 : i32
      scf.if %cond3A_446 {
        %add3A_558 = arith.constant 4 : i32
        %add3A_559 = arith.addi %add3A_413, %add3A_558 : i32
        %dma_start3A_560 = arith.constant 0 : i32
        %dma_start3A_561 = tpu.memref_slice %arg6[%add3A_559, %dma_start3A_560] : memref<80x125xi32, #tpu.memory_space<vmem>> -> memref<1x125xi32, #tpu.memory_space<vmem>>
        %dma_start3A_562 = tpu.memref_squeeze %dma_start3A_561 : memref<1x125xi32, #tpu.memory_space<vmem>> -> memref<125xi32, #tpu.memory_space<vmem>>
        %dma_start3A_563 = arith.constant 1 : i32
        %dma_start3A_564 = arith.constant 0 : i32
        %dma_start3A_565 = tpu.memref_slice %arg2[%dma_start3A_563, %dma_start3A_564] : memref<20000x64xf32, #tpu.memory_space<hbm>> -> memref<19999x64xf32, #tpu.memory_space<hbm>>
        %dma_start3A_566 = arith.constant 0 : i32
        %dma_start3A_567 = arith.constant 0 : i32
        %dma_start3A_568 = tpu.memref_slice %dma_start3A_565[%dma_start3A_566, %dma_start3A_567] : memref<19999x64xf32, #tpu.memory_space<hbm>> -> memref<19999x64xf32, #tpu.memory_space<hbm>>
        tpu.enqueue_indirect_dma source(%dma_start3A_568 : memref<19999x64xf32, #tpu.memory_space<hbm>>) target(%arg8 : memref<125x64xf32, #tpu.memory_space<vmem>>) offsets(%dma_start3A_562 : memref<125xi32, #tpu.memory_space<vmem>>) semaphore(%arg19 : memref<!tpu.dma_semaphore, #tpu.memory_space<semaphore_mem>>)
      } else {
      }
      %mul3A_447 = arith.constant 6 : i32
      %mul3A_448 = arith.muli %mul3A_447, %add3A_345 : i32
      %add3A_449 = arith.constant 3 : i32
      %add3A_450 = arith.addi %mul3A_448, %add3A_449 : i32
      %eq3A_451 = arith.constant 0 : i32
      %eq3A_452 = arith.cmpi eq, %add3A_345, %eq3A_451 : i32
      %dma_wait3A_453 = arith.constant 0 : i32
      %dma_wait3A_454 = tpu.memref_slice %arg6[%add3A_450, %dma_wait3A_453] : memref<80x125xi32, #tpu.memory_space<vmem>> -> memref<1x125xi32, #tpu.memory_space<vmem>>
      %dma_wait3A_455 = tpu.memref_squeeze %dma_wait3A_454 : memref<1x125xi32, #tpu.memory_space<vmem>> -> memref<125xi32, #tpu.memory_space<vmem>>
      %dma_wait3A_456 = arith.constant 1 : i32
      %dma_wait3A_457 = arith.constant 0 : i32
      %dma_wait3A_458 = tpu.memref_slice %arg2[%dma_wait3A_456, %dma_wait3A_457] : memref<20000x64xf32, #tpu.memory_space<hbm>> -> memref<19999x64xf32, #tpu.memory_space<hbm>>
      %dma_wait3A_459 = arith.constant 0 : i32
      %dma_wait3A_460 = arith.constant 0 : i32
      %dma_wait3A_461 = tpu.memref_slice %dma_wait3A_458[%dma_wait3A_459, %dma_wait3A_460] : memref<19999x64xf32, #tpu.memory_space<hbm>> -> memref<19999x64xf32, #tpu.memory_space<hbm>>
      tpu.wait_indirect_dma semaphore(%arg22 : memref<!tpu.dma_semaphore, #tpu.memory_space<semaphore_mem>>) src(%dma_wait3A_461 : memref<19999x64xf32, #tpu.memory_space<hbm>>) dst(%arg11 : memref<125x64xf32, #tpu.memory_space<vmem>>)
      %dma_start3A_462 = arith.constant 0 : i32
      %dma_start3A_463 = tpu.memref_slice %arg7[%add3A_450, %dma_start3A_462] : memref<80x125xi32, #tpu.memory_space<vmem>> -> memref<1x125xi32, #tpu.memory_space<vmem>>
      %dma_start3A_464 = tpu.memref_squeeze %dma_start3A_463 : memref<1x125xi32, #tpu.memory_space<vmem>> -> memref<125xi32, #tpu.memory_space<vmem>>
      %dma_start3A_465 = arith.constant 0 : i32
      %dma_start3A_466 = arith.constant 0 : i32
      %dma_start3A_467 = tpu.memref_slice %arg17[%dma_start3A_465, %dma_start3A_466] : memref<10000x64xf32, #tpu.memory_space<vmem_shared>> -> memref<10000x64xf32, #tpu.memory_space<vmem_shared>>
      tpu.enqueue_indirect_dma source(%arg11 : memref<125x64xf32, #tpu.memory_space<vmem>>) target(%dma_start3A_467 : memref<10000x64xf32, #tpu.memory_space<vmem_shared>>) offsets(%dma_start3A_464 : memref<125xi32, #tpu.memory_space<vmem>>) semaphore(%arg22 : memref<!tpu.dma_semaphore, #tpu.memory_space<semaphore_mem>>) {add = true}
      %dma_wait3A_468 = arith.constant 0 : i32
      %dma_wait3A_469 = tpu.memref_slice %arg6[%add3A_450, %dma_wait3A_468] : memref<80x125xi32, #tpu.memory_space<vmem>> -> memref<1x125xi32, #tpu.memory_space<vmem>>
      %dma_wait3A_470 = tpu.memref_squeeze %dma_wait3A_469 : memref<1x125xi32, #tpu.memory_space<vmem>> -> memref<125xi32, #tpu.memory_space<vmem>>
      %dma_wait3A_471 = arith.constant 1 : i32
      %dma_wait3A_472 = arith.constant 0 : i32
      %dma_wait3A_473 = tpu.memref_slice %arg2[%dma_wait3A_471, %dma_wait3A_472] : memref<20000x64xf32, #tpu.memory_space<hbm>> -> memref<19999x64xf32, #tpu.memory_space<hbm>>
      %dma_wait3A_474 = arith.constant 0 : i32
      %dma_wait3A_475 = arith.constant 0 : i32
      %dma_wait3A_476 = tpu.memref_slice %dma_wait3A_473[%dma_wait3A_474, %dma_wait3A_475] : memref<19999x64xf32, #tpu.memory_space<hbm>> -> memref<19999x64xf32, #tpu.memory_space<hbm>>
      tpu.wait_indirect_dma semaphore(%arg20 : memref<!tpu.dma_semaphore, #tpu.memory_space<semaphore_mem>>) src(%dma_wait3A_476 : memref<19999x64xf32, #tpu.memory_space<hbm>>) dst(%arg9 : memref<125x64xf32, #tpu.memory_space<vmem>>)
      %add3A_477 = arith.constant 4 : i32
      %add3A_478 = arith.addi %add3A_450, %add3A_477 : i32
      %lt3A_479 = arith.constant 80 : i32
      %lt3A_480 = arith.cmpi slt, %add3A_478, %lt3A_479 : i32
      %convert_element_type3A_481 = arith.extui %lt3A_480 : i1 to i32
      %cond3A_482 = arith.constant 0 : i32
      %cond3A_483 = arith.cmpi ne, %convert_element_type3A_481, %cond3A_482 : i32
      scf.if %cond3A_483 {
        %add3A_558 = arith.constant 4 : i32
        %add3A_559 = arith.addi %add3A_450, %add3A_558 : i32
        %dma_start3A_560 = arith.constant 0 : i32
        %dma_start3A_561 = tpu.memref_slice %arg6[%add3A_559, %dma_start3A_560] : memref<80x125xi32, #tpu.memory_space<vmem>> -> memref<1x125xi32, #tpu.memory_space<vmem>>
        %dma_start3A_562 = tpu.memref_squeeze %dma_start3A_561 : memref<1x125xi32, #tpu.memory_space<vmem>> -> memref<125xi32, #tpu.memory_space<vmem>>
        %dma_start3A_563 = arith.constant 1 : i32
        %dma_start3A_564 = arith.constant 0 : i32
        %dma_start3A_565 = tpu.memref_slice %arg2[%dma_start3A_563, %dma_start3A_564] : memref<20000x64xf32, #tpu.memory_space<hbm>> -> memref<19999x64xf32, #tpu.memory_space<hbm>>
        %dma_start3A_566 = arith.constant 0 : i32
        %dma_start3A_567 = arith.constant 0 : i32
        %dma_start3A_568 = tpu.memref_slice %dma_start3A_565[%dma_start3A_566, %dma_start3A_567] : memref<19999x64xf32, #tpu.memory_space<hbm>> -> memref<19999x64xf32, #tpu.memory_space<hbm>>
        tpu.enqueue_indirect_dma source(%dma_start3A_568 : memref<19999x64xf32, #tpu.memory_space<hbm>>) target(%arg9 : memref<125x64xf32, #tpu.memory_space<vmem>>) offsets(%dma_start3A_562 : memref<125xi32, #tpu.memory_space<vmem>>) semaphore(%arg20 : memref<!tpu.dma_semaphore, #tpu.memory_space<semaphore_mem>>)
      } else {
      }
      %mul3A_484 = arith.constant 6 : i32
      %mul3A_485 = arith.muli %mul3A_484, %add3A_345 : i32
      %add3A_486 = arith.constant 4 : i32
      %add3A_487 = arith.addi %mul3A_485, %add3A_486 : i32
      %eq3A_488 = arith.constant 0 : i32
      %eq3A_489 = arith.cmpi eq, %add3A_345, %eq3A_488 : i32
      %dma_wait3A_490 = arith.constant 0 : i32
      %dma_wait3A_491 = tpu.memref_slice %arg6[%add3A_487, %dma_wait3A_490] : memref<80x125xi32, #tpu.memory_space<vmem>> -> memref<1x125xi32, #tpu.memory_space<vmem>>
      %dma_wait3A_492 = tpu.memref_squeeze %dma_wait3A_491 : memref<1x125xi32, #tpu.memory_space<vmem>> -> memref<125xi32, #tpu.memory_space<vmem>>
      %dma_wait3A_493 = arith.constant 1 : i32
      %dma_wait3A_494 = arith.constant 0 : i32
      %dma_wait3A_495 = tpu.memref_slice %arg2[%dma_wait3A_493, %dma_wait3A_494] : memref<20000x64xf32, #tpu.memory_space<hbm>> -> memref<19999x64xf32, #tpu.memory_space<hbm>>
      %dma_wait3A_496 = arith.constant 0 : i32
      %dma_wait3A_497 = arith.constant 0 : i32
      %dma_wait3A_498 = tpu.memref_slice %dma_wait3A_495[%dma_wait3A_496, %dma_wait3A_497] : memref<19999x64xf32, #tpu.memory_space<hbm>> -> memref<19999x64xf32, #tpu.memory_space<hbm>>
      tpu.wait_indirect_dma semaphore(%arg23 : memref<!tpu.dma_semaphore, #tpu.memory_space<semaphore_mem>>) src(%dma_wait3A_498 : memref<19999x64xf32, #tpu.memory_space<hbm>>) dst(%arg12 : memref<125x64xf32, #tpu.memory_space<vmem>>)
      %dma_start3A_499 = arith.constant 0 : i32
      %dma_start3A_500 = tpu.memref_slice %arg7[%add3A_487, %dma_start3A_499] : memref<80x125xi32, #tpu.memory_space<vmem>> -> memref<1x125xi32, #tpu.memory_space<vmem>>
      %dma_start3A_501 = tpu.memref_squeeze %dma_start3A_500 : memref<1x125xi32, #tpu.memory_space<vmem>> -> memref<125xi32, #tpu.memory_space<vmem>>
      %dma_start3A_502 = arith.constant 0 : i32
      %dma_start3A_503 = arith.constant 0 : i32
      %dma_start3A_504 = tpu.memref_slice %arg17[%dma_start3A_502, %dma_start3A_503] : memref<10000x64xf32, #tpu.memory_space<vmem_shared>> -> memref<10000x64xf32, #tpu.memory_space<vmem_shared>>
      tpu.enqueue_indirect_dma source(%arg12 : memref<125x64xf32, #tpu.memory_space<vmem>>) target(%dma_start3A_504 : memref<10000x64xf32, #tpu.memory_space<vmem_shared>>) offsets(%dma_start3A_501 : memref<125xi32, #tpu.memory_space<vmem>>) semaphore(%arg23 : memref<!tpu.dma_semaphore, #tpu.memory_space<semaphore_mem>>) {add = true}
      %dma_wait3A_505 = arith.constant 0 : i32
      %dma_wait3A_506 = tpu.memref_slice %arg6[%add3A_487, %dma_wait3A_505] : memref<80x125xi32, #tpu.memory_space<vmem>> -> memref<1x125xi32, #tpu.memory_space<vmem>>
      %dma_wait3A_507 = tpu.memref_squeeze %dma_wait3A_506 : memref<1x125xi32, #tpu.memory_space<vmem>> -> memref<125xi32, #tpu.memory_space<vmem>>
      %dma_wait3A_508 = arith.constant 1 : i32
      %dma_wait3A_509 = arith.constant 0 : i32
      %dma_wait3A_510 = tpu.memref_slice %arg2[%dma_wait3A_508, %dma_wait3A_509] : memref<20000x64xf32, #tpu.memory_space<hbm>> -> memref<19999x64xf32, #tpu.memory_space<hbm>>
      %dma_wait3A_511 = arith.constant 0 : i32
      %dma_wait3A_512 = arith.constant 0 : i32
      %dma_wait3A_513 = tpu.memref_slice %dma_wait3A_510[%dma_wait3A_511, %dma_wait3A_512] : memref<19999x64xf32, #tpu.memory_space<hbm>> -> memref<19999x64xf32, #tpu.memory_space<hbm>>
      tpu.wait_indirect_dma semaphore(%arg21 : memref<!tpu.dma_semaphore, #tpu.memory_space<semaphore_mem>>) src(%dma_wait3A_513 : memref<19999x64xf32, #tpu.memory_space<hbm>>) dst(%arg10 : memref<125x64xf32, #tpu.memory_space<vmem>>)
      %add3A_514 = arith.constant 4 : i32
      %add3A_515 = arith.addi %add3A_487, %add3A_514 : i32
      %lt3A_516 = arith.constant 80 : i32
      %lt3A_517 = arith.cmpi slt, %add3A_515, %lt3A_516 : i32
      %convert_element_type3A_518 = arith.extui %lt3A_517 : i1 to i32
      %cond3A_519 = arith.constant 0 : i32
      %cond3A_520 = arith.cmpi ne, %convert_element_type3A_518, %cond3A_519 : i32
      scf.if %cond3A_520 {
        %add3A_558 = arith.constant 4 : i32
        %add3A_559 = arith.addi %add3A_487, %add3A_558 : i32
        %dma_start3A_560 = arith.constant 0 : i32
        %dma_start3A_561 = tpu.memref_slice %arg6[%add3A_559, %dma_start3A_560] : memref<80x125xi32, #tpu.memory_space<vmem>> -> memref<1x125xi32, #tpu.memory_space<vmem>>
        %dma_start3A_562 = tpu.memref_squeeze %dma_start3A_561 : memref<1x125xi32, #tpu.memory_space<vmem>> -> memref<125xi32, #tpu.memory_space<vmem>>
        %dma_start3A_563 = arith.constant 1 : i32
        %dma_start3A_564 = arith.constant 0 : i32
        %dma_start3A_565 = tpu.memref_slice %arg2[%dma_start3A_563, %dma_start3A_564] : memref<20000x64xf32, #tpu.memory_space<hbm>> -> memref<19999x64xf32, #tpu.memory_space<hbm>>
        %dma_start3A_566 = arith.constant 0 : i32
        %dma_start3A_567 = arith.constant 0 : i32
        %dma_start3A_568 = tpu.memref_slice %dma_start3A_565[%dma_start3A_566, %dma_start3A_567] : memref<19999x64xf32, #tpu.memory_space<hbm>> -> memref<19999x64xf32, #tpu.memory_space<hbm>>
        tpu.enqueue_indirect_dma source(%dma_start3A_568 : memref<19999x64xf32, #tpu.memory_space<hbm>>) target(%arg10 : memref<125x64xf32, #tpu.memory_space<vmem>>) offsets(%dma_start3A_562 : memref<125xi32, #tpu.memory_space<vmem>>) semaphore(%arg21 : memref<!tpu.dma_semaphore, #tpu.memory_space<semaphore_mem>>)
      } else {
      }
      %mul3A_521 = arith.constant 6 : i32
      %mul3A_522 = arith.muli %mul3A_521, %add3A_345 : i32
      %add3A_523 = arith.constant 5 : i32
      %add3A_524 = arith.addi %mul3A_522, %add3A_523 : i32
      %eq3A_525 = arith.constant 0 : i32
      %eq3A_526 = arith.cmpi eq, %add3A_345, %eq3A_525 : i32
      %dma_wait3A_527 = arith.constant 0 : i32
      %dma_wait3A_528 = tpu.memref_slice %arg6[%add3A_524, %dma_wait3A_527] : memref<80x125xi32, #tpu.memory_space<vmem>> -> memref<1x125xi32, #tpu.memory_space<vmem>>
      %dma_wait3A_529 = tpu.memref_squeeze %dma_wait3A_528 : memref<1x125xi32, #tpu.memory_space<vmem>> -> memref<125xi32, #tpu.memory_space<vmem>>
      %dma_wait3A_530 = arith.constant 1 : i32
      %dma_wait3A_531 = arith.constant 0 : i32
      %dma_wait3A_532 = tpu.memref_slice %arg2[%dma_wait3A_530, %dma_wait3A_531] : memref<20000x64xf32, #tpu.memory_space<hbm>> -> memref<19999x64xf32, #tpu.memory_space<hbm>>
      %dma_wait3A_533 = arith.constant 0 : i32
      %dma_wait3A_534 = arith.constant 0 : i32
      %dma_wait3A_535 = tpu.memref_slice %dma_wait3A_532[%dma_wait3A_533, %dma_wait3A_534] : memref<19999x64xf32, #tpu.memory_space<hbm>> -> memref<19999x64xf32, #tpu.memory_space<hbm>>
      tpu.wait_indirect_dma semaphore(%arg24 : memref<!tpu.dma_semaphore, #tpu.memory_space<semaphore_mem>>) src(%dma_wait3A_535 : memref<19999x64xf32, #tpu.memory_space<hbm>>) dst(%arg13 : memref<125x64xf32, #tpu.memory_space<vmem>>)
      %dma_start3A_536 = arith.constant 0 : i32
      %dma_start3A_537 = tpu.memref_slice %arg7[%add3A_524, %dma_start3A_536] : memref<80x125xi32, #tpu.memory_space<vmem>> -> memref<1x125xi32, #tpu.memory_space<vmem>>
      %dma_start3A_538 = tpu.memref_squeeze %dma_start3A_537 : memref<1x125xi32, #tpu.memory_space<vmem>> -> memref<125xi32, #tpu.memory_space<vmem>>
      %dma_start3A_539 = arith.constant 0 : i32
      %dma_start3A_540 = arith.constant 0 : i32
      %dma_start3A_541 = tpu.memref_slice %arg17[%dma_start3A_539, %dma_start3A_540] : memref<10000x64xf32, #tpu.memory_space<vmem_shared>> -> memref<10000x64xf32, #tpu.memory_space<vmem_shared>>
      tpu.enqueue_indirect_dma source(%arg13 : memref<125x64xf32, #tpu.memory_space<vmem>>) target(%dma_start3A_541 : memref<10000x64xf32, #tpu.memory_space<vmem_shared>>) offsets(%dma_start3A_538 : memref<125xi32, #tpu.memory_space<vmem>>) semaphore(%arg24 : memref<!tpu.dma_semaphore, #tpu.memory_space<semaphore_mem>>) {add = true}
      %dma_wait3A_542 = arith.constant 0 : i32
      %dma_wait3A_543 = tpu.memref_slice %arg6[%add3A_524, %dma_wait3A_542] : memref<80x125xi32, #tpu.memory_space<vmem>> -> memref<1x125xi32, #tpu.memory_space<vmem>>
      %dma_wait3A_544 = tpu.memref_squeeze %dma_wait3A_543 : memref<1x125xi32, #tpu.memory_space<vmem>> -> memref<125xi32, #tpu.memory_space<vmem>>
      %dma_wait3A_545 = arith.constant 1 : i32
      %dma_wait3A_546 = arith.constant 0 : i32
      %dma_wait3A_547 = tpu.memref_slice %arg2[%dma_wait3A_545, %dma_wait3A_546] : memref<20000x64xf32, #tpu.memory_space<hbm>> -> memref<19999x64xf32, #tpu.memory_space<hbm>>
      %dma_wait3A_548 = arith.constant 0 : i32
      %dma_wait3A_549 = arith.constant 0 : i32
      %dma_wait3A_550 = tpu.memref_slice %dma_wait3A_547[%dma_wait3A_548, %dma_wait3A_549] : memref<19999x64xf32, #tpu.memory_space<hbm>> -> memref<19999x64xf32, #tpu.memory_space<hbm>>
      tpu.wait_indirect_dma semaphore(%arg22 : memref<!tpu.dma_semaphore, #tpu.memory_space<semaphore_mem>>) src(%dma_wait3A_550 : memref<19999x64xf32, #tpu.memory_space<hbm>>) dst(%arg11 : memref<125x64xf32, #tpu.memory_space<vmem>>)
      %add3A_551 = arith.constant 4 : i32
      %add3A_552 = arith.addi %add3A_524, %add3A_551 : i32
      %lt3A_553 = arith.constant 80 : i32
      %lt3A_554 = arith.cmpi slt, %add3A_552, %lt3A_553 : i32
      %convert_element_type3A_555 = arith.extui %lt3A_554 : i1 to i32
      %cond3A_556 = arith.constant 0 : i32
      %cond3A_557 = arith.cmpi ne, %convert_element_type3A_555, %cond3A_556 : i32
      scf.if %cond3A_557 {
        %add3A_558 = arith.constant 4 : i32
        %add3A_559 = arith.addi %add3A_524, %add3A_558 : i32
        %dma_start3A_560 = arith.constant 0 : i32
        %dma_start3A_561 = tpu.memref_slice %arg6[%add3A_559, %dma_start3A_560] : memref<80x125xi32, #tpu.memory_space<vmem>> -> memref<1x125xi32, #tpu.memory_space<vmem>>
        %dma_start3A_562 = tpu.memref_squeeze %dma_start3A_561 : memref<1x125xi32, #tpu.memory_space<vmem>> -> memref<125xi32, #tpu.memory_space<vmem>>
        %dma_start3A_563 = arith.constant 1 : i32
        %dma_start3A_564 = arith.constant 0 : i32
        %dma_start3A_565 = tpu.memref_slice %arg2[%dma_start3A_563, %dma_start3A_564] : memref<20000x64xf32, #tpu.memory_space<hbm>> -> memref<19999x64xf32, #tpu.memory_space<hbm>>
        %dma_start3A_566 = arith.constant 0 : i32
        %dma_start3A_567 = arith.constant 0 : i32
        %dma_start3A_568 = tpu.memref_slice %dma_start3A_565[%dma_start3A_566, %dma_start3A_567] : memref<19999x64xf32, #tpu.memory_space<hbm>> -> memref<19999x64xf32, #tpu.memory_space<hbm>>
        tpu.enqueue_indirect_dma source(%dma_start3A_568 : memref<19999x64xf32, #tpu.memory_space<hbm>>) target(%arg11 : memref<125x64xf32, #tpu.memory_space<vmem>>) offsets(%dma_start3A_562 : memref<125xi32, #tpu.memory_space<vmem>>) semaphore(%arg22 : memref<!tpu.dma_semaphore, #tpu.memory_space<semaphore_mem>>)
      } else {
      }
    }
    %scan3A_253 = arith.constant 13 : i32
    %dma_wait3A_254 = arith.constant 78 : i32
    %dma_wait3A_255 = arith.constant 0 : i32
    %dma_wait3A_256 = tpu.memref_slice %arg6[%dma_wait3A_254, %dma_wait3A_255] : memref<80x125xi32, #tpu.memory_space<vmem>> -> memref<1x125xi32, #tpu.memory_space<vmem>>
    %dma_wait3A_257 = tpu.memref_squeeze %dma_wait3A_256 : memref<1x125xi32, #tpu.memory_space<vmem>> -> memref<125xi32, #tpu.memory_space<vmem>>
    %dma_wait3A_258 = arith.constant 1 : i32
    %dma_wait3A_259 = arith.constant 0 : i32
    %dma_wait3A_260 = tpu.memref_slice %arg2[%dma_wait3A_258, %dma_wait3A_259] : memref<20000x64xf32, #tpu.memory_space<hbm>> -> memref<19999x64xf32, #tpu.memory_space<hbm>>
    %dma_wait3A_261 = arith.constant 0 : i32
    %dma_wait3A_262 = arith.constant 0 : i32
    %dma_wait3A_263 = tpu.memref_slice %dma_wait3A_260[%dma_wait3A_261, %dma_wait3A_262] : memref<19999x64xf32, #tpu.memory_space<hbm>> -> memref<19999x64xf32, #tpu.memory_space<hbm>>
    tpu.wait_indirect_dma semaphore(%arg19 : memref<!tpu.dma_semaphore, #tpu.memory_space<semaphore_mem>>) src(%dma_wait3A_263 : memref<19999x64xf32, #tpu.memory_space<hbm>>) dst(%arg8 : memref<125x64xf32, #tpu.memory_space<vmem>>)
    %dma_start3A_264 = arith.constant 78 : i32
    %dma_start3A_265 = arith.constant 0 : i32
    %dma_start3A_266 = tpu.memref_slice %arg7[%dma_start3A_264, %dma_start3A_265] : memref<80x125xi32, #tpu.memory_space<vmem>> -> memref<1x125xi32, #tpu.memory_space<vmem>>
    %dma_start3A_267 = tpu.memref_squeeze %dma_start3A_266 : memref<1x125xi32, #tpu.memory_space<vmem>> -> memref<125xi32, #tpu.memory_space<vmem>>
    %dma_start3A_268 = arith.constant 0 : i32
    %dma_start3A_269 = arith.constant 0 : i32
    %dma_start3A_270 = tpu.memref_slice %arg17[%dma_start3A_268, %dma_start3A_269] : memref<10000x64xf32, #tpu.memory_space<vmem_shared>> -> memref<10000x64xf32, #tpu.memory_space<vmem_shared>>
    tpu.enqueue_indirect_dma source(%arg8 : memref<125x64xf32, #tpu.memory_space<vmem>>) target(%dma_start3A_270 : memref<10000x64xf32, #tpu.memory_space<vmem_shared>>) offsets(%dma_start3A_267 : memref<125xi32, #tpu.memory_space<vmem>>) semaphore(%arg19 : memref<!tpu.dma_semaphore, #tpu.memory_space<semaphore_mem>>) {add = true}
    %not3A_271 = arith.constant false
    %not3A_272 = arith.constant true
    %not3A_273 = arith.xori %not3A_271, %not3A_272 : i1
    %convert_element_type3A_274 = arith.extui %not3A_273 : i1 to i32
    %cond3A_275 = arith.constant 0 : i32
    %cond3A_276 = arith.cmpi ne, %convert_element_type3A_274, %cond3A_275 : i32
    scf.if %cond3A_276 {
      %dma_wait3A_341 = arith.constant 78 : i32
      %dma_wait3A_342 = arith.constant 0 : i32
      %dma_wait3A_343 = tpu.memref_slice %arg6[%dma_wait3A_341, %dma_wait3A_342] : memref<80x125xi32, #tpu.memory_space<vmem>> -> memref<1x125xi32, #tpu.memory_space<vmem>>
      %dma_wait3A_344 = tpu.memref_squeeze %dma_wait3A_343 : memref<1x125xi32, #tpu.memory_space<vmem>> -> memref<125xi32, #tpu.memory_space<vmem>>
      %dma_wait3A_345 = arith.constant 1 : i32
      %dma_wait3A_346 = arith.constant 0 : i32
      %dma_wait3A_347 = tpu.memref_slice %arg2[%dma_wait3A_345, %dma_wait3A_346] : memref<20000x64xf32, #tpu.memory_space<hbm>> -> memref<19999x64xf32, #tpu.memory_space<hbm>>
      %dma_wait3A_348 = arith.constant 0 : i32
      %dma_wait3A_349 = arith.constant 0 : i32
      %dma_wait3A_350 = tpu.memref_slice %dma_wait3A_347[%dma_wait3A_348, %dma_wait3A_349] : memref<19999x64xf32, #tpu.memory_space<hbm>> -> memref<19999x64xf32, #tpu.memory_space<hbm>>
      tpu.wait_indirect_dma semaphore(%arg23 : memref<!tpu.dma_semaphore, #tpu.memory_space<semaphore_mem>>) src(%dma_wait3A_350 : memref<19999x64xf32, #tpu.memory_space<hbm>>) dst(%arg12 : memref<125x64xf32, #tpu.memory_space<vmem>>)
    } else {
    }
    %dma_wait3A_277 = arith.constant 79 : i32
    %dma_wait3A_278 = arith.constant 0 : i32
    %dma_wait3A_279 = tpu.memref_slice %arg6[%dma_wait3A_277, %dma_wait3A_278] : memref<80x125xi32, #tpu.memory_space<vmem>> -> memref<1x125xi32, #tpu.memory_space<vmem>>
    %dma_wait3A_280 = tpu.memref_squeeze %dma_wait3A_279 : memref<1x125xi32, #tpu.memory_space<vmem>> -> memref<125xi32, #tpu.memory_space<vmem>>
    %dma_wait3A_281 = arith.constant 1 : i32
    %dma_wait3A_282 = arith.constant 0 : i32
    %dma_wait3A_283 = tpu.memref_slice %arg2[%dma_wait3A_281, %dma_wait3A_282] : memref<20000x64xf32, #tpu.memory_space<hbm>> -> memref<19999x64xf32, #tpu.memory_space<hbm>>
    %dma_wait3A_284 = arith.constant 0 : i32
    %dma_wait3A_285 = arith.constant 0 : i32
    %dma_wait3A_286 = tpu.memref_slice %dma_wait3A_283[%dma_wait3A_284, %dma_wait3A_285] : memref<19999x64xf32, #tpu.memory_space<hbm>> -> memref<19999x64xf32, #tpu.memory_space<hbm>>
    tpu.wait_indirect_dma semaphore(%arg20 : memref<!tpu.dma_semaphore, #tpu.memory_space<semaphore_mem>>) src(%dma_wait3A_286 : memref<19999x64xf32, #tpu.memory_space<hbm>>) dst(%arg9 : memref<125x64xf32, #tpu.memory_space<vmem>>)
    %dma_start3A_287 = arith.constant 79 : i32
    %dma_start3A_288 = arith.constant 0 : i32
    %dma_start3A_289 = tpu.memref_slice %arg7[%dma_start3A_287, %dma_start3A_288] : memref<80x125xi32, #tpu.memory_space<vmem>> -> memref<1x125xi32, #tpu.memory_space<vmem>>
    %dma_start3A_290 = tpu.memref_squeeze %dma_start3A_289 : memref<1x125xi32, #tpu.memory_space<vmem>> -> memref<125xi32, #tpu.memory_space<vmem>>
    %dma_start3A_291 = arith.constant 0 : i32
    %dma_start3A_292 = arith.constant 0 : i32
    %dma_start3A_293 = tpu.memref_slice %arg17[%dma_start3A_291, %dma_start3A_292] : memref<10000x64xf32, #tpu.memory_space<vmem_shared>> -> memref<10000x64xf32, #tpu.memory_space<vmem_shared>>
    tpu.enqueue_indirect_dma source(%arg9 : memref<125x64xf32, #tpu.memory_space<vmem>>) target(%dma_start3A_293 : memref<10000x64xf32, #tpu.memory_space<vmem_shared>>) offsets(%dma_start3A_290 : memref<125xi32, #tpu.memory_space<vmem>>) semaphore(%arg20 : memref<!tpu.dma_semaphore, #tpu.memory_space<semaphore_mem>>) {add = true}
    %not3A_294 = arith.constant false
    %not3A_295 = arith.constant true
    %not3A_296 = arith.xori %not3A_294, %not3A_295 : i1
    %convert_element_type3A_297 = arith.extui %not3A_296 : i1 to i32
    %cond3A_298 = arith.constant 0 : i32
    %cond3A_299 = arith.cmpi ne, %convert_element_type3A_297, %cond3A_298 : i32
    scf.if %cond3A_299 {
      %dma_wait3A_341 = arith.constant 79 : i32
      %dma_wait3A_342 = arith.constant 0 : i32
      %dma_wait3A_343 = tpu.memref_slice %arg6[%dma_wait3A_341, %dma_wait3A_342] : memref<80x125xi32, #tpu.memory_space<vmem>> -> memref<1x125xi32, #tpu.memory_space<vmem>>
      %dma_wait3A_344 = tpu.memref_squeeze %dma_wait3A_343 : memref<1x125xi32, #tpu.memory_space<vmem>> -> memref<125xi32, #tpu.memory_space<vmem>>
      %dma_wait3A_345 = arith.constant 1 : i32
      %dma_wait3A_346 = arith.constant 0 : i32
      %dma_wait3A_347 = tpu.memref_slice %arg2[%dma_wait3A_345, %dma_wait3A_346] : memref<20000x64xf32, #tpu.memory_space<hbm>> -> memref<19999x64xf32, #tpu.memory_space<hbm>>
      %dma_wait3A_348 = arith.constant 0 : i32
      %dma_wait3A_349 = arith.constant 0 : i32
      %dma_wait3A_350 = tpu.memref_slice %dma_wait3A_347[%dma_wait3A_348, %dma_wait3A_349] : memref<19999x64xf32, #tpu.memory_space<hbm>> -> memref<19999x64xf32, #tpu.memory_space<hbm>>
      tpu.wait_indirect_dma semaphore(%arg24 : memref<!tpu.dma_semaphore, #tpu.memory_space<semaphore_mem>>) src(%dma_wait3A_350 : memref<19999x64xf32, #tpu.memory_space<hbm>>) dst(%arg13 : memref<125x64xf32, #tpu.memory_space<vmem>>)
    } else {
    }
    %dma_wait3A_300 = arith.constant 0 : i32
    %dma_wait3A_301 = arith.constant 0 : i32
    %dma_wait3A_302 = tpu.memref_slice %arg6[%dma_wait3A_300, %dma_wait3A_301] : memref<80x125xi32, #tpu.memory_space<vmem>> -> memref<1x125xi32, #tpu.memory_space<vmem>>
    %dma_wait3A_303 = tpu.memref_squeeze %dma_wait3A_302 : memref<1x125xi32, #tpu.memory_space<vmem>> -> memref<125xi32, #tpu.memory_space<vmem>>
    %dma_wait3A_304 = arith.constant 1 : i32
    %dma_wait3A_305 = arith.constant 0 : i32
    %dma_wait3A_306 = tpu.memref_slice %arg2[%dma_wait3A_304, %dma_wait3A_305] : memref<20000x64xf32, #tpu.memory_space<hbm>> -> memref<19999x64xf32, #tpu.memory_space<hbm>>
    %dma_wait3A_307 = arith.constant 0 : i32
    %dma_wait3A_308 = arith.constant 0 : i32
    %dma_wait3A_309 = tpu.memref_slice %dma_wait3A_306[%dma_wait3A_307, %dma_wait3A_308] : memref<19999x64xf32, #tpu.memory_space<hbm>> -> memref<19999x64xf32, #tpu.memory_space<hbm>>
    tpu.wait_indirect_dma semaphore(%arg19 : memref<!tpu.dma_semaphore, #tpu.memory_space<semaphore_mem>>) src(%dma_wait3A_309 : memref<19999x64xf32, #tpu.memory_space<hbm>>) dst(%arg8 : memref<125x64xf32, #tpu.memory_space<vmem>>)
    %dma_wait3A_310 = arith.constant 0 : i32
    %dma_wait3A_311 = arith.constant 0 : i32
    %dma_wait3A_312 = tpu.memref_slice %arg6[%dma_wait3A_310, %dma_wait3A_311] : memref<80x125xi32, #tpu.memory_space<vmem>> -> memref<1x125xi32, #tpu.memory_space<vmem>>
    %dma_wait3A_313 = tpu.memref_squeeze %dma_wait3A_312 : memref<1x125xi32, #tpu.memory_space<vmem>> -> memref<125xi32, #tpu.memory_space<vmem>>
    %dma_wait3A_314 = arith.constant 1 : i32
    %dma_wait3A_315 = arith.constant 0 : i32
    %dma_wait3A_316 = tpu.memref_slice %arg2[%dma_wait3A_314, %dma_wait3A_315] : memref<20000x64xf32, #tpu.memory_space<hbm>> -> memref<19999x64xf32, #tpu.memory_space<hbm>>
    %dma_wait3A_317 = arith.constant 0 : i32
    %dma_wait3A_318 = arith.constant 0 : i32
    %dma_wait3A_319 = tpu.memref_slice %dma_wait3A_316[%dma_wait3A_317, %dma_wait3A_318] : memref<19999x64xf32, #tpu.memory_space<hbm>> -> memref<19999x64xf32, #tpu.memory_space<hbm>>
    tpu.wait_indirect_dma semaphore(%arg20 : memref<!tpu.dma_semaphore, #tpu.memory_space<semaphore_mem>>) src(%dma_wait3A_319 : memref<19999x64xf32, #tpu.memory_space<hbm>>) dst(%arg9 : memref<125x64xf32, #tpu.memory_space<vmem>>)
    %barrier3A_320 = arith.constant 0 : index
    tpu.barrier barrier_id(%barrier3A_320)
    %mul3A_321 = arith.constant 625 : i32
    %mul3A_322 = arith.muli %arg1, %mul3A_321 : i32
    %add3A_323 = arith.constant 0 : i32
    %add3A_324 = arith.addi %mul3A_322, %add3A_323 : i32
    "tpu.region"() ({
      %run_scoped3A_341 = tpu.sem_alloc : memref<!tpu.dma_semaphore, #tpu.memory_space<semaphore_mem>>
      %dma_start3A_342 = arith.constant 0 : i32
      %dma_start3A_343 = tpu.memref_slice %arg17[%add3A_324, %dma_start3A_342] : memref<10000x64xf32, #tpu.memory_space<vmem_shared>> -> memref<125x64xf32, #tpu.memory_space<vmem_shared>>
      %dma_start3A_344 = arith.constant 0 : i32
      %dma_start3A_345 = tpu.memref_slice %arg17[%add3A_324, %dma_start3A_344] : memref<10000x64xf32, #tpu.memory_space<vmem_shared>> -> memref<125x64xf32, #tpu.memory_space<vmem_shared>>
      tpu.enqueue_dma source(%dma_start3A_345 : memref<125x64xf32, #tpu.memory_space<vmem_shared>>) target(%arg15 : memref<125x64xf32, #tpu.memory_space<vmem>>) target_semaphore(%run_scoped3A_341 : memref<!tpu.dma_semaphore, #tpu.memory_space<semaphore_mem>>)
      %dma_wait3A_346 = arith.constant 0 : i32
      %dma_wait3A_347 = tpu.memref_slice %arg17[%add3A_324, %dma_wait3A_346] : memref<10000x64xf32, #tpu.memory_space<vmem_shared>> -> memref<125x64xf32, #tpu.memory_space<vmem_shared>>
      %dma_wait3A_348 = arith.constant 0 : i32
      %dma_wait3A_349 = tpu.memref_slice %arg17[%add3A_324, %dma_wait3A_348] : memref<10000x64xf32, #tpu.memory_space<vmem_shared>> -> memref<125x64xf32, #tpu.memory_space<vmem_shared>>
      tpu.wait_dma2 semaphore(%run_scoped3A_341 : memref<!tpu.dma_semaphore, #tpu.memory_space<semaphore_mem>>) src(%dma_wait3A_349 : memref<125x64xf32, #tpu.memory_space<vmem_shared>>) dst(%arg15 : memref<125x64xf32, #tpu.memory_space<vmem>>)
      tpu.yield
    }) : () -> ()
    "tpu.region"() ({
      %run_scoped3A_341 = tpu.sem_alloc : memref<!tpu.dma_semaphore, #tpu.memory_space<semaphore_mem>>
      %dma_start3A_342 = arith.constant 64 : i32
      %dma_start3A_343 = tpu.memref_slice %arg4[%arg0, %add3A_324, %dma_start3A_342] : memref<2x10000x128xf32, #tpu.memory_space<hbm>> -> memref<1x125x64xf32, #tpu.memory_space<hbm>>
      %dma_start3A_344 = tpu.memref_squeeze %dma_start3A_343 : memref<1x125x64xf32, #tpu.memory_space<hbm>> -> memref<125x64xf32, #tpu.memory_space<hbm>>
      %dma_start3A_345 = arith.constant 64 : i32
      %dma_start3A_346 = tpu.memref_slice %arg4[%arg0, %add3A_324, %dma_start3A_345] : memref<2x10000x128xf32, #tpu.memory_space<hbm>> -> memref<1x125x64xf32, #tpu.memory_space<hbm>>
      %dma_start3A_347 = tpu.memref_squeeze %dma_start3A_346 : memref<1x125x64xf32, #tpu.memory_space<hbm>> -> memref<125x64xf32, #tpu.memory_space<hbm>>
      tpu.enqueue_dma source(%arg15 : memref<125x64xf32, #tpu.memory_space<vmem>>) target(%dma_start3A_347 : memref<125x64xf32, #tpu.memory_space<hbm>>) target_semaphore(%run_scoped3A_341 : memref<!tpu.dma_semaphore, #tpu.memory_space<semaphore_mem>>)
      %dma_wait3A_348 = arith.constant 64 : i32
      %dma_wait3A_349 = tpu.memref_slice %arg4[%arg0, %add3A_324, %dma_wait3A_348] : memref<2x10000x128xf32, #tpu.memory_space<hbm>> -> memref<1x125x64xf32, #tpu.memory_space<hbm>>
      %dma_wait3A_350 = tpu.memref_squeeze %dma_wait3A_349 : memref<1x125x64xf32, #tpu.memory_space<hbm>> -> memref<125x64xf32, #tpu.memory_space<hbm>>
      %dma_wait3A_351 = arith.constant 64 : i32
      %dma_wait3A_352 = tpu.memref_slice %arg4[%arg0, %add3A_324, %dma_wait3A_351] : memref<2x10000x128xf32, #tpu.memory_space<hbm>> -> memref<1x125x64xf32, #tpu.memory_space<hbm>>
      %dma_wait3A_353 = tpu.memref_squeeze %dma_wait3A_352 : memref<1x125x64xf32, #tpu.memory_space<hbm>> -> memref<125x64xf32, #tpu.memory_space<hbm>>
      tpu.wait_dma2 semaphore(%run_scoped3A_341 : memref<!tpu.dma_semaphore, #tpu.memory_space<semaphore_mem>>) src(%arg15 : memref<125x64xf32, #tpu.memory_space<vmem>>) dst(%dma_wait3A_353 : memref<125x64xf32, #tpu.memory_space<hbm>>)
      tpu.yield
    }) : () -> ()
    %mul3A_325 = arith.constant 625 : i32
    %mul3A_326 = arith.muli %arg1, %mul3A_325 : i32
    %add3A_327 = arith.constant 125 : i32
    %add3A_328 = arith.addi %mul3A_326, %add3A_327 : i32
    "tpu.region"() ({
      %run_scoped3A_341 = tpu.sem_alloc : memref<!tpu.dma_semaphore, #tpu.memory_space<semaphore_mem>>
      %dma_start3A_342 = arith.constant 0 : i32
      %dma_start3A_343 = tpu.memref_slice %arg17[%add3A_328, %dma_start3A_342] : memref<10000x64xf32, #tpu.memory_space<vmem_shared>> -> memref<125x64xf32, #tpu.memory_space<vmem_shared>>
      %dma_start3A_344 = arith.constant 0 : i32
      %dma_start3A_345 = tpu.memref_slice %arg17[%add3A_328, %dma_start3A_344] : memref<10000x64xf32, #tpu.memory_space<vmem_shared>> -> memref<125x64xf32, #tpu.memory_space<vmem_shared>>
      tpu.enqueue_dma source(%dma_start3A_345 : memref<125x64xf32, #tpu.memory_space<vmem_shared>>) target(%arg15 : memref<125x64xf32, #tpu.memory_space<vmem>>) target_semaphore(%run_scoped3A_341 : memref<!tpu.dma_semaphore, #tpu.memory_space<semaphore_mem>>)
      %dma_wait3A_346 = arith.constant 0 : i32
      %dma_wait3A_347 = tpu.memref_slice %arg17[%add3A_328, %dma_wait3A_346] : memref<10000x64xf32, #tpu.memory_space<vmem_shared>> -> memref<125x64xf32, #tpu.memory_space<vmem_shared>>
      %dma_wait3A_348 = arith.constant 0 : i32
      %dma_wait3A_349 = tpu.memref_slice %arg17[%add3A_328, %dma_wait3A_348] : memref<10000x64xf32, #tpu.memory_space<vmem_shared>> -> memref<125x64xf32, #tpu.memory_space<vmem_shared>>
      tpu.wait_dma2 semaphore(%run_scoped3A_341 : memref<!tpu.dma_semaphore, #tpu.memory_space<semaphore_mem>>) src(%dma_wait3A_349 : memref<125x64xf32, #tpu.memory_space<vmem_shared>>) dst(%arg15 : memref<125x64xf32, #tpu.memory_space<vmem>>)
      tpu.yield
    }) : () -> ()
    "tpu.region"() ({
      %run_scoped3A_341 = tpu.sem_alloc : memref<!tpu.dma_semaphore, #tpu.memory_space<semaphore_mem>>
      %dma_start3A_342 = arith.constant 64 : i32
      %dma_start3A_343 = tpu.memref_slice %arg4[%arg0, %add3A_328, %dma_start3A_342] : memref<2x10000x128xf32, #tpu.memory_space<hbm>> -> memref<1x125x64xf32, #tpu.memory_space<hbm>>
      %dma_start3A_344 = tpu.memref_squeeze %dma_start3A_343 : memref<1x125x64xf32, #tpu.memory_space<hbm>> -> memref<125x64xf32, #tpu.memory_space<hbm>>
      %dma_start3A_345 = arith.constant 64 : i32
      %dma_start3A_346 = tpu.memref_slice %arg4[%arg0, %add3A_328, %dma_start3A_345] : memref<2x10000x128xf32, #tpu.memory_space<hbm>> -> memref<1x125x64xf32, #tpu.memory_space<hbm>>
      %dma_start3A_347 = tpu.memref_squeeze %dma_start3A_346 : memref<1x125x64xf32, #tpu.memory_space<hbm>> -> memref<125x64xf32, #tpu.memory_space<hbm>>
      tpu.enqueue_dma source(%arg15 : memref<125x64xf32, #tpu.memory_space<vmem>>) target(%dma_start3A_347 : memref<125x64xf32, #tpu.memory_space<hbm>>) target_semaphore(%run_scoped3A_341 : memref<!tpu.dma_semaphore, #tpu.memory_space<semaphore_mem>>)
      %dma_wait3A_348 = arith.constant 64 : i32
      %dma_wait3A_349 = tpu.memref_slice %arg4[%arg0, %add3A_328, %dma_wait3A_348] : memref<2x10000x128xf32, #tpu.memory_space<hbm>> -> memref<1x125x64xf32, #tpu.memory_space<hbm>>
      %dma_wait3A_350 = tpu.memref_squeeze %dma_wait3A_349 : memref<1x125x64xf32, #tpu.memory_space<hbm>> -> memref<125x64xf32, #tpu.memory_space<hbm>>
      %dma_wait3A_351 = arith.constant 64 : i32
      %dma_wait3A_352 = tpu.memref_slice %arg4[%arg0, %add3A_328, %dma_wait3A_351] : memref<2x10000x128xf32, #tpu.memory_space<hbm>> -> memref<1x125x64xf32, #tpu.memory_space<hbm>>
      %dma_wait3A_353 = tpu.memref_squeeze %dma_wait3A_352 : memref<1x125x64xf32, #tpu.memory_space<hbm>> -> memref<125x64xf32, #tpu.memory_space<hbm>>
      tpu.wait_dma2 semaphore(%run_scoped3A_341 : memref<!tpu.dma_semaphore, #tpu.memory_space<semaphore_mem>>) src(%arg15 : memref<125x64xf32, #tpu.memory_space<vmem>>) dst(%dma_wait3A_353 : memref<125x64xf32, #tpu.memory_space<hbm>>)
      tpu.yield
    }) : () -> ()
    %mul3A_329 = arith.constant 625 : i32
    %mul3A_330 = arith.muli %arg1, %mul3A_329 : i32
    %add3A_331 = arith.constant 250 : i32
    %add3A_332 = arith.addi %mul3A_330, %add3A_331 : i32
    "tpu.region"() ({
      %run_scoped3A_341 = tpu.sem_alloc : memref<!tpu.dma_semaphore, #tpu.memory_space<semaphore_mem>>
      %dma_start3A_342 = arith.constant 0 : i32
      %dma_start3A_343 = tpu.memref_slice %arg17[%add3A_332, %dma_start3A_342] : memref<10000x64xf32, #tpu.memory_space<vmem_shared>> -> memref<125x64xf32, #tpu.memory_space<vmem_shared>>
      %dma_start3A_344 = arith.constant 0 : i32
      %dma_start3A_345 = tpu.memref_slice %arg17[%add3A_332, %dma_start3A_344] : memref<10000x64xf32, #tpu.memory_space<vmem_shared>> -> memref<125x64xf32, #tpu.memory_space<vmem_shared>>
      tpu.enqueue_dma source(%dma_start3A_345 : memref<125x64xf32, #tpu.memory_space<vmem_shared>>) target(%arg15 : memref<125x64xf32, #tpu.memory_space<vmem>>) target_semaphore(%run_scoped3A_341 : memref<!tpu.dma_semaphore, #tpu.memory_space<semaphore_mem>>)
      %dma_wait3A_346 = arith.constant 0 : i32
      %dma_wait3A_347 = tpu.memref_slice %arg17[%add3A_332, %dma_wait3A_346] : memref<10000x64xf32, #tpu.memory_space<vmem_shared>> -> memref<125x64xf32, #tpu.memory_space<vmem_shared>>
      %dma_wait3A_348 = arith.constant 0 : i32
      %dma_wait3A_349 = tpu.memref_slice %arg17[%add3A_332, %dma_wait3A_348] : memref<10000x64xf32, #tpu.memory_space<vmem_shared>> -> memref<125x64xf32, #tpu.memory_space<vmem_shared>>
      tpu.wait_dma2 semaphore(%run_scoped3A_341 : memref<!tpu.dma_semaphore, #tpu.memory_space<semaphore_mem>>) src(%dma_wait3A_349 : memref<125x64xf32, #tpu.memory_space<vmem_shared>>) dst(%arg15 : memref<125x64xf32, #tpu.memory_space<vmem>>)
      tpu.yield
    }) : () -> ()
    "tpu.region"() ({
      %run_scoped3A_341 = tpu.sem_alloc : memref<!tpu.dma_semaphore, #tpu.memory_space<semaphore_mem>>
      %dma_start3A_342 = arith.constant 64 : i32
      %dma_start3A_343 = tpu.memref_slice %arg4[%arg0, %add3A_332, %dma_start3A_342] : memref<2x10000x128xf32, #tpu.memory_space<hbm>> -> memref<1x125x64xf32, #tpu.memory_space<hbm>>
      %dma_start3A_344 = tpu.memref_squeeze %dma_start3A_343 : memref<1x125x64xf32, #tpu.memory_space<hbm>> -> memref<125x64xf32, #tpu.memory_space<hbm>>
      %dma_start3A_345 = arith.constant 64 : i32
      %dma_start3A_346 = tpu.memref_slice %arg4[%arg0, %add3A_332, %dma_start3A_345] : memref<2x10000x128xf32, #tpu.memory_space<hbm>> -> memref<1x125x64xf32, #tpu.memory_space<hbm>>
      %dma_start3A_347 = tpu.memref_squeeze %dma_start3A_346 : memref<1x125x64xf32, #tpu.memory_space<hbm>> -> memref<125x64xf32, #tpu.memory_space<hbm>>
      tpu.enqueue_dma source(%arg15 : memref<125x64xf32, #tpu.memory_space<vmem>>) target(%dma_start3A_347 : memref<125x64xf32, #tpu.memory_space<hbm>>) target_semaphore(%run_scoped3A_341 : memref<!tpu.dma_semaphore, #tpu.memory_space<semaphore_mem>>)
      %dma_wait3A_348 = arith.constant 64 : i32
      %dma_wait3A_349 = tpu.memref_slice %arg4[%arg0, %add3A_332, %dma_wait3A_348] : memref<2x10000x128xf32, #tpu.memory_space<hbm>> -> memref<1x125x64xf32, #tpu.memory_space<hbm>>
      %dma_wait3A_350 = tpu.memref_squeeze %dma_wait3A_349 : memref<1x125x64xf32, #tpu.memory_space<hbm>> -> memref<125x64xf32, #tpu.memory_space<hbm>>
      %dma_wait3A_351 = arith.constant 64 : i32
      %dma_wait3A_352 = tpu.memref_slice %arg4[%arg0, %add3A_332, %dma_wait3A_351] : memref<2x10000x128xf32, #tpu.memory_space<hbm>> -> memref<1x125x64xf32, #tpu.memory_space<hbm>>
      %dma_wait3A_353 = tpu.memref_squeeze %dma_wait3A_352 : memref<1x125x64xf32, #tpu.memory_space<hbm>> -> memref<125x64xf32, #tpu.memory_space<hbm>>
      tpu.wait_dma2 semaphore(%run_scoped3A_341 : memref<!tpu.dma_semaphore, #tpu.memory_space<semaphore_mem>>) src(%arg15 : memref<125x64xf32, #tpu.memory_space<vmem>>) dst(%dma_wait3A_353 : memref<125x64xf32, #tpu.memory_space<hbm>>)
      tpu.yield
    }) : () -> ()
    %mul3A_333 = arith.constant 625 : i32
    %mul3A_334 = arith.muli %arg1, %mul3A_333 : i32
    %add3A_335 = arith.constant 375 : i32
    %add3A_336 = arith.addi %mul3A_334, %add3A_335 : i32
    "tpu.region"() ({
      %run_scoped3A_341 = tpu.sem_alloc : memref<!tpu.dma_semaphore, #tpu.memory_space<semaphore_mem>>
      %dma_start3A_342 = arith.constant 0 : i32
      %dma_start3A_343 = tpu.memref_slice %arg17[%add3A_336, %dma_start3A_342] : memref<10000x64xf32, #tpu.memory_space<vmem_shared>> -> memref<125x64xf32, #tpu.memory_space<vmem_shared>>
      %dma_start3A_344 = arith.constant 0 : i32
      %dma_start3A_345 = tpu.memref_slice %arg17[%add3A_336, %dma_start3A_344] : memref<10000x64xf32, #tpu.memory_space<vmem_shared>> -> memref<125x64xf32, #tpu.memory_space<vmem_shared>>
      tpu.enqueue_dma source(%dma_start3A_345 : memref<125x64xf32, #tpu.memory_space<vmem_shared>>) target(%arg15 : memref<125x64xf32, #tpu.memory_space<vmem>>) target_semaphore(%run_scoped3A_341 : memref<!tpu.dma_semaphore, #tpu.memory_space<semaphore_mem>>)
      %dma_wait3A_346 = arith.constant 0 : i32
      %dma_wait3A_347 = tpu.memref_slice %arg17[%add3A_336, %dma_wait3A_346] : memref<10000x64xf32, #tpu.memory_space<vmem_shared>> -> memref<125x64xf32, #tpu.memory_space<vmem_shared>>
      %dma_wait3A_348 = arith.constant 0 : i32
      %dma_wait3A_349 = tpu.memref_slice %arg17[%add3A_336, %dma_wait3A_348] : memref<10000x64xf32, #tpu.memory_space<vmem_shared>> -> memref<125x64xf32, #tpu.memory_space<vmem_shared>>
      tpu.wait_dma2 semaphore(%run_scoped3A_341 : memref<!tpu.dma_semaphore, #tpu.memory_space<semaphore_mem>>) src(%dma_wait3A_349 : memref<125x64xf32, #tpu.memory_space<vmem_shared>>) dst(%arg15 : memref<125x64xf32, #tpu.memory_space<vmem>>)
      tpu.yield
    }) : () -> ()
    "tpu.region"() ({
      %run_scoped3A_341 = tpu.sem_alloc : memref<!tpu.dma_semaphore, #tpu.memory_space<semaphore_mem>>
      %dma_start3A_342 = arith.constant 64 : i32
      %dma_start3A_343 = tpu.memref_slice %arg4[%arg0, %add3A_336, %dma_start3A_342] : memref<2x10000x128xf32, #tpu.memory_space<hbm>> -> memref<1x125x64xf32, #tpu.memory_space<hbm>>
      %dma_start3A_344 = tpu.memref_squeeze %dma_start3A_343 : memref<1x125x64xf32, #tpu.memory_space<hbm>> -> memref<125x64xf32, #tpu.memory_space<hbm>>
      %dma_start3A_345 = arith.constant 64 : i32
      %dma_start3A_346 = tpu.memref_slice %arg4[%arg0, %add3A_336, %dma_start3A_345] : memref<2x10000x128xf32, #tpu.memory_space<hbm>> -> memref<1x125x64xf32, #tpu.memory_space<hbm>>
      %dma_start3A_347 = tpu.memref_squeeze %dma_start3A_346 : memref<1x125x64xf32, #tpu.memory_space<hbm>> -> memref<125x64xf32, #tpu.memory_space<hbm>>
      tpu.enqueue_dma source(%arg15 : memref<125x64xf32, #tpu.memory_space<vmem>>) target(%dma_start3A_347 : memref<125x64xf32, #tpu.memory_space<hbm>>) target_semaphore(%run_scoped3A_341 : memref<!tpu.dma_semaphore, #tpu.memory_space<semaphore_mem>>)
      %dma_wait3A_348 = arith.constant 64 : i32
      %dma_wait3A_349 = tpu.memref_slice %arg4[%arg0, %add3A_336, %dma_wait3A_348] : memref<2x10000x128xf32, #tpu.memory_space<hbm>> -> memref<1x125x64xf32, #tpu.memory_space<hbm>>
      %dma_wait3A_350 = tpu.memref_squeeze %dma_wait3A_349 : memref<1x125x64xf32, #tpu.memory_space<hbm>> -> memref<125x64xf32, #tpu.memory_space<hbm>>
      %dma_wait3A_351 = arith.constant 64 : i32
      %dma_wait3A_352 = tpu.memref_slice %arg4[%arg0, %add3A_336, %dma_wait3A_351] : memref<2x10000x128xf32, #tpu.memory_space<hbm>> -> memref<1x125x64xf32, #tpu.memory_space<hbm>>
      %dma_wait3A_353 = tpu.memref_squeeze %dma_wait3A_352 : memref<1x125x64xf32, #tpu.memory_space<hbm>> -> memref<125x64xf32, #tpu.memory_space<hbm>>
      tpu.wait_dma2 semaphore(%run_scoped3A_341 : memref<!tpu.dma_semaphore, #tpu.memory_space<semaphore_mem>>) src(%arg15 : memref<125x64xf32, #tpu.memory_space<vmem>>) dst(%dma_wait3A_353 : memref<125x64xf32, #tpu.memory_space<hbm>>)
      tpu.yield
    }) : () -> ()
    %mul3A_337 = arith.constant 625 : i32
    %mul3A_338 = arith.muli %arg1, %mul3A_337 : i32
    %add3A_339 = arith.constant 500 : i32
    %add3A_340 = arith.addi %mul3A_338, %add3A_339 : i32
    "tpu.region"() ({
      %run_scoped3A_341 = tpu.sem_alloc : memref<!tpu.dma_semaphore, #tpu.memory_space<semaphore_mem>>
      %dma_start3A_342 = arith.constant 0 : i32
      %dma_start3A_343 = tpu.memref_slice %arg17[%add3A_340, %dma_start3A_342] : memref<10000x64xf32, #tpu.memory_space<vmem_shared>> -> memref<125x64xf32, #tpu.memory_space<vmem_shared>>
      %dma_start3A_344 = arith.constant 0 : i32
      %dma_start3A_345 = tpu.memref_slice %arg17[%add3A_340, %dma_start3A_344] : memref<10000x64xf32, #tpu.memory_space<vmem_shared>> -> memref<125x64xf32, #tpu.memory_space<vmem_shared>>
      tpu.enqueue_dma source(%dma_start3A_345 : memref<125x64xf32, #tpu.memory_space<vmem_shared>>) target(%arg15 : memref<125x64xf32, #tpu.memory_space<vmem>>) target_semaphore(%run_scoped3A_341 : memref<!tpu.dma_semaphore, #tpu.memory_space<semaphore_mem>>)
      %dma_wait3A_346 = arith.constant 0 : i32
      %dma_wait3A_347 = tpu.memref_slice %arg17[%add3A_340, %dma_wait3A_346] : memref<10000x64xf32, #tpu.memory_space<vmem_shared>> -> memref<125x64xf32, #tpu.memory_space<vmem_shared>>
      %dma_wait3A_348 = arith.constant 0 : i32
      %dma_wait3A_349 = tpu.memref_slice %arg17[%add3A_340, %dma_wait3A_348] : memref<10000x64xf32, #tpu.memory_space<vmem_shared>> -> memref<125x64xf32, #tpu.memory_space<vmem_shared>>
      tpu.wait_dma2 semaphore(%run_scoped3A_341 : memref<!tpu.dma_semaphore, #tpu.memory_space<semaphore_mem>>) src(%dma_wait3A_349 : memref<125x64xf32, #tpu.memory_space<vmem_shared>>) dst(%arg15 : memref<125x64xf32, #tpu.memory_space<vmem>>)
      tpu.yield
    }) : () -> ()
    "tpu.region"() ({
      %run_scoped3A_341 = tpu.sem_alloc : memref<!tpu.dma_semaphore, #tpu.memory_space<semaphore_mem>>
      %dma_start3A_342 = arith.constant 64 : i32
      %dma_start3A_343 = tpu.memref_slice %arg4[%arg0, %add3A_340, %dma_start3A_342] : memref<2x10000x128xf32, #tpu.memory_space<hbm>> -> memref<1x125x64xf32, #tpu.memory_space<hbm>>
      %dma_start3A_344 = tpu.memref_squeeze %dma_start3A_343 : memref<1x125x64xf32, #tpu.memory_space<hbm>> -> memref<125x64xf32, #tpu.memory_space<hbm>>
      %dma_start3A_345 = arith.constant 64 : i32
      %dma_start3A_346 = tpu.memref_slice %arg4[%arg0, %add3A_340, %dma_start3A_345] : memref<2x10000x128xf32, #tpu.memory_space<hbm>> -> memref<1x125x64xf32, #tpu.memory_space<hbm>>
      %dma_start3A_347 = tpu.memref_squeeze %dma_start3A_346 : memref<1x125x64xf32, #tpu.memory_space<hbm>> -> memref<125x64xf32, #tpu.memory_space<hbm>>
      tpu.enqueue_dma source(%arg15 : memref<125x64xf32, #tpu.memory_space<vmem>>) target(%dma_start3A_347 : memref<125x64xf32, #tpu.memory_space<hbm>>) target_semaphore(%run_scoped3A_341 : memref<!tpu.dma_semaphore, #tpu.memory_space<semaphore_mem>>)
      %dma_wait3A_348 = arith.constant 64 : i32
      %dma_wait3A_349 = tpu.memref_slice %arg4[%arg0, %add3A_340, %dma_wait3A_348] : memref<2x10000x128xf32, #tpu.memory_space<hbm>> -> memref<1x125x64xf32, #tpu.memory_space<hbm>>
      %dma_wait3A_350 = tpu.memref_squeeze %dma_wait3A_349 : memref<1x125x64xf32, #tpu.memory_space<hbm>> -> memref<125x64xf32, #tpu.memory_space<hbm>>
      %dma_wait3A_351 = arith.constant 64 : i32
      %dma_wait3A_352 = tpu.memref_slice %arg4[%arg0, %add3A_340, %dma_wait3A_351] : memref<2x10000x128xf32, #tpu.memory_space<hbm>> -> memref<1x125x64xf32, #tpu.memory_space<hbm>>
      %dma_wait3A_353 = tpu.memref_squeeze %dma_wait3A_352 : memref<1x125x64xf32, #tpu.memory_space<hbm>> -> memref<125x64xf32, #tpu.memory_space<hbm>>
      tpu.wait_dma2 semaphore(%run_scoped3A_341 : memref<!tpu.dma_semaphore, #tpu.memory_space<semaphore_mem>>) src(%arg15 : memref<125x64xf32, #tpu.memory_space<vmem>>) dst(%dma_wait3A_353 : memref<125x64xf32, #tpu.memory_space<hbm>>)
      tpu.yield
    }) : () -> ()
    return
  }
}

module attributes {stable_mosaic.version = 14 : i64} {
  func.func @_mm_body(%arg0: i32, %arg1: memref<2000x128xf32, #tpu.memory_space<vmem>>, %arg2: memref<128x128xf32, #tpu.memory_space<vmem>>, %arg3: memref<2000x128xf32, #tpu.memory_space<vmem>>) attributes {dimension_semantics = [#tpu.dimension_semantics<arbitrary>], iteration_bounds = array<i64: 5>, scalar_prefetch = 0 : i64, scratch_operands = 0 : i64, tpu.core_type = #tpu.core_type<tc>, window_params = [{transform_indices = @transform_0, window_bounds = array<i64: 2000, 128>}, {pipeline_mode = #tpu.pipeline_mode<synchronous>, transform_indices = @transform_1, window_bounds = array<i64: 128, 128>}, {transform_indices = @transform_2, window_bounds = array<i64: 2000, 128>}]} {
    %get3A = arith.constant 0 : index
    %get3A_0 = arith.constant 0 : index
    %get3A_1 = vector.load %arg1[%get3A, %get3A_0] : memref<2000x128xf32, #tpu.memory_space<vmem>>, vector<2000x128xf32>
    %get3A_2 = arith.constant 0 : index
    %get3A_3 = arith.constant 0 : index
    %get3A_4 = vector.load %arg2[%get3A_2, %get3A_3] : memref<128x128xf32, #tpu.memory_space<vmem>>, vector<128x128xf32>
    %dot_general3A = arith.constant dense<0.000000e+00> : vector<2000x128xf32>
    %dot_general3A_5 = tpu.matmul %get3A_1, %get3A_4, %dot_general3A {dimension_numbers = #tpu.dot_dimension_numbers<[1], [0], [0], [1], [0, 0, 1, 1], [], []>, transpose_lhs_hint = false} : vector<2000x128xf32>, vector<128x128xf32>, vector<2000x128xf32> -> vector<2000x128xf32>
    %swap3A = arith.constant 0 : index
    %swap3A_6 = arith.constant 0 : index
    %swap3A_7 = vector.load %arg3[%swap3A, %swap3A_6] : memref<2000x128xf32, #tpu.memory_space<vmem>>, vector<2000x128xf32>
    tpu.vector_store %arg3[%swap3A, %swap3A_6], %dot_general3A_5 {strides = array<i32>} : memref<2000x128xf32, #tpu.memory_space<vmem>>, vector<2000x128xf32>,
    return
  }
  func.func @transform_0(%arg0: i32) -> (i32, i32) {
    %c0_i32 = arith.constant 0 : i32
    %c0_i32_0 = arith.constant 0 : i32
    return %arg0, %c0_i32 : i32, i32
  }
  func.func @transform_1(%arg0: i32) -> (i32, i32) {
    %c0_i32 = arith.constant 0 : i32
    %c0_i32_0 = arith.constant 0 : i32
    %c0_i32_1 = arith.constant 0 : i32
    return %c0_i32, %c0_i32_0 : i32, i32
  }
  func.func @transform_2(%arg0: i32) -> (i32, i32) {
    %c0_i32 = arith.constant 0 : i32
    %c0_i32_0 = arith.constant 0 : i32
    return %arg0, %c0_i32 : i32, i32
  }
}

module attributes {stable_mosaic.version = 14 : i64} {
  func.func @_combine_body(%arg0: i32, %arg1: memref<2000x128xf32, #tpu.memory_space<vmem>>, %arg2: memref<128x128xf32, #tpu.memory_space<vmem>>, %arg3: memref<1x128xf32, #tpu.memory_space<vmem>>, %arg4: memref<2x2000x128xf32, #tpu.memory_space<vmem>>, %arg5: memref<2x2000x16xf32, #tpu.memory_space<vmem>>, %arg6: memref<2000x128xf32, #tpu.memory_space<vmem>>) attributes {dimension_semantics = [#tpu.dimension_semantics<arbitrary>], iteration_bounds = array<i64: 5>, scalar_prefetch = 0 : i64, scratch_operands = 0 : i64, tpu.core_type = #tpu.core_type<tc>, window_params = [{transform_indices = @transform_0, window_bounds = array<i64: 2000, 128>}, {pipeline_mode = #tpu.pipeline_mode<synchronous>, transform_indices = @transform_1, window_bounds = array<i64: 128, 128>}, {pipeline_mode = #tpu.pipeline_mode<synchronous>, transform_indices = @transform_2, window_bounds = array<i64: 1, 128>}, {transform_indices = @transform_3, window_bounds = array<i64: 2, 2000, 128>}, {transform_indices = @transform_4, window_bounds = array<i64: 2, 2000, 16>}, {transform_indices = @transform_5, window_bounds = array<i64: 2000, 128>}]} {
    %get3A = arith.constant 0 : index
    %get3A_0 = arith.constant 0 : index
    %get3A_1 = vector.load %arg1[%get3A, %get3A_0] : memref<2000x128xf32, #tpu.memory_space<vmem>>, vector<2000x128xf32>
    %get3A_2 = arith.constant 0 : index
    %get3A_3 = arith.constant 0 : index
    %get3A_4 = vector.load %arg2[%get3A_2, %get3A_3] : memref<128x128xf32, #tpu.memory_space<vmem>>, vector<128x128xf32>
    %dot_general3A = arith.constant dense<0.000000e+00> : vector<2000x128xf32>
    %dot_general3A_5 = tpu.matmul %get3A_1, %get3A_4, %dot_general3A {dimension_numbers = #tpu.dot_dimension_numbers<[1], [0], [0], [1], [0, 0, 1, 1], [], []>, transpose_lhs_hint = false} : vector<2000x128xf32>, vector<128x128xf32>, vector<2000x128xf32> -> vector<2000x128xf32>
    %get3A_6 = arith.constant 0 : index
    %get3A_7 = arith.constant 0 : index
    %get3A_8 = vector.load %arg3[%get3A_6, %get3A_7] : memref<1x128xf32, #tpu.memory_space<vmem>>, vector<1x128xf32>
    %add3A = vector.broadcast %get3A_8 : vector<1x128xf32> to vector<2000x128xf32>
    %add3A_9 = arith.addf %dot_general3A_5, %add3A : vector<2000x128xf32>
    %get3A_10 = arith.constant 0 : index
    %get3A_11 = arith.constant 0 : index
    %get3A_12 = arith.constant 0 : index
    %get3A_13 = vector.load %arg4[%get3A_10, %get3A_11, %get3A_12] : memref<2x2000x128xf32, #tpu.memory_space<vmem>>, vector<1x2000x128xf32>
    %get3A_14 = vector.shape_cast %get3A_13 : vector<1x2000x128xf32> to vector<2000x128xf32>
    %get3A_15 = arith.constant 1 : index
    %get3A_16 = arith.constant 0 : index
    %get3A_17 = arith.constant 0 : index
    %get3A_18 = vector.load %arg4[%get3A_15, %get3A_16, %get3A_17] : memref<2x2000x128xf32, #tpu.memory_space<vmem>>, vector<1x2000x128xf32>
    %get3A_19 = vector.shape_cast %get3A_18 : vector<1x2000x128xf32> to vector<2000x128xf32>
    %add3A_20 = arith.addf %get3A_14, %get3A_19 : vector<2000x128xf32>
    %get3A_21 = arith.constant 0 : index
    %get3A_22 = arith.constant 0 : index
    %get3A_23 = arith.constant 0 : index
    %get3A_24 = vector.load %arg5[%get3A_21, %get3A_22, %get3A_23] : memref<2x2000x16xf32, #tpu.memory_space<vmem>>, vector<1x2000x1xf32>
    %get3A_25 = vector.shape_cast %get3A_24 : vector<1x2000x1xf32> to vector<2000xf32>
    %get3A_26 = arith.constant 1 : index
    %get3A_27 = arith.constant 0 : index
    %get3A_28 = arith.constant 0 : index
    %get3A_29 = vector.load %arg5[%get3A_26, %get3A_27, %get3A_28] : memref<2x2000x16xf32, #tpu.memory_space<vmem>>, vector<1x2000x1xf32>
    %get3A_30 = vector.shape_cast %get3A_29 : vector<1x2000x1xf32> to vector<2000xf32>
    %add3A_31 = arith.addf %get3A_25, %get3A_30 : vector<2000xf32>
    %max3A = arith.constant 1.000000e+00 : f32
    %max3A_32 = vector.broadcast %max3A : f32 to vector<2000xf32>
    %max3A_33 = arith.maximumf %add3A_31, %max3A_32 : vector<2000xf32>
    %broadcast_in_dim3A = vector.shape_cast %max3A_33 : vector<2000xf32> to vector<2000x1xf32>
    %div3A = vector.broadcast %broadcast_in_dim3A : vector<2000x1xf32> to vector<2000x128xf32>
    %div3A_34 = arith.divf %add3A_20, %div3A : vector<2000x128xf32>
    %add3A_35 = arith.addf %add3A_9, %div3A_34 : vector<2000x128xf32>
    %max3A_36 = arith.constant 0.000000e+00 : f32
    %max3A_37 = vector.broadcast %max3A_36 : f32 to vector<2000x128xf32>
    %max3A_38 = arith.maximumf %add3A_35, %max3A_37 : vector<2000x128xf32>
    %swap3A = arith.constant 0 : index
    %swap3A_39 = arith.constant 0 : index
    %swap3A_40 = vector.load %arg6[%swap3A, %swap3A_39] : memref<2000x128xf32, #tpu.memory_space<vmem>>, vector<2000x128xf32>
    tpu.vector_store %arg6[%swap3A, %swap3A_39], %max3A_38 {strides = array<i32>} : memref<2000x128xf32, #tpu.memory_space<vmem>>, vector<2000x128xf32>,
    return
  }
  func.func @transform_0(%arg0: i32) -> (i32, i32) {
    %c0_i32 = arith.constant 0 : i32
    %c0_i32_0 = arith.constant 0 : i32
    return %arg0, %c0_i32 : i32, i32
  }
  func.func @transform_1(%arg0: i32) -> (i32, i32) {
    %c0_i32 = arith.constant 0 : i32
    %c0_i32_0 = arith.constant 0 : i32
    %c0_i32_1 = arith.constant 0 : i32
    return %c0_i32, %c0_i32_0 : i32, i32
  }
  func.func @transform_2(%arg0: i32) -> (i32, i32) {
    %c0_i32 = arith.constant 0 : i32
    %c0_i32_0 = arith.constant 0 : i32
    %c0_i32_1 = arith.constant 0 : i32
    return %c0_i32, %c0_i32_0 : i32, i32
  }
  func.func @transform_3(%arg0: i32) -> (i32, i32, i32) {
    %c0_i32 = arith.constant 0 : i32
    %c0_i32_0 = arith.constant 0 : i32
    %c0_i32_1 = arith.constant 0 : i32
    return %c0_i32, %arg0, %c0_i32_0 : i32, i32, i32
  }
  func.func @transform_4(%arg0: i32) -> (i32, i32, i32) {
    %c0_i32 = arith.constant 0 : i32
    %c0_i32_0 = arith.constant 0 : i32
    %c0_i32_1 = arith.constant 0 : i32
    return %c0_i32, %arg0, %c0_i32_0 : i32, i32, i32
  }
  func.func @transform_5(%arg0: i32) -> (i32, i32) {
    %c0_i32 = arith.constant 0 : i32
    %c0_i32_0 = arith.constant 0 : i32
    return %arg0, %c0_i32 : i32, i32
  }
}

</mosaic_0001>

<sc_bundles>
// kernel: kernel.5.cloned.1.call-start
scs
__scs_entry_jumppad:
0x0: {  	(pc) =	sbr.rel $0x88, $3  }
0x1: {  	(tag) =	ssettag $0x0;
	lr =	simm.s32 $0x1  }
0x2: {  	[smem:$0x3F9C] =	sst lr;
	_ =	strace $0xD0000000  }
0x3: {  	_ = 	snop  }
0x4: {  	_ = 	snop  }
0x5: {  	_ = 	snop  }
0x6: {  	_ = 	snop  }
0x7: {  	_ = 	snop  }
__scs_overlays_trampoline_lowered:
0x8: {  	[smem:$0x3FAB] =	sst s0  }
0x9: {  	[smem:$0x3FAC] =	sst s1  }
0xa: {  	[smem:$0x3FAD] =	sst s2  }
0xb: {  	[smem:$0x3FAE] =	sst s3  }
0xc: {  	[smem:$0x3FAF] =	sst s4  }
0xd: {  	[smem:$0x3FB0] =	sst s5  }
0xe: {  	[smem:$0x3FB1] =	sst s6  }
0xf: {  	[smem:$0x3FB2] =	sst s7  }
0x10: {  	[smem:$0x3FB3] =	sst s8  }
0x11: {  	[smem:$0x3FB4] =	sst s9;
	s0 =	simm.s32 @!p0 $0x0  }
0x12: {  	s1 =	sld [smem:$0x3F9A];
	s0 =	simm.s32 @p0 $0x1  }
0x13: {  	[smem:$0x3FB5] =	sst s0;
	s0 =	simm.s32 @!p1 $0x0  }
0x14: {  	s2 =	sld [smem:$0x3F99];
	s0 =	simm.s32 @p1 $0x1  }
0x15: {  	[smem:$0x3FB6] =	sst s0;
	s0 =	simm.s32 @!p2 $0x0  }
0x16: {  	s3 =	sld [smem:$0x3FDB];
	s0 =	simm.s32 @p2 $0x1  }
0x17: {  	s4 =	simm.s32 $0x1BF5;
	[smem:$0x3FB8] =	sst s0  }
0x18: {  	s0 =	sld [smem:$0x3F9B];
	_ =	swait.ge [sflag:s4], $0x0  }
0x19: {  	s7 =	sld [smem:$0x3F9C]  }
0x1a: {  	s8 =	sadd.s32 $0xFFFFE003, lr  }
0x1b: {  	s9 =	sadd.s32 $0xFFFFFEF7, lr;
	s5 =	simm.s32 $0xFFFFFFFF;
	p2 =	slt.u32 s8, $0xFFFFF086  }
0x1c: {  	p1 =	slt.u32 s9, $0xF7A;
	s5 =	simm.s32 @!p2 $0x0  }
0x1d: {  	s5 =	simm.s32 @p1 $0x1;
	p0 =	seq.s32 s7, s2  }
0x1e: {  	s7 =	smul.u32 @!p0 $0xF7A, s2;
	p2 =	seq.s32 @!p0 s5, $0x0  }
0x1f: {  	s9 =	smul.u32 $0xF7A, s1;
	s8 =	simm.s32 @!p0 $0x1BF5;
	p2 =	por !p2, p0  }
0x20: {  	[sflag:s8] =	ssyncset.s32 @!p0 $0xFFFFF086;
	s6 =	sadd.s32 @!p0 s3, s7;
	s7 =	simm.s32 @!p0 $0x108  }
0x21: {  	s3 =	sadd.s32 s3, s9;
	s6 =	sadd.s32 @!p0 $0x88, s6;
	s7 =	simm.s32 @p2 $0x1082  }
0x22: {  	[simem:s7], [sflag:s8] =	dma.local @!p0 [hbm:s6], $0xF7A  }
0x23: {  	s9 =	sor.u32 $0xD0000000, s2;
	s6 =	simm.s32 $0x108;
	_ =	swait.ge @!p0 [sflag:s8], $0x0  }
0x24: {  	s3 =	sadd.s32 $0x88, s3;
	s6 =	simm.s32 @!p1 $0x1082;
	[sflag:s4] =	ssyncset.s32 $0xFFFFF086  }
0x25: {  	[simem:s6], [sflag:s4] =	dma.local [hbm:s3], $0xF7A  }
0x26: {  	[smem:$0x3F9C] =	sst s1;
	(tag) =	ssettag s2;
	_ =	strace s9  }
0x27: {  	s1 =	sld [smem:$0x3FAC]  }
0x28: {  	s2 =	sld [smem:$0x3FAD]  }
0x29: {  	s4 =	sld [smem:$0x3FAF]  }
0x2a: {  	p0 =	seq.s32 s5, $0x0;
	s5 =	sld [smem:$0x3FB0]  }
0x2b: {  	s6 =	sld [smem:$0x3FB1]  }
0x2c: {  	s7 =	sld [smem:$0x3FB2]  }
0x2d: {  	s3 =	simm.s32 $0x108;
	s8 =	sld [smem:$0x3FB3]  }
0x2e: {  	s3 =	simm.s32 @!p0 $0x1082;
	s9 =	sld [smem:$0x3FB4]  }
0x2f: {  	lr =	sadd.s32 s0, s3;
	s0 =	sld [smem:$0x3FAB]  }
0x30: {  	s3 =	sld [smem:$0x3FAE]  }
0x31: {  	[smem:$0x3FB7] =	sst s10  }
0x32: {  	s10 =	sld [smem:$0x3FB5];
	_ =	sdelay $0x3  }
0x33: {  	p0 =	seq.s32 s10, $0x1;
	s10 =	sld [smem:$0x3FB7];
	_ =	sdelay $0x3  }
0x34: {  	[smem:$0x3FB7] =	sst s10  }
0x35: {  	s10 =	sld [smem:$0x3FB6];
	_ =	sdelay $0x3  }
0x36: {  	p1 =	seq.s32 s10, $0x1;
	s10 =	sld [smem:$0x3FB7];
	_ =	sdelay $0x3  }
0x37: {  	[smem:$0x3FB7] =	sst s10  }
0x38: {  	s10 =	sld [smem:$0x3FB8]  }
0x39: {  	_ = 	snop;
	(pc) =	sbr.ind lr, $3  }
0x3a: {  	_ = 	snop  }
0x3b: {  	_ = 	snop  }
0x3c: {  	p2 =	seq.s32 s10, $0x1;
	s10 =	sld [smem:$0x3FB7]  }
0x3d: {  	_ =	shalt  }
0x3e: {  	_ =	shalt  }
0x3f: {  	_ =	shalt  }
0x40: {  	_ =	shalt  }
0x41: {  	_ =	shalt  }
0x42: {  	_ =	shalt  }
0x43: {  	_ =	shalt  }
0x44: {  	_ =	shalt  }
0x45: {  	_ =	shalt  }
0x46: {  	_ =	shalt  }
0x47: {  	_ =	shalt  }
0x48: {  	_ =	shalt  }
0x49: {  	_ =	shalt  }
0x4a: {  	_ =	shalt  }
0x4b: {  	_ =	shalt  }
0x4c: {  	_ =	shalt  }
0x4d: {  	_ =	shalt  }
0x4e: {  	_ =	shalt  }
0x4f: {  	_ =	shalt  }
0x50: {  	_ =	shalt  }
0x51: {  	_ =	shalt  }
0x52: {  	_ =	shalt  }
0x53: {  	_ =	shalt  }
0x54: {  	_ =	shalt  }
0x55: {  	_ =	shalt  }
0x56: {  	_ =	shalt  }
0x57: {  	_ =	shalt  }
0x58: {  	_ =	shalt  }
0x59: {  	_ =	shalt  }
0x5a: {  	_ =	shalt  }
0x5b: {  	_ =	shalt  }
0x5c: {  	_ =	shalt  }
0x5d: {  	_ =	shalt  }
0x5e: {  	_ =	shalt  }
0x5f: {  	_ =	shalt  }
0x60: {  	_ =	shalt  }
0x61: {  	_ =	shalt  }
0x62: {  	_ =	shalt  }
0x63: {  	_ =	shalt  }
0x64: {  	_ =	shalt  }
0x65: {  	_ =	shalt  }
0x66: {  	_ =	shalt  }
0x67: {  	_ =	shalt  }
0x68: {  	_ =	shalt  }
0x69: {  	_ =	shalt  }
0x6a: {  	_ =	shalt  }
0x6b: {  	_ =	shalt  }
0x6c: {  	_ =	shalt  }
0x6d: {  	_ =	shalt  }
0x6e: {  	_ =	shalt  }
0x6f: {  	_ =	shalt  }
0x70: {  	_ =	shalt  }
0x71: {  	_ =	shalt  }
0x72: {  	_ =	shalt  }
0x73: {  	_ =	shalt  }
0x74: {  	_ =	shalt  }
0x75: {  	_ =	shalt  }
0x76: {  	_ =	shalt  }
0x77: {  	_ =	shalt  }
0x78: {  	_ =	shalt  }
0x79: {  	_ =	shalt  }
0x7a: {  	_ =	shalt  }
0x7b: {  	_ =	shalt  }
0x7c: {  	_ =	shalt  }
0x7d: {  	_ =	shalt  }
0x7e: {  	_ =	shalt  }
0x7f: {  	_ =	shalt  }
0x80: {  	_ =	shalt  }
0x81: {  	_ =	shalt  }
0x82: {  	_ =	shalt  }
0x83: {  	_ =	shalt  }
0x84: {  	_ =	shalt  }
0x85: {  	_ =	shalt  }
0x86: {  	_ =	shalt  }
0x87: {  	_ =	shalt  }
.Lfunc_end0:
.L_simem_size_0:
called_computation_lowered:
.L_overlay_start_0:
0x88: {  	s2 =	sld [smem:$0x3FD9]  }
0x89: {  	s3 =	sld [smem:$0x3FFE];
	_ =	sdelay $0x1  }
0x8a: {  	s1 =	srdreg.scid  }
0x8b: {  	s0 =	sand.u32 $0x1, s1  }
0x8c: {  	s17 =	sshll.u32 s0, $0xA;
	s2 =	sadd.s32 s3, s2  }
0x8d: {  	s2 =	sadd.s32 s2, s17  }
0x8e: {  	[smem:$0x3FC3] =	sst s2  }
0x8f: {  	_ = 	snop  }
0x90: {  	s2 =	sld [smem:$0x3FD0];
	(tm) =	ssettm $0x1  }
0x91: {  	s18 =	sld [smem:$0x3FFB];
	_ =	sdelay $0x3  }
0x92: {  	_ =	strace s18  }
0x93: {  	s3 =	sld [smem:$0x3FFC];
	_ =	sdelay $0x3  }
0x94: {  	_ =	strace s3  }
0x95: {  	s3 =	sld [smem:$0x3FFD];
	_ =	sdelay $0x3  }
0x96: {  	_ =	strace s3  }
0x97: {  	_ =	strace $0x8FFFFFFF  }
0x98: {  	s19 =	sld [smem:$0x3FDB];
	_ =	sdelay $0x1  }
0x99: {  	s4 =	simm.s32 $_scs_section_size  }
0x9a: {  	s5 =	simm.s32 $_size__tile_overlayer_lowered;
	s6 =	simm.s32 $_tile_overlayer_lowered  }
0x9b: {  	s22 =	simm.s32 $0x1BFF;
	s21 =	sshll.u32 s6, $0x1;
	s3 =	sadd.s32 s4, s19  }
0x9c: {  	s7 =	simm.s32 $0x0;
	s20 =	sshll.u32 s5, $0x1;
	s5 =	sadd.s32 s21, s3  }
0x9d: {  	[timem:s7], [sflag:s22] =	dma.local [hbm:s5], s20  }
0x9e: {  	_ =	swait.ge [sflag:s22], s20  }
0x9f: {  	s4 =	ssub.s32 $0x0, s20;
	[sflag:s22] =	ssyncset.done $0x0  }
0xa0: {  	[sflag:s22] =	ssyncadd.s32 s4;
	_ =	sdelay $0x1  }
0xa1: {  	s23 =	simm.s32 $0x1B8B  }
0xa2: {  	_ =	swait.ge [sflag:s23], $0x1  }
0xa3: {  	[sflag:s23] =	ssyncset.done $0x0  }
0xa4: {  	s25 =	simm.s32 $0x1B8E;
	s24 =	sld [smem:$0x3FFE];
	[sflag:s23] =	ssyncadd.s32 $0xFFFFFFFF  }
0xa5: {  	s26 =	simm.s32 $execute0_lowered;
	[smem:$0x3FD2] =	sst s25  }
0xa6: {  	s5 =	sshll.u32 s26, $0x1;
	_ =	strace $0x80000046;
	[dreg:$0x1] =	wrdreg $0xFFFFFFFF  }
0xa7: {  	s28 =	simm.s32 $_size_execute0_lowered;
	s3 =	sadd.s32 s3, s5;
	[dreg:$0x0] =	wrdreg $0x0  }
0xa8: {  	s5 =	sshll.u32 s28, $0x1;
	[dreg:$0x2] =	wrdreg s3  }
0xa9: {  	[dreg:$0x3] =	wrdreg s5  }
0xaa: {  	[dreg:$0x4] =	wrdreg $0xC0  }
0xab: {  	_ =	task [dreg:s7], $0x5FFFF  }
0xac: {  	[dreg:$0x1] =	wrdreg $0xFFFFFFFF  }
0xad: {  	[dreg:$0x0] =	wrdreg $0x60  }
0xae: {  	[dreg:$0x2] =	wrdreg s2  }
0xaf: {  	[dreg:$0x3] =	wrdreg s24  }
0xb0: {  	[dreg:$0x4] =	wrdreg $0x13A600  }
0xb1: {  	[dreg:$0x5] =	wrdreg $0x1D6A00  }
0xb2: {  	[dreg:$0x6] =	wrdreg $0x9  }
0xb3: {  	_ =	task.clear_ibuf [dreg:s7], $0x7FFFF;
	_ =	strace $0x90000046  }
0xb4: {  	s29 =	simm.s32 $0x9;
	_ =	strace $0x80000048  }
0xb5: {  	_ =	swait.ge [sflag:s29], $0x1  }
0xb6: {  	[sflag:s29] =	ssyncadd.s32 $0xFFFFFFFF  }
0xb7: {  	_ =	strace $0x90000048  }
0xb8: {  	_ =	sfence  }
0xb9: {  	s30 =	sld [smem:$0x0];
	_ =	sdelay $0x2  }
0xba: {  	s31 =	sshll.u32 s1, $0xD;
	s1 =	sshrl.u32 s1, $0x2  }
0xbb: {  	s3 =	sand.u32 $0x4000, s31;
	s1 =	sadd.s32 s1, s30  }
0xbc: {  	s0 =	sor.u32 s3, s0;
	s1 =	sshll.u32 s1, $0x11  }
0xbd: {  	s0 =	sor.u32 s1, s0  }
0xbe: {  	s0 =	sadd.s32 $0x8F2B, s0  }
0xbf: {  	[sflag:s0] =	ssyncadd.remote.s32 $0x1  }
0xc0: {  	_ =	sfence.sel $0xFFFF  }
0xc1: {  	[dreg:$0x0] =	wrdreg $0xFFFFFFFF;
	(pc) =	sbr.abs _section_cstart, $3  }
0xc2: {  	[dreg:$0x1] =	wrdreg $0xFFFFFFFF  }
0xc3: {  	_ =	task.clear_ibuf [dreg:s7], $0x2FFFF;
	_ =	strace $0x9FFFFFFF  }
0xc4: {  	(tm) =	ssettm $0x7FFFFFFF  }
0xc5: {  	_ =	shalt  }
tec
execute0_lowered:
.L_overlay_start_1:
0x0: {  	(tag) =	ssettag $0x1  }
0x1: {  	s0 =	srdreg.scid  }
0x2: {  	s23 =	stileid.u32;
	s1 =	rddreg [dreg:$0x0]  }
0x3: {  	s8 =	rddreg [dreg:$0x1];
	s9 =	smul.u32 $0x271, s23  }
0x4: {  	s2 =	simm.s32 $0x0;
	s29 =	simm.s32 $0x6;
	s11 =	smul.u32 $0x2710, s23  }
0x5: {  	s31 =	simm.s32 $0x7;
	s7 =	sand.u32 $0x1, s0;
	s15 =	smul.u32 $0x13880, s23  }
0x6: {  	[smem:$0x7FF] =	sst s2;
	s10 =	sadd.s32 $0x15200, s8;
	s14 =	smul.u32 $0x27100, s7  }
0x7: {  	s0 =	sshll.u32 s7, $0x4;
	s4 =	ssub.s32 $0x2, s7;
	s7 =	smul.u32 $0x138800, s7  }
0x8: {  	s0 =	sor.u32 s23, s0;
	s22 =	sshrl.u32 s4, $0x1;
	s12 =	sadd.s32 $0x7D, s9  }
0x9: {  	s13 =	sadd.s32 $0xFA, s9;
	s6 =	sadd.s32 $0x177, s9;
	s23 =	smul.u32 $0x27100, s23  }
0xa: {  	s9 =	sadd.s32 $0x1F4, s9;
	s0 =	smul.u32 $0x2800, s0;
	s5 =	sshll.u32 s13, $0x4  }
0xb: {  	s16 =	sadd.s32 s11, s14;
	s18 =	sshll.u32 s6, $0x4;
	s19 =	sshll.u32 s9, $0x4  }
0xc: {  	s15 =	sadd.s32 s15, s7;
	s17 =	sshll.u32 s12, $0x7;
	s20 =	sshll.u32 s13, $0x7  }
0xd: {  	s21 =	sshll.u32 s6, $0x7;
	s16 =	sshrl.u32 s16, $0x3;
	s17 =	sadd.s32 s7, s17  }
0xe: {  	s25 =	sadd.s32 s14, s5;
	s21 =	sadd.s32 s7, s21;
	s0 =	sshrl.u32 s0, $0x3  }
0xf: {  	s3 =	sadd.s32 s0, s8;
	s0 =	ssub.s32 s4, s22;
	s4 =	sshll.u32 s12, $0x4  }
0x10: {  	s26 =	sadd.s32 s14, s18;
	s16 =	sadd.s32 s10, s16;
	s24 =	sadd.s32 s14, s4  }
0x11: {  	[dreg:$0x5] =	wrdreg s16;
	s14 =	sadd.s32 s14, s19;
	s16 =	sshrl.u32 s24, $0x3  }
0x12: {  	s22 =	sshll.u32 s9, $0x7;
	s14 =	sshrl.u32 s14, $0x3;
	s16 =	sadd.s32 s10, s16  }
0x13: {  	[dreg:$0x6] =	wrdreg s16;
	s16 =	sadd.s32 s7, s20;
	s20 =	sshrl.u32 s25, $0x3  }
0x14: {  	s7 =	sadd.s32 s7, s22;
	s22 =	sshrl.u32 s26, $0x3;
	s20 =	sadd.s32 s10, s20  }
0x15: {  	s24 =	sshrl.u32 s15, $0x3;
	s28 =	sadd.s32 s10, s22;
	[dreg:$0x7] =	wrdreg s20  }
0x16: {  	s10 =	sadd.s32 s10, s14;
	s22 =	sadd.s32 $0x1F000, s8;
	[dreg:$0x8] =	wrdreg s28  }
0x17: {  	s17 =	sshrl.u32 s17, $0x3;
	[dreg:$0x9] =	wrdreg s10;
	s15 =	sadd.s32 s22, s24  }
0x18: {  	s16 =	sshrl.u32 s16, $0x3;
	s25 =	sadd.s32 s22, s17;
	[dreg:$0xa] =	wrdreg s15  }
0x19: {  	s7 =	sshrl.u32 s7, $0x3;
	s26 =	sadd.s32 s22, s16;
	[dreg:$0xb] =	wrdreg s25  }
0x1a: {  	s8 =	sadd.s32 $0x1F008, s8;
	s10 =	sadd.s32 s22, s7;
	[dreg:$0xc] =	wrdreg s26  }
0x1b: {  	s20 =	sshrl.u32 s21, $0x3;
	s21 =	sadd.s32 s24, s8;
	[dreg:$0xe] =	wrdreg s10  }
0x1c: {  	s0 =	smax.u32 s0, $0x1;
	s24 =	sadd.s32 s16, s8;
	[dreg:$0xf] =	wrdreg s21  }
0x1d: {  	s7 =	sadd.s32 s7, s8;
	s16 =	sshll.u32 s12, $0x6;
	s15 =	rddreg [dreg:$0x2]  }
0x1e: {  	s28 =	sadd.s32 s22, s20;
	s22 =	sadd.s32 s17, s8;
	s17 =	rddreg [dreg:$0x3]  }
0x1f: {  	s12 =	simm.s32 $0x6F40;
	[dreg:$0x11] =	wrdreg s24;
	s25 =	sadd.s32 s20, s8  }
0x20: {  	[dreg:$0x13] =	wrdreg s7;
	s26 =	sshrl.u32 s23, $0x2;
	s20 =	sshll.u32 s13, $0x6  }
0x21: {  	s24 =	sshll.u32 s6, $0x6;
	s7 =	simm.s32 $0x11350;
	[dreg:$0xd] =	wrdreg s28  }
0x22: {  	s8 =	simm.s32 $0x13290;
	s13 =	simm.s32 $0xCD00;
	[dreg:$0x10] =	wrdreg s22  }
0x23: {  	s6 =	simm.s32 $0x40;
	[dreg:$0x12] =	wrdreg s25;
	s28 =	sadd.s32 $0x1200, s3  }
0x24: {  	s3 =	sadd.s32 $0xB200, s3;
	s10 =	sadd.s32 s26, s15;
	s14 =	sadd.s32 s11, s17  }
0x25: {  	s21 =	sadd.s32 s4, s17;
	_ =	strace $0x80000047;
	[dreg:$0x14] =	wrdreg s28  }
0x26: {  	s22 =	sadd.s32 s20, s15;
	s23 =	sadd.s32 s5, s17;
	[dreg:$0x15] =	wrdreg s3  }
0x27: {  	s25 =	sshll.u32 s9, $0x6;
	s30 =	sadd.s32 s24, s15;
	[dreg:$0x16] =	wrdreg s10  }
0x28: {  	s26 =	sadd.s32 s18, s17;
	s4 =	sadd.s32 $0x8, s1;
	[dreg:$0x17] =	wrdreg s14  }
0x29: {  	s5 =	simm.s32 $0x8;
	s9 =	simm.s32 $0x7D;
	[dreg:$0x19] =	wrdreg s21  }
0x2a: {  	s11 =	simm.s32 $0x80;
	s20 =	simm.s32 $0x1;
	[dreg:$0x1a] =	wrdreg s22  }
0x2b: {  	s18 =	simm.s32 $0x3;
	s24 =	simm.s32 $0x4;
	[dreg:$0x1b] =	wrdreg s23  }
.Ltmp0:
0x2c: {  	s3 =	sadd.s32 s16, s15;
	[dreg:$0x1c] =	wrdreg s26;
	(pc) =	sbr.rel .LBB2_1-.Ltmp0, $4  }
0x2d: {  	s14 =	sadd.s32 s25, s15;
	s28 =	sadd.s32 s19, s17;
	[dreg:$0x1e] =	wrdreg s0  }
0x2e: {  	s10 =	simm.s32 $0x5000;
	s16 =	simm.s32 $0x8E80;
	s19 =	simm.s32 $0xADC0  }
0x2f: {  	v2 =	vimm.s32 $0x1;
	vm0 =	vcmask $0xB00;
	s21 =	simm.s32 $0x10B80;
	s22 =	simm.s32 $0xEC40;
	[dreg:$0x18] =	wrdreg s3  }
0x30: {  	v0 =	vimm.f32 $0.0e+00;
	v1 =	vimm.f32 $1.000000000e+00;
	v2 =	vsel vm0, $0x0, v2;
	s26 =	simm.s32 $0x5;
	[dreg:$0x1d] =	wrdreg s28;
	s3 =	simm.s32 $0x2  }
.LBB2_17:
0x31: {  	_ =	swait.ge [sflag:s29], $0x1F40  }
0x32: {  	[sflag:s29] =	ssyncset.done $0x0  }
0x33: {  	[sflag:s29] =	ssyncadd.s32 $0xFFFFE0C0  }
0x34: {  	[spmem:s15] =	stream.indirect.scatter.add.f32 [tilespmem:s22], [sflag:$0x6], $0x40, s25, s9, $0xb8;
	[tilespmem:$0x1FDB0] =	vst v63  }
0x35: {  	_ =	swait.ge [sflag:s24], $0x1F40  }
0x36: {  	[sflag:s24] =	ssyncset.done $0x0  }
0x37: {  	[sflag:s24] =	ssyncadd.s32 $0xFFFFE0C0  }
0x38: {  	_ =	swait.ge [sflag:s20], $0x1F40  }
0x39: {  	[sflag:s20] =	ssyncset.done $0x0  }
0x3a: {  	s0 =	simm.s32 $0x4F00;
	[sflag:s20] =	ssyncadd.s32 $0xFFFFE0C0  }
0x3b: {  	[spmem:s15] =	stream.indirect.scatter.add.f32 [tilespmem:s10], [sflag:$0x1], $0x40, s0, s9, $0xb8;
	[tilespmem:$0x1FDB0] =	vst v63  }
0x3c: {  	_ =	swait.ge [sflag:s26], $0x1F40  }
0x3d: {  	[sflag:s26] =	ssyncset.done $0x0  }
0x3e: {  	[sflag:s26] =	ssyncadd.s32 $0xFFFFE0C0  }
0x3f: {  	_ =	swait.ge [sflag:s3], $0x1F40  }
0x40: {  	[sflag:s3] =	ssyncset.done $0x0  }
0x41: {  	s28 =	simm.s32 $0x4F80;
	[sflag:s3] =	ssyncadd.s32 $0xFFFFE0C0  }
0x42: {  	[spmem:s15] =	stream.indirect.scatter.add.f32 [tilespmem:s12], [sflag:$0x2], $0x40, s28, s9, $0xb8;
	[tilespmem:$0x1FDB0] =	vst v63  }
0x43: {  	_ =	swait.ge [sflag:s29], $0x1F40  }
0x44: {  	[sflag:s29] =	ssyncset.done $0x0  }
0x45: {  	[sflag:s29] =	ssyncadd.s32 $0xFFFFE0C0  }
0x46: {  	_ =	swait.ge [sflag:s20], $0x1F40  }
0x47: {  	[sflag:s20] =	ssyncset.done $0x0  }
0x48: {  	[sflag:s20] =	ssyncadd.s32 $0xFFFFE0C0  }
0x49: {  	_ =	swait.ge [sflag:s3], $0x1F40  }
0x4a: {  	[sflag:s3] =	ssyncset.done $0x0  }
0x4b: {  	[sflag:s3] =	ssyncadd.s32 $0xFFFFE0C0  }
0x4c: {  	[bflag:$0x0] =	sbarrier.arrive $0xFFFF  }
0x4d: {  	s23 =	rddreg [dreg:$0x16]  }
0x4e: {  	[tilespmem:s7], [sflag:$0x8] =	stream.linear.gather [spmem:s23], $0x1F40, $0x38;
	[tilespmem:$0x1FDB0] =	vst v63  }
0x4f: {  	_ =	swait.ge [sflag:s5], $0x1F40  }
0x50: {  	[sflag:s5] =	ssyncset.done $0x0  }
0x51: {  	s25 =	rddreg [dreg:$0xf];
	[sflag:s5] =	ssyncadd.s32 $0xFFFFE0C0  }
0x52: {  	[hbm4b:s25+s6] =	stream.strided.scatter [tilespmem:s7], [sflag:$0x8], $0x1F40, s11, s6, $0x38;
	[tilespmem:$0x1FDB0] =	vst v63  }
0x53: {  	_ =	swait.ge [sflag:s5], $0x1F40  }
0x54: {  	[sflag:s5] =	ssyncset.done $0x0  }
0x55: {  	s28 =	rddreg [dreg:$0x18];
	[sflag:s5] =	ssyncadd.s32 $0xFFFFE0C0  }
0x56: {  	[tilespmem:s7], [sflag:$0x8] =	stream.linear.gather [spmem:s28], $0x1F40, $0x38;
	[tilespmem:$0x1FDB0] =	vst v63  }
0x57: {  	_ =	swait.ge [sflag:s5], $0x1F40  }
0x58: {  	[sflag:s5] =	ssyncset.done $0x0  }
0x59: {  	s23 =	rddreg [dreg:$0x10];
	[sflag:s5] =	ssyncadd.s32 $0xFFFFE0C0  }
0x5a: {  	[hbm4b:s23+s6] =	stream.strided.scatter [tilespmem:s7], [sflag:$0x8], $0x1F40, s11, s6, $0x38;
	[tilespmem:$0x1FDB0] =	vst v63  }
0x5b: {  	_ =	swait.ge [sflag:s5], $0x1F40  }
0x5c: {  	[sflag:s5] =	ssyncset.done $0x0  }
0x5d: {  	s25 =	rddreg [dreg:$0x1a];
	[sflag:s5] =	ssyncadd.s32 $0xFFFFE0C0  }
0x5e: {  	[tilespmem:s7], [sflag:$0x8] =	stream.linear.gather [spmem:s25], $0x1F40, $0x38;
	[tilespmem:$0x1FDB0] =	vst v63  }
0x5f: {  	_ =	swait.ge [sflag:s5], $0x1F40  }
0x60: {  	[sflag:s5] =	ssyncset.done $0x0  }
0x61: {  	s28 =	rddreg [dreg:$0x11];
	[sflag:s5] =	ssyncadd.s32 $0xFFFFE0C0  }
0x62: {  	[hbm4b:s28+s6] =	stream.strided.scatter [tilespmem:s7], [sflag:$0x8], $0x1F40, s11, s6, $0x38;
	[tilespmem:$0x1FDB0] =	vst v63  }
0x63: {  	_ =	swait.ge [sflag:s5], $0x1F40  }
0x64: {  	[sflag:s5] =	ssyncset.done $0x0  }
0x65: {  	[sflag:s5] =	ssyncadd.s32 $0xFFFFE0C0  }
0x66: {  	[tilespmem:s7], [sflag:$0x8] =	stream.linear.gather [spmem:s30], $0x1F40, $0x38;
	[tilespmem:$0x1FDB0] =	vst v63  }
0x67: {  	_ =	swait.ge [sflag:s5], $0x1F40  }
0x68: {  	[sflag:s5] =	ssyncset.done $0x0  }
0x69: {  	s23 =	rddreg [dreg:$0x12];
	[sflag:s5] =	ssyncadd.s32 $0xFFFFE0C0  }
0x6a: {  	[hbm4b:s23+s6] =	stream.strided.scatter [tilespmem:s7], [sflag:$0x8], $0x1F40, s11, s6, $0x38;
	[tilespmem:$0x1FDB0] =	vst v63  }
0x6b: {  	_ =	swait.ge [sflag:s5], $0x1F40  }
0x6c: {  	[sflag:s5] =	ssyncset.done $0x0  }
0x6d: {  	[sflag:s5] =	ssyncadd.s32 $0xFFFFE0C0  }
0x6e: {  	[tilespmem:s7], [sflag:$0x8] =	stream.linear.gather [spmem:s14], $0x1F40, $0x38;
	[tilespmem:$0x1FDB0] =	vst v63  }
0x6f: {  	_ =	swait.ge [sflag:s5], $0x1F40  }
0x70: {  	[sflag:s5] =	ssyncset.done $0x0  }
0x71: {  	s25 =	rddreg [dreg:$0x13];
	[sflag:s5] =	ssyncadd.s32 $0xFFFFE0C0  }
0x72: {  	[hbm4b:s25+s6] =	stream.strided.scatter [tilespmem:s7], [sflag:$0x8], $0x1F40, s11, s6, $0x38;
	[tilespmem:$0x1FDB0] =	vst v63  }
0x73: {  	_ =	swait.ge [sflag:s5], $0x1F40  }
0x74: {  	s2 =	sadd.s32 $0x1, s2;
	s28 =	rddreg [dreg:$0x1e]  }
0x75: {  	p0 =	sne.s32 s2, s28  }
.Ltmp1:
0x76: {  	_ = 	snop;
	(pc) =	sbr.rel @!p0 .LBB2_18-.Ltmp1, $3  }
0x77: {  	_ =	sdelay $0x1  }
0x78: {  	[sflag:s5] =	ssyncset.done $0x0  }
0x79: {  	[sflag:s5] =	ssyncadd.s32 $0xFFFFE0C0  }
.LBB2_1:
0x7a: {  	s0 =	simm.s32 $0x11370;
	s23 =	simm.s32 $0x0  }
.LBB2_2:
0x7b: {  	p0 =	sne.s32 s23, $0x1F00  }
.Ltmp2:
0x7c: {  	[tilespmem:s0+$0xFFFFFFE0] =	vst v0;
	(pc) =	sbr.rel @p0 .LBB2_2-.Ltmp2, $4  }
0x7d: {  	[tilespmem:s0+$0xFFFFFFF0] =	vst v0  }
0x7e: {  	[tilespmem:s0+$0x0] =	vst v0  }
0x7f: {  	[tilespmem:s0+$0x10] =	vst v0;
	s25 =	sshra.s32 s23, $0x2  }
0x80: {  	s0 =	sadd.s32 $0x40, s0;
	s23 =	sadd.s32 $0x40, s23;
	[tilespmem:s25+$0x13290] =	vst v0  }
0x81: {  	s0 =	simm.s32 $0x40;
	s23 =	simm.s32 $0x0  }
.LBB2_4:
0x82: {  	p0 =	sne.s32 s0, $0x1F00;
	[tilespmem:s23+$0x10B80] =	vst v1;
	s23 =	smov.u32 s0;
	s0 =	sadd.s32 $0x40, s0  }
.Ltmp3:
0x83: {  	(pc) =	sbr.rel @p0 .LBB2_4-.Ltmp3, $2  }
0x84: {  	_ =	sdelay $0x2  }
0x85: {  	s23 =	sshra.s32 s23, $0x2  }
0x86: {  	[tilespmem:s23+$0x10B80] =	vst v1;
	s0 =	simm.s32 $0x0;
	s25 =	rddreg [dreg:$0x14]  }
0x87: {  	[tilespmem:s0], [sflag:$0x8] =	stream.linear.gather [hbm4b:s25+s0], $0x2800, $0x38;
	[tilespmem:$0x1FDB0] =	vst v63  }
0x88: {  	_ =	swait.ge [sflag:s5], $0x2800  }
0x89: {  	[sflag:s5] =	ssyncset.done $0x0  }
0x8a: {  	s25 =	simm.s32 $0x2800;
	s28 =	rddreg [dreg:$0x15];
	[sflag:s5] =	ssyncadd.s32 $0xFFFFD800  }
0x8b: {  	[tilespmem:s25], [sflag:$0x8] =	stream.linear.gather [hbm4b:s28+s0], $0x2800, $0x38;
	[tilespmem:$0x1FDB0] =	vst v63  }
0x8c: {  	_ =	swait.ge [sflag:s5], $0x2800  }
0x8d: {  	[sflag:s5] =	ssyncset.done $0x0  }
0x8e: {  	s0 =	simm.s32 $0x0;
	[sflag:s5] =	ssyncadd.s32 $0xFFFFD800  }
0x8f: {  	v3 =	vld [tilespmem:s0+$0x60]  }
0x90: {  	v4 =	vld [tilespmem:s0+$0x0]  }
0x91: {  	v5 =	vld [tilespmem:s0+$0x10]  }
0x92: {  	v6 =	vld [tilespmem:s0+$0x20]  }
0x93: {  	v7 =	vld [tilespmem:s0+$0x30]  }
0x94: {  	v8 =	vld [tilespmem:s0+$0x40];
	v3 =	vshll.u32 v3, $0x1  }
0x95: {  	v9 =	vld [tilespmem:s0+$0x50];
	v4 =	vshll.u32 v4, $0x1;
	[tilespmem:s0+$0x60] =	vst v3  }
0x96: {  	[tilespmem:s0+$0x0] =	vst v4;
	v3 =	vshll.u32 v5, $0x1;
	v4 =	vld [tilespmem:s0+$0x6D]  }
0x97: {  	[tilespmem:s0+$0x10] =	vst v3;
	v3 =	vshll.u32 v6, $0x1  }
0x98: {  	[tilespmem:s0+$0x20] =	vst v3;
	v3 =	vshll.u32 v7, $0x1  }
0x99: {  	[tilespmem:s0+$0x30] =	vst v3;
	v3 =	vshll.u32 v8, $0x1  }
0x9a: {  	[tilespmem:s0+$0x40] =	vst v3;
	v3 =	vshll.u32 v9, $0x1  }
0x9b: {  	s23 =	simm.s32 $0x200;
	s25 =	simm.s32 $0x400;
	[tilespmem:s0+$0x50] =	vst v3;
	v3 =	vshll.u32 v4, v2  }
.LBB2_6:
0x9c: {  	p0 =	sne.s32 s25, $0x9E00  }
0x9d: {  	[tilespmem:s0+$0x6D] =	vst v3;
	s0 =	sshra.s32 s23, $0x2;
	s23 =	smov.u32 s25;
	s25 =	sadd.s32 $0x200, s25  }
0x9e: {  	v3 =	vld [tilespmem:s0+$0x60]  }
0x9f: {  	v4 =	vld [tilespmem:s0+$0x0]  }
0xa0: {  	v5 =	vld [tilespmem:s0+$0x10]  }
0xa1: {  	v6 =	vld [tilespmem:s0+$0x20]  }
0xa2: {  	v7 =	vld [tilespmem:s0+$0x30]  }
0xa3: {  	v8 =	vld [tilespmem:s0+$0x40];
	v3 =	vshll.u32 v3, $0x1  }
0xa4: {  	v4 =	vshll.u32 v4, $0x1;
	v9 =	vld [tilespmem:s0+$0x50];
	[tilespmem:s0+$0x60] =	vst v3  }
0xa5: {  	[tilespmem:s0+$0x0] =	vst v4;
	v3 =	vshll.u32 v5, $0x1;
	v4 =	vld [tilespmem:s0+$0x6D]  }
.Ltmp4:
0xa6: {  	[tilespmem:s0+$0x10] =	vst v3;
	v3 =	vshll.u32 v6, $0x1;
	(pc) =	sbr.rel @p0 .LBB2_6-.Ltmp4, $4  }
0xa7: {  	[tilespmem:s0+$0x20] =	vst v3;
	v3 =	vshll.u32 v7, $0x1  }
0xa8: {  	[tilespmem:s0+$0x30] =	vst v3;
	v3 =	vshll.u32 v8, $0x1  }
0xa9: {  	[tilespmem:s0+$0x40] =	vst v3;
	v3 =	vshll.u32 v9, $0x1  }
0xaa: {  	[tilespmem:s0+$0x50] =	vst v3;
	v3 =	vshll.u32 v4, v2  }
0xab: {  	[tilespmem:s0+$0x6D] =	vst v3;
	s25 =	sshra.s32 s23, $0x2  }
0xac: {  	v3 =	vld [tilespmem:s25+$0x60]  }
0xad: {  	v4 =	vld [tilespmem:s25+$0x0]  }
0xae: {  	v5 =	vld [tilespmem:s25+$0x10]  }
0xaf: {  	v6 =	vld [tilespmem:s25+$0x20]  }
0xb0: {  	v7 =	vld [tilespmem:s25+$0x30]  }
0xb1: {  	v8 =	vld [tilespmem:s25+$0x40];
	v3 =	vshll.u32 v3, $0x1  }
0xb2: {  	v9 =	vld [tilespmem:s25+$0x50];
	v4 =	vshll.u32 v4, $0x1;
	[tilespmem:s25+$0x60] =	vst v3  }
0xb3: {  	[tilespmem:s25+$0x0] =	vst v4;
	v3 =	vshll.u32 v5, $0x1;
	v63 =	vld [tilespmem:s25+$0x6D]  }
0xb4: {  	[tilespmem:s25+$0x10] =	vst v3;
	v3 =	vshll.u32 v6, $0x1  }
0xb5: {  	[tilespmem:s25+$0x20] =	vst v3;
	v3 =	vshll.u32 v7, $0x1  }
0xb6: {  	[tilespmem:s25+$0x30] =	vst v3;
	v3 =	vshll.u32 v8, $0x1  }
0xb7: {  	[tilespmem:s25+$0x40] =	vst v3;
	v3 =	vshll.u32 v9, $0x1  }
0xb8: {  	[tilespmem:s25+$0x50] =	vst v3;
	v3 =	vshll.u32 v63, v2  }
0xb9: {  	s28 =	rddreg [dreg:$0x16];
	[tilespmem:s25+$0x6D] =	vst v3  }
0xba: {  	[spmem:s28] =	stream.linear.scatter [tilespmem:s7], [sflag:$0x8], $0x1F40, $0x38;
	[tilespmem:$0x1FDB0] =	vst v63  }
0xbb: {  	_ =	swait.ge [sflag:s5], $0x1F40  }
0xbc: {  	[sflag:s5] =	ssyncset.done $0x0  }
0xbd: {  	s23 =	rddreg [dreg:$0x17];
	[sflag:s5] =	ssyncadd.s32 $0xFFFFE0C0  }
0xbe: {  	[spmem:s23] =	stream.linear.scatter [tilespmem:s8], [sflag:$0x8], $0x7D0, $0x38;
	[tilespmem:$0x1FDB0] =	vst v63  }
0xbf: {  	_ =	swait.ge [sflag:s5], $0x7D0  }
0xc0: {  	[sflag:s5] =	ssyncset.done $0x0  }
0xc1: {  	s25 =	rddreg [dreg:$0x18];
	[sflag:s5] =	ssyncadd.s32 $0xFFFFF830  }
0xc2: {  	[spmem:s25] =	stream.linear.scatter [tilespmem:s7], [sflag:$0x8], $0x1F40, $0x38;
	[tilespmem:$0x1FDB0] =	vst v63  }
0xc3: {  	_ =	swait.ge [sflag:s5], $0x1F40  }
0xc4: {  	[sflag:s5] =	ssyncset.done $0x0  }
0xc5: {  	s28 =	rddreg [dreg:$0x19];
	[sflag:s5] =	ssyncadd.s32 $0xFFFFE0C0  }
0xc6: {  	[spmem:s28] =	stream.linear.scatter [tilespmem:s8], [sflag:$0x8], $0x7D0, $0x38;
	[tilespmem:$0x1FDB0] =	vst v63  }
0xc7: {  	_ =	swait.ge [sflag:s5], $0x7D0  }
0xc8: {  	[sflag:s5] =	ssyncset.done $0x0  }
0xc9: {  	s23 =	rddreg [dreg:$0x1a];
	[sflag:s5] =	ssyncadd.s32 $0xFFFFF830  }
0xca: {  	[spmem:s23] =	stream.linear.scatter [tilespmem:s7], [sflag:$0x8], $0x1F40, $0x38;
	[tilespmem:$0x1FDB0] =	vst v63  }
0xcb: {  	_ =	swait.ge [sflag:s5], $0x1F40  }
0xcc: {  	[sflag:s5] =	ssyncset.done $0x0  }
0xcd: {  	s25 =	rddreg [dreg:$0x1b];
	[sflag:s5] =	ssyncadd.s32 $0xFFFFE0C0  }
0xce: {  	[spmem:s25] =	stream.linear.scatter [tilespmem:s8], [sflag:$0x8], $0x7D0, $0x38;
	[tilespmem:$0x1FDB0] =	vst v63  }
0xcf: {  	_ =	swait.ge [sflag:s5], $0x7D0  }
0xd0: {  	[sflag:s5] =	ssyncset.done $0x0  }
0xd1: {  	[sflag:s5] =	ssyncadd.s32 $0xFFFFF830  }
0xd2: {  	[spmem:s30] =	stream.linear.scatter [tilespmem:s7], [sflag:$0x8], $0x1F40, $0x38;
	[tilespmem:$0x1FDB0] =	vst v63  }
0xd3: {  	_ =	swait.ge [sflag:s5], $0x1F40  }
0xd4: {  	[sflag:s5] =	ssyncset.done $0x0  }
0xd5: {  	s28 =	rddreg [dreg:$0x1c];
	[sflag:s5] =	ssyncadd.s32 $0xFFFFE0C0  }
0xd6: {  	[spmem:s28] =	stream.linear.scatter [tilespmem:s8], [sflag:$0x8], $0x7D0, $0x38;
	[tilespmem:$0x1FDB0] =	vst v63  }
0xd7: {  	_ =	swait.ge [sflag:s5], $0x7D0  }
0xd8: {  	[sflag:s5] =	ssyncset.done $0x0  }
0xd9: {  	[sflag:s5] =	ssyncadd.s32 $0xFFFFF830  }
0xda: {  	[spmem:s14] =	stream.linear.scatter [tilespmem:s7], [sflag:$0x8], $0x1F40, $0x38;
	[tilespmem:$0x1FDB0] =	vst v63  }
0xdb: {  	_ =	swait.ge [sflag:s5], $0x1F40  }
0xdc: {  	[sflag:s5] =	ssyncset.done $0x0  }
0xdd: {  	s23 =	rddreg [dreg:$0x1d];
	[sflag:s5] =	ssyncadd.s32 $0xFFFFE0C0  }
0xde: {  	[spmem:s23] =	stream.linear.scatter [tilespmem:s8], [sflag:$0x8], $0x7D0, $0x38;
	[tilespmem:$0x1FDB0] =	vst v63  }
0xdf: {  	_ =	swait.ge [sflag:s5], $0x7D0  }
0xe0: {  	[sflag:s5] =	ssyncset.done $0x0  }
0xe1: {  	[sflag:s5] =	ssyncadd.s32 $0xFFFFF830  }
0xe2: {  	s0 =	simm.s32 $0x0;
	[bflag:$0x0] =	sbarrier.arrive $0xFFFF  }
0xe3: {  	[tilespmem:s10], [sflag:$0x1] =	stream.indirect.gather [hbm4b:s1+s9], $0x40, s0, s9, $0xb8;
	[tilespmem:$0x1FDB0] =	vst v63  }
0xe4: {  	_ = 	snop  }
0xe5: {  	[tilespmem:s12], [sflag:$0x2] =	stream.indirect.gather [hbm4b:s1+s9], $0x40, s11, s9, $0xb8;
	[tilespmem:$0x1FDB0] =	vst v63  }
0xe6: {  	s25 =	simm.s32 $0x100  }
0xe7: {  	[tilespmem:s16], [sflag:$0x3] =	stream.indirect.gather [hbm4b:s1+s9], $0x40, s25, s9, $0xb8;
	[tilespmem:$0x1FDB0] =	vst v63  }
0xe8: {  	s28 =	simm.s32 $0x180  }
0xe9: {  	[tilespmem:s19], [sflag:$0x4] =	stream.indirect.gather [hbm4b:s1+s9], $0x40, s28, s9, $0xb8;
	[tilespmem:$0x1FDB0] =	vst v63  }
0xea: {  	_ =	swait.ge [sflag:s20], $0x1F40  }
0xeb: {  	[sflag:s20] =	ssyncset.done $0x0  }
0xec: {  	s25 =	simm.s32 $0x2800;
	[sflag:s20] =	ssyncadd.s32 $0xFFFFE0C0  }
0xed: {  	[spmem:s15] =	stream.indirect.scatter.add.f32 [tilespmem:s10], [sflag:$0x1], $0x40, s25, s9, $0xb8;
	[tilespmem:$0x1FDB0] =	vst v63  }
0xee: {  	_ = 	snop  }
0xef: {  	[spmem:s17] =	stream.indirect.scatter.add.f32 [tilespmem:s21], [sflag:$0x7], $0x10, s25, s9, $0xb8;
	[tilespmem:$0x1FDB0] =	vst v63  }
0xf0: {  	s28 =	simm.s32 $0x200  }
0xf1: {  	[tilespmem:s13], [sflag:$0x5] =	stream.indirect.gather [hbm4b:s1+s9], $0x40, s28, s9, $0xb8;
	[tilespmem:$0x1FDB0] =	vst v63  }
0xf2: {  	_ =	swait.ge [sflag:s3], $0x1F40  }
0xf3: {  	[sflag:s3] =	ssyncset.done $0x0  }
0xf4: {  	s25 =	simm.s32 $0x2880;
	[sflag:s3] =	ssyncadd.s32 $0xFFFFE0C0  }
0xf5: {  	[spmem:s15] =	stream.indirect.scatter.add.f32 [tilespmem:s12], [sflag:$0x2], $0x40, s25, s9, $0xb8;
	[tilespmem:$0x1FDB0] =	vst v63  }
0xf6: {  	_ = 	snop  }
0xf7: {  	[spmem:s17] =	stream.indirect.scatter.add.f32 [tilespmem:s21], [sflag:$0x7], $0x10, s25, s9, $0xb8;
	[tilespmem:$0x1FDB0] =	vst v63  }
0xf8: {  	s28 =	simm.s32 $0x280  }
0xf9: {  	[tilespmem:s22], [sflag:$0x6] =	stream.indirect.gather [hbm4b:s1+s9], $0x40, s28, s9, $0xb8;
	[tilespmem:$0x1FDB0] =	vst v63  }
0xfa: {  	_ =	swait.ge [sflag:s18], $0x1F40  }
0xfb: {  	[sflag:s18] =	ssyncset.done $0x0  }
0xfc: {  	s25 =	simm.s32 $0x2900;
	[sflag:s18] =	ssyncadd.s32 $0xFFFFE0C0  }
0xfd: {  	[spmem:s15] =	stream.indirect.scatter.add.f32 [tilespmem:s16], [sflag:$0x3], $0x40, s25, s9, $0xb8;
	[tilespmem:$0x1FDB0] =	vst v63  }
0xfe: {  	_ = 	snop  }
0xff: {  	[spmem:s17] =	stream.indirect.scatter.add.f32 [tilespmem:s21], [sflag:$0x7], $0x10, s25, s9, $0xb8;
	[tilespmem:$0x1FDB0] =	vst v63  }
0x100: {  	_ =	swait.ge [sflag:s20], $0x1F40  }
0x101: {  	[sflag:s20] =	ssyncset.done $0x0  }
0x102: {  	s28 =	simm.s32 $0x300;
	[sflag:s20] =	ssyncadd.s32 $0xFFFFE0C0  }
0x103: {  	[tilespmem:s10], [sflag:$0x1] =	stream.indirect.gather [hbm4b:s1+s9], $0x40, s28, s9, $0xb8;
	[tilespmem:$0x1FDB0] =	vst v63  }
0x104: {  	_ =	swait.ge [sflag:s24], $0x1F40  }
0x105: {  	[sflag:s24] =	ssyncset.done $0x0  }
0x106: {  	s25 =	simm.s32 $0x2980;
	[sflag:s24] =	ssyncadd.s32 $0xFFFFE0C0  }
0x107: {  	[spmem:s15] =	stream.indirect.scatter.add.f32 [tilespmem:s19], [sflag:$0x4], $0x40, s25, s9, $0xb8;
	[tilespmem:$0x1FDB0] =	vst v63  }
0x108: {  	_ = 	snop  }
0x109: {  	[spmem:s17] =	stream.indirect.scatter.add.f32 [tilespmem:s21], [sflag:$0x7], $0x10, s25, s9, $0xb8;
	[tilespmem:$0x1FDB0] =	vst v63  }
0x10a: {  	_ =	swait.ge [sflag:s3], $0x1F40  }
0x10b: {  	[sflag:s3] =	ssyncset.done $0x0  }
0x10c: {  	s28 =	simm.s32 $0x380;
	[sflag:s3] =	ssyncadd.s32 $0xFFFFE0C0  }
0x10d: {  	[tilespmem:s12], [sflag:$0x2] =	stream.indirect.gather [hbm4b:s1+s9], $0x40, s28, s9, $0xb8;
	[tilespmem:$0x1FDB0] =	vst v63  }
0x10e: {  	_ =	swait.ge [sflag:s26], $0x1F40  }
0x10f: {  	[sflag:s26] =	ssyncset.done $0x0  }
0x110: {  	s25 =	simm.s32 $0x2A00;
	[sflag:s26] =	ssyncadd.s32 $0xFFFFE0C0  }
0x111: {  	[spmem:s15] =	stream.indirect.scatter.add.f32 [tilespmem:s13], [sflag:$0x5], $0x40, s25, s9, $0xb8;
	[tilespmem:$0x1FDB0] =	vst v63  }
0x112: {  	_ = 	snop  }
0x113: {  	[spmem:s17] =	stream.indirect.scatter.add.f32 [tilespmem:s21], [sflag:$0x7], $0x10, s25, s9, $0xb8;
	[tilespmem:$0x1FDB0] =	vst v63  }
0x114: {  	_ =	swait.ge [sflag:s18], $0x1F40  }
0x115: {  	[sflag:s18] =	ssyncset.done $0x0  }
0x116: {  	s28 =	simm.s32 $0x400;
	[sflag:s18] =	ssyncadd.s32 $0xFFFFE0C0  }
0x117: {  	[tilespmem:s16], [sflag:$0x3] =	stream.indirect.gather [hbm4b:s1+s9], $0x40, s28, s9, $0xb8;
	[tilespmem:$0x1FDB0] =	vst v63  }
0x118: {  	_ =	swait.ge [sflag:s29], $0x1F40  }
0x119: {  	[sflag:s29] =	ssyncset.done $0x0  }
0x11a: {  	s25 =	simm.s32 $0x2A80;
	[sflag:s29] =	ssyncadd.s32 $0xFFFFE0C0  }
0x11b: {  	[spmem:s15] =	stream.indirect.scatter.add.f32 [tilespmem:s22], [sflag:$0x6], $0x40, s25, s9, $0xb8;
	[tilespmem:$0x1FDB0] =	vst v63  }
0x11c: {  	_ = 	snop  }
0x11d: {  	[spmem:s17] =	stream.indirect.scatter.add.f32 [tilespmem:s21], [sflag:$0x7], $0x10, s25, s9, $0xb8;
	[tilespmem:$0x1FDB0] =	vst v63  }
0x11e: {  	_ =	swait.ge [sflag:s24], $0x1F40  }
0x11f: {  	[sflag:s24] =	ssyncset.done $0x0  }
0x120: {  	s28 =	simm.s32 $0x480;
	[sflag:s24] =	ssyncadd.s32 $0xFFFFE0C0  }
0x121: {  	[tilespmem:s19], [sflag:$0x4] =	stream.indirect.gather [hbm4b:s1+s9], $0x40, s28, s9, $0xb8;
	[tilespmem:$0x1FDB0] =	vst v63  }
.LBB2_8:
0x122: {  	_ =	swait.ge [sflag:s20], $0x1F40  }
0x123: {  	s23 =	sshra.s32 s0, $0x2;
	[sflag:s20] =	ssyncset.done $0x0  }
0x124: {  	s25 =	sadd.s32 $0x2B00, s23;
	[sflag:s20] =	ssyncadd.s32 $0xFFFFE0C0  }
0x125: {  	[spmem:s15] =	stream.indirect.scatter.add.f32 [tilespmem:s10], [sflag:$0x1], $0x40, s25, s9, $0xb8;
	[tilespmem:$0x1FDB0] =	vst v63  }
0x126: {  	_ = 	snop  }
0x127: {  	[spmem:s17] =	stream.indirect.scatter.add.f32 [tilespmem:s21], [sflag:$0x7], $0x10, s25, s9, $0xb8;
	[tilespmem:$0x1FDB0] =	vst v63  }
0x128: {  	_ =	swait.ge [sflag:s26], $0x1F40  }
0x129: {  	[sflag:s26] =	ssyncset.done $0x0  }
0x12a: {  	s28 =	sadd.s32 $0x500, s23;
	[sflag:s26] =	ssyncadd.s32 $0xFFFFE0C0  }
0x12b: {  	[tilespmem:s13], [sflag:$0x5] =	stream.indirect.gather [hbm4b:s1+s9], $0x40, s28, s9, $0xb8;
	[tilespmem:$0x1FDB0] =	vst v63  }
0x12c: {  	_ =	swait.ge [sflag:s3], $0x1F40  }
0x12d: {  	[sflag:s3] =	ssyncset.done $0x0  }
0x12e: {  	s28 =	sadd.s32 $0x2B80, s23;
	[sflag:s3] =	ssyncadd.s32 $0xFFFFE0C0  }
0x12f: {  	[spmem:s15] =	stream.indirect.scatter.add.f32 [tilespmem:s12], [sflag:$0x2], $0x40, s28, s9, $0xb8;
	[tilespmem:$0x1FDB0] =	vst v63  }
0x130: {  	_ = 	snop  }
0x131: {  	[spmem:s17] =	stream.indirect.scatter.add.f32 [tilespmem:s21], [sflag:$0x7], $0x10, s28, s9, $0xb8;
	[tilespmem:$0x1FDB0] =	vst v63  }
0x132: {  	_ =	swait.ge [sflag:s29], $0x1F40  }
0x133: {  	[sflag:s29] =	ssyncset.done $0x0  }
0x134: {  	s28 =	sadd.s32 $0x580, s23;
	[sflag:s29] =	ssyncadd.s32 $0xFFFFE0C0  }
0x135: {  	[tilespmem:s22], [sflag:$0x6] =	stream.indirect.gather [hbm4b:s1+s9], $0x40, s28, s9, $0xb8;
	[tilespmem:$0x1FDB0] =	vst v63  }
0x136: {  	_ =	swait.ge [sflag:s18], $0x1F40  }
0x137: {  	[sflag:s18] =	ssyncset.done $0x0  }
0x138: {  	s28 =	sadd.s32 $0x2C00, s23;
	[sflag:s18] =	ssyncadd.s32 $0xFFFFE0C0  }
0x139: {  	[spmem:s15] =	stream.indirect.scatter.add.f32 [tilespmem:s16], [sflag:$0x3], $0x40, s28, s9, $0xb8;
	[tilespmem:$0x1FDB0] =	vst v63  }
0x13a: {  	_ = 	snop  }
0x13b: {  	[spmem:s17] =	stream.indirect.scatter.add.f32 [tilespmem:s21], [sflag:$0x7], $0x10, s28, s9, $0xb8;
	[tilespmem:$0x1FDB0] =	vst v63  }
0x13c: {  	_ =	swait.ge [sflag:s20], $0x1F40  }
0x13d: {  	[sflag:s20] =	ssyncset.done $0x0  }
0x13e: {  	s28 =	sadd.s32 $0x600, s23;
	[sflag:s20] =	ssyncadd.s32 $0xFFFFE0C0  }
0x13f: {  	[tilespmem:s10], [sflag:$0x1] =	stream.indirect.gather [hbm4b:s1+s9], $0x40, s28, s9, $0xb8;
	[tilespmem:$0x1FDB0] =	vst v63  }
0x140: {  	_ =	swait.ge [sflag:s24], $0x1F40  }
0x141: {  	[sflag:s24] =	ssyncset.done $0x0  }
0x142: {  	s28 =	sadd.s32 $0x2C80, s23;
	[sflag:s24] =	ssyncadd.s32 $0xFFFFE0C0  }
0x143: {  	[spmem:s15] =	stream.indirect.scatter.add.f32 [tilespmem:s19], [sflag:$0x4], $0x40, s28, s9, $0xb8;
	[tilespmem:$0x1FDB0] =	vst v63  }
0x144: {  	_ = 	snop  }
0x145: {  	[spmem:s17] =	stream.indirect.scatter.add.f32 [tilespmem:s21], [sflag:$0x7], $0x10, s28, s9, $0xb8;
	[tilespmem:$0x1FDB0] =	vst v63  }
0x146: {  	_ =	swait.ge [sflag:s3], $0x1F40  }
0x147: {  	[sflag:s3] =	ssyncset.done $0x0  }
0x148: {  	s28 =	sadd.s32 $0x680, s23;
	[sflag:s3] =	ssyncadd.s32 $0xFFFFE0C0  }
0x149: {  	[tilespmem:s12], [sflag:$0x2] =	stream.indirect.gather [hbm4b:s1+s9], $0x40, s28, s9, $0xb8;
	[tilespmem:$0x1FDB0] =	vst v63  }
0x14a: {  	_ =	swait.ge [sflag:s26], $0x1F40  }
0x14b: {  	[sflag:s26] =	ssyncset.done $0x0  }
0x14c: {  	p0 =	seq.s32 s0, $0x8400;
	s28 =	sadd.s32 $0x2D00, s23;
	[sflag:s26] =	ssyncadd.s32 $0xFFFFE0C0  }
0x14d: {  	[spmem:s15] =	stream.indirect.scatter.add.f32 [tilespmem:s13], [sflag:$0x5], $0x40, s28, s9, $0xb8;
	[tilespmem:$0x1FDB0] =	vst v63  }
.Ltmp5:
0x14e: {  	_ = 	snop;
	(pc) =	sbr.rel @p0 .LBB2_10-.Ltmp5, $4  }
0x14f: {  	[spmem:s17] =	stream.indirect.scatter.add.f32 [tilespmem:s21], [sflag:$0x7], $0x10, s28, s9, $0xb8;
	[tilespmem:$0x1FDB0] =	vst v63  }
0x150: {  	_ =	swait.ge [sflag:s18], $0x1F40  }
0x151: {  	[sflag:s18] =	ssyncset.done $0x0  }
0x152: {  	s25 =	sadd.s32 $0x2D80, s23;
	[sflag:s18] =	ssyncadd.s32 $0xFFFFE0C0  }
0x153: {  	s28 =	sadd.s32 $0x700, s23  }
0x154: {  	[tilespmem:s16], [sflag:$0x3] =	stream.indirect.gather [hbm4b:s1+s9], $0x40, s28, s9, $0xb8;
	[tilespmem:$0x1FDB0] =	vst v63  }
0x155: {  	_ =	swait.ge [sflag:s29], $0x1F40  }
0x156: {  	[sflag:s29] =	ssyncset.done $0x0  }
0x157: {  	[sflag:s29] =	ssyncadd.s32 $0xFFFFE0C0  }
0x158: {  	[spmem:s15] =	stream.indirect.scatter.add.f32 [tilespmem:s22], [sflag:$0x6], $0x40, s25, s9, $0xb8;
	[tilespmem:$0x1FDB0] =	vst v63  }
0x159: {  	_ = 	snop  }
0x15a: {  	[spmem:s17] =	stream.indirect.scatter.add.f32 [tilespmem:s21], [sflag:$0x7], $0x10, s25, s9, $0xb8;
	[tilespmem:$0x1FDB0] =	vst v63  }
.Ltmp6:
0x15b: {  	_ = 	snop;
	(pc) =	sbr.rel .LBB2_8-.Ltmp6, $4  }
0x15c: {  	_ =	swait.ge [sflag:s24], $0x1F40  }
0x15d: {  	[sflag:s24] =	ssyncset.done $0x0  }
0x15e: {  	s0 =	sadd.s32 $0xC00, s0;
	s28 =	sadd.s32 $0x780, s23;
	[sflag:s24] =	ssyncadd.s32 $0xFFFFE0C0  }
0x15f: {  	[tilespmem:s19], [sflag:$0x4] =	stream.indirect.gather [hbm4b:s1+s9], $0x40, s28, s9, $0xb8;
	[tilespmem:$0x1FDB0] =	vst v63  }
.LBB2_10:
0x160: {  	_ =	swait.ge [sflag:s29], $0x1F40  }
0x161: {  	[sflag:s29] =	ssyncset.done $0x0  }
0x162: {  	[sflag:s29] =	ssyncadd.s32 $0xFFFFE0C0  }
0x163: {  	[spmem:s15] =	stream.indirect.scatter.add.f32 [tilespmem:s22], [sflag:$0x6], $0x40, s25, s9, $0xb8;
	[tilespmem:$0x1FDB0] =	vst v63  }
0x164: {  	_ = 	snop  }
0x165: {  	[spmem:s17] =	stream.indirect.scatter.add.f32 [tilespmem:s21], [sflag:$0x7], $0x10, s25, s9, $0xb8;
	[tilespmem:$0x1FDB0] =	vst v63  }
0x166: {  	_ =	swait.ge [sflag:s24], $0x1F40  }
0x167: {  	[sflag:s24] =	ssyncset.done $0x0  }
0x168: {  	[sflag:s24] =	ssyncadd.s32 $0xFFFFE0C0  }
0x169: {  	_ =	swait.ge [sflag:s20], $0x1F40  }
0x16a: {  	[sflag:s20] =	ssyncset.done $0x0  }
0x16b: {  	s0 =	simm.s32 $0x4F00;
	[sflag:s20] =	ssyncadd.s32 $0xFFFFE0C0  }
0x16c: {  	[spmem:s15] =	stream.indirect.scatter.add.f32 [tilespmem:s10], [sflag:$0x1], $0x40, s0, s9, $0xb8;
	[tilespmem:$0x1FDB0] =	vst v63  }
0x16d: {  	_ = 	snop  }
0x16e: {  	[spmem:s17] =	stream.indirect.scatter.add.f32 [tilespmem:s21], [sflag:$0x7], $0x10, s0, s9, $0xb8;
	[tilespmem:$0x1FDB0] =	vst v63  }
0x16f: {  	_ =	swait.ge [sflag:s26], $0x1F40  }
0x170: {  	[sflag:s26] =	ssyncset.done $0x0  }
0x171: {  	[sflag:s26] =	ssyncadd.s32 $0xFFFFE0C0  }
0x172: {  	_ =	swait.ge [sflag:s3], $0x1F40  }
0x173: {  	[sflag:s3] =	ssyncset.done $0x0  }
0x174: {  	s28 =	simm.s32 $0x4F80;
	[sflag:s3] =	ssyncadd.s32 $0xFFFFE0C0  }
0x175: {  	[spmem:s15] =	stream.indirect.scatter.add.f32 [tilespmem:s12], [sflag:$0x2], $0x40, s28, s9, $0xb8;
	[tilespmem:$0x1FDB0] =	vst v63  }
0x176: {  	_ = 	snop  }
0x177: {  	[spmem:s17] =	stream.indirect.scatter.add.f32 [tilespmem:s21], [sflag:$0x7], $0x10, s28, s9, $0xb8;
	[tilespmem:$0x1FDB0] =	vst v63  }
0x178: {  	_ =	swait.ge [sflag:s29], $0x1F40  }
0x179: {  	[sflag:s29] =	ssyncset.done $0x0  }
0x17a: {  	[sflag:s29] =	ssyncadd.s32 $0xFFFFE0C0  }
0x17b: {  	_ =	swait.ge [sflag:s20], $0x1F40  }
0x17c: {  	[sflag:s20] =	ssyncset.done $0x0  }
0x17d: {  	[sflag:s20] =	ssyncadd.s32 $0xFFFFE0C0  }
0x17e: {  	_ =	swait.ge [sflag:s3], $0x1F40  }
0x17f: {  	[sflag:s3] =	ssyncset.done $0x0  }
0x180: {  	[sflag:s3] =	ssyncadd.s32 $0xFFFFE0C0  }
0x181: {  	_ =	swait.ge [sflag:s31], $0x7D0  }
0x182: {  	s0 =	simm.s32 $0x4F;
	[sflag:s31] =	ssyncset.done $0x0  }
.LBB2_11:
0x183: {  	p0 =	sne.s32 s0, $0x1;
	s0 =	sadd.s32 $0xFFFFFFFF, s0;
	[sflag:s31] =	ssyncadd.s32 $0xFFFFF830  }
.Ltmp7:
0x184: {  	(pc) =	sbr.rel @p0 .LBB2_11-.Ltmp7, $3  }
0x185: {  	_ =	sdelay $0x1  }
0x186: {  	_ =	swait.ge [sflag:s31], $0x7D0  }
0x187: {  	[sflag:s31] =	ssyncset.done $0x0  }
0x188: {  	[sflag:s31] =	ssyncadd.s32 $0xFFFFF830  }
0x189: {  	[bflag:$0x0] =	sbarrier.arrive $0xFFFF  }
0x18a: {  	s0 =	rddreg [dreg:$0x16]  }
0x18b: {  	[tilespmem:s7], [sflag:$0x8] =	stream.linear.gather [spmem:s0], $0x1F40, $0x38;
	[tilespmem:$0x1FDB0] =	vst v63  }
0x18c: {  	_ =	swait.ge [sflag:s5], $0x1F40  }
0x18d: {  	[sflag:s5] =	ssyncset.done $0x0  }
0x18e: {  	s28 =	rddreg [dreg:$0xa];
	[sflag:s5] =	ssyncadd.s32 $0xFFFFE0C0  }
0x18f: {  	[hbm4b:s28+s6] =	stream.strided.scatter [tilespmem:s7], [sflag:$0x8], $0x1F40, s11, s6, $0x38;
	[tilespmem:$0x1FDB0] =	vst v63  }
0x190: {  	_ =	swait.ge [sflag:s5], $0x1F40  }
0x191: {  	[sflag:s5] =	ssyncset.done $0x0  }
0x192: {  	s23 =	rddreg [dreg:$0x17];
	[sflag:s5] =	ssyncadd.s32 $0xFFFFE0C0  }
0x193: {  	[tilespmem:s8], [sflag:$0x8] =	stream.linear.gather [spmem:s23], $0x7D0, $0x38;
	[tilespmem:$0x1FDB0] =	vst v63  }
0x194: {  	_ =	swait.ge [sflag:s5], $0x7D0  }
0x195: {  	[sflag:s5] =	ssyncset.done $0x0  }
0x196: {  	s0 =	simm.s32 $0x0;
	s23 =	rddreg [dreg:$0x5];
	[sflag:s5] =	ssyncadd.s32 $0xFFFFF830  }
0x197: {  	[hbm4b:s23+s0] =	stream.linear.scatter [tilespmem:s8], [sflag:$0x8], $0x7D0, $0x38;
	[tilespmem:$0x1FDB0] =	vst v63  }
0x198: {  	_ =	swait.ge [sflag:s5], $0x7D0  }
0x199: {  	[sflag:s5] =	ssyncset.done $0x0  }
0x19a: {  	s25 =	rddreg [dreg:$0x18];
	[sflag:s5] =	ssyncadd.s32 $0xFFFFF830  }
0x19b: {  	[tilespmem:s7], [sflag:$0x8] =	stream.linear.gather [spmem:s25], $0x1F40, $0x38;
	[tilespmem:$0x1FDB0] =	vst v63  }
0x19c: {  	_ =	swait.ge [sflag:s5], $0x1F40  }
0x19d: {  	[sflag:s5] =	ssyncset.done $0x0  }
0x19e: {  	s28 =	rddreg [dreg:$0xb];
	[sflag:s5] =	ssyncadd.s32 $0xFFFFE0C0  }
0x19f: {  	[hbm4b:s28+s6] =	stream.strided.scatter [tilespmem:s7], [sflag:$0x8], $0x1F40, s11, s6, $0x38;
	[tilespmem:$0x1FDB0] =	vst v63  }
0x1a0: {  	_ =	swait.ge [sflag:s5], $0x1F40  }
0x1a1: {  	[sflag:s5] =	ssyncset.done $0x0  }
0x1a2: {  	s25 =	rddreg [dreg:$0x19];
	[sflag:s5] =	ssyncadd.s32 $0xFFFFE0C0  }
0x1a3: {  	[tilespmem:s8], [sflag:$0x8] =	stream.linear.gather [spmem:s25], $0x7D0, $0x38;
	[tilespmem:$0x1FDB0] =	vst v63  }
0x1a4: {  	_ =	swait.ge [sflag:s5], $0x7D0  }
0x1a5: {  	[sflag:s5] =	ssyncset.done $0x0  }
0x1a6: {  	s28 =	rddreg [dreg:$0x6];
	[sflag:s5] =	ssyncadd.s32 $0xFFFFF830  }
0x1a7: {  	[hbm4b:s28+s0] =	stream.linear.scatter [tilespmem:s8], [sflag:$0x8], $0x7D0, $0x38;
	[tilespmem:$0x1FDB0] =	vst v63  }
0x1a8: {  	_ =	swait.ge [sflag:s5], $0x7D0  }
0x1a9: {  	[sflag:s5] =	ssyncset.done $0x0  }
0x1aa: {  	s25 =	rddreg [dreg:$0x1a];
	[sflag:s5] =	ssyncadd.s32 $0xFFFFF830  }
0x1ab: {  	[tilespmem:s7], [sflag:$0x8] =	stream.linear.gather [spmem:s25], $0x1F40, $0x38;
	[tilespmem:$0x1FDB0] =	vst v63  }
0x1ac: {  	_ =	swait.ge [sflag:s5], $0x1F40  }
0x1ad: {  	[sflag:s5] =	ssyncset.done $0x0  }
0x1ae: {  	s28 =	rddreg [dreg:$0xc];
	[sflag:s5] =	ssyncadd.s32 $0xFFFFE0C0  }
0x1af: {  	[hbm4b:s28+s6] =	stream.strided.scatter [tilespmem:s7], [sflag:$0x8], $0x1F40, s11, s6, $0x38;
	[tilespmem:$0x1FDB0] =	vst v63  }
0x1b0: {  	_ =	swait.ge [sflag:s5], $0x1F40  }
0x1b1: {  	[sflag:s5] =	ssyncset.done $0x0  }
0x1b2: {  	s25 =	rddreg [dreg:$0x1b];
	[sflag:s5] =	ssyncadd.s32 $0xFFFFE0C0  }
0x1b3: {  	[tilespmem:s8], [sflag:$0x8] =	stream.linear.gather [spmem:s25], $0x7D0, $0x38;
	[tilespmem:$0x1FDB0] =	vst v63  }
0x1b4: {  	_ =	swait.ge [sflag:s5], $0x7D0  }
0x1b5: {  	[sflag:s5] =	ssyncset.done $0x0  }
0x1b6: {  	s28 =	rddreg [dreg:$0x7];
	[sflag:s5] =	ssyncadd.s32 $0xFFFFF830  }
0x1b7: {  	[hbm4b:s28+s0] =	stream.linear.scatter [tilespmem:s8], [sflag:$0x8], $0x7D0, $0x38;
	[tilespmem:$0x1FDB0] =	vst v63  }
0x1b8: {  	_ =	swait.ge [sflag:s5], $0x7D0  }
0x1b9: {  	[sflag:s5] =	ssyncset.done $0x0  }
0x1ba: {  	[sflag:s5] =	ssyncadd.s32 $0xFFFFF830  }
0x1bb: {  	[tilespmem:s7], [sflag:$0x8] =	stream.linear.gather [spmem:s30], $0x1F40, $0x38;
	[tilespmem:$0x1FDB0] =	vst v63  }
0x1bc: {  	_ =	swait.ge [sflag:s5], $0x1F40  }
0x1bd: {  	[sflag:s5] =	ssyncset.done $0x0  }
0x1be: {  	s25 =	rddreg [dreg:$0xd];
	[sflag:s5] =	ssyncadd.s32 $0xFFFFE0C0  }
0x1bf: {  	[hbm4b:s25+s6] =	stream.strided.scatter [tilespmem:s7], [sflag:$0x8], $0x1F40, s11, s6, $0x38;
	[tilespmem:$0x1FDB0] =	vst v63  }
0x1c0: {  	_ =	swait.ge [sflag:s5], $0x1F40  }
0x1c1: {  	[sflag:s5] =	ssyncset.done $0x0  }
0x1c2: {  	s28 =	rddreg [dreg:$0x1c];
	[sflag:s5] =	ssyncadd.s32 $0xFFFFE0C0  }
0x1c3: {  	[tilespmem:s8], [sflag:$0x8] =	stream.linear.gather [spmem:s28], $0x7D0, $0x38;
	[tilespmem:$0x1FDB0] =	vst v63  }
0x1c4: {  	_ =	swait.ge [sflag:s5], $0x7D0  }
0x1c5: {  	[sflag:s5] =	ssyncset.done $0x0  }
0x1c6: {  	s25 =	rddreg [dreg:$0x8];
	[sflag:s5] =	ssyncadd.s32 $0xFFFFF830  }
0x1c7: {  	[hbm4b:s25+s0] =	stream.linear.scatter [tilespmem:s8], [sflag:$0x8], $0x7D0, $0x38;
	[tilespmem:$0x1FDB0] =	vst v63  }
0x1c8: {  	_ =	swait.ge [sflag:s5], $0x7D0  }
0x1c9: {  	[sflag:s5] =	ssyncset.done $0x0  }
0x1ca: {  	[sflag:s5] =	ssyncadd.s32 $0xFFFFF830  }
0x1cb: {  	[tilespmem:s7], [sflag:$0x8] =	stream.linear.gather [spmem:s14], $0x1F40, $0x38;
	[tilespmem:$0x1FDB0] =	vst v63  }
0x1cc: {  	_ =	swait.ge [sflag:s5], $0x1F40  }
0x1cd: {  	[sflag:s5] =	ssyncset.done $0x0  }
0x1ce: {  	s28 =	rddreg [dreg:$0xe];
	[sflag:s5] =	ssyncadd.s32 $0xFFFFE0C0  }
0x1cf: {  	[hbm4b:s28+s6] =	stream.strided.scatter [tilespmem:s7], [sflag:$0x8], $0x1F40, s11, s6, $0x38;
	[tilespmem:$0x1FDB0] =	vst v63  }
0x1d0: {  	_ =	swait.ge [sflag:s5], $0x1F40  }
0x1d1: {  	[sflag:s5] =	ssyncset.done $0x0  }
0x1d2: {  	s25 =	rddreg [dreg:$0x1d];
	[sflag:s5] =	ssyncadd.s32 $0xFFFFE0C0  }
0x1d3: {  	[tilespmem:s8], [sflag:$0x8] =	stream.linear.gather [spmem:s25], $0x7D0, $0x38;
	[tilespmem:$0x1FDB0] =	vst v63  }
0x1d4: {  	_ =	swait.ge [sflag:s5], $0x7D0  }
0x1d5: {  	[sflag:s5] =	ssyncset.done $0x0  }
0x1d6: {  	s28 =	rddreg [dreg:$0x9];
	[sflag:s5] =	ssyncadd.s32 $0xFFFFF830  }
0x1d7: {  	[hbm4b:s28+s0] =	stream.linear.scatter [tilespmem:s8], [sflag:$0x8], $0x7D0, $0x38;
	[tilespmem:$0x1FDB0] =	vst v63  }
0x1d8: {  	_ =	swait.ge [sflag:s5], $0x7D0  }
0x1d9: {  	[sflag:s5] =	ssyncset.done $0x0  }
0x1da: {  	[sflag:s5] =	ssyncadd.s32 $0xFFFFF830  }
0x1db: {  	s23 =	simm.s32 $0x100;
	s0 =	simm.s32 $0x0;
	[bflag:$0x0] =	sbarrier.arrive $0xFFFF  }
.LBB2_13:
0x1dc: {  	p0 =	sne.s32 s23, $0x7C00;
	[tilespmem:s0+$0x11380] =	vst v0;
	s25 =	smov.u32 s23;
	s23 =	sadd.s32 $0x100, s23  }
.Ltmp8:
0x1dd: {  	[tilespmem:s0+$0x11370] =	vst v0;
	(pc) =	sbr.rel @p0 .LBB2_13-.Ltmp8, $3  }
0x1de: {  	[tilespmem:s0+$0x11350] =	vst v0  }
0x1df: {  	[tilespmem:s0+$0x11360] =	vst v0;
	_ =	sdelay $0x1  }
0x1e0: {  	s0 =	sshra.s32 s25, $0x2  }
0x1e1: {  	[tilespmem:s0+$0x11380] =	vst v0  }
0x1e2: {  	[tilespmem:s0+$0x11370] =	vst v0  }
0x1e3: {  	[tilespmem:s0+$0x11350] =	vst v0  }
0x1e4: {  	[tilespmem:s0+$0x11360] =	vst v0;
	s28 =	rddreg [dreg:$0x16]  }
0x1e5: {  	[spmem:s28] =	stream.linear.scatter [tilespmem:s7], [sflag:$0x8], $0x1F40, $0x38;
	[tilespmem:$0x1FDB0] =	vst v63  }
0x1e6: {  	_ =	swait.ge [sflag:s5], $0x1F40  }
0x1e7: {  	[sflag:s5] =	ssyncset.done $0x0  }
0x1e8: {  	s23 =	rddreg [dreg:$0x18];
	[sflag:s5] =	ssyncadd.s32 $0xFFFFE0C0  }
0x1e9: {  	[spmem:s23] =	stream.linear.scatter [tilespmem:s7], [sflag:$0x8], $0x1F40, $0x38;
	[tilespmem:$0x1FDB0] =	vst v63  }
0x1ea: {  	_ =	swait.ge [sflag:s5], $0x1F40  }
0x1eb: {  	[sflag:s5] =	ssyncset.done $0x0  }
0x1ec: {  	s25 =	rddreg [dreg:$0x1a];
	[sflag:s5] =	ssyncadd.s32 $0xFFFFE0C0  }
0x1ed: {  	[spmem:s25] =	stream.linear.scatter [tilespmem:s7], [sflag:$0x8], $0x1F40, $0x38;
	[tilespmem:$0x1FDB0] =	vst v63  }
0x1ee: {  	_ =	swait.ge [sflag:s5], $0x1F40  }
0x1ef: {  	[sflag:s5] =	ssyncset.done $0x0  }
0x1f0: {  	[sflag:s5] =	ssyncadd.s32 $0xFFFFE0C0  }
0x1f1: {  	[spmem:s30] =	stream.linear.scatter [tilespmem:s7], [sflag:$0x8], $0x1F40, $0x38;
	[tilespmem:$0x1FDB0] =	vst v63  }
0x1f2: {  	_ =	swait.ge [sflag:s5], $0x1F40  }
0x1f3: {  	[sflag:s5] =	ssyncset.done $0x0  }
0x1f4: {  	[sflag:s5] =	ssyncadd.s32 $0xFFFFE0C0  }
0x1f5: {  	[spmem:s14] =	stream.linear.scatter [tilespmem:s7], [sflag:$0x8], $0x1F40, $0x38;
	[tilespmem:$0x1FDB0] =	vst v63  }
0x1f6: {  	_ =	swait.ge [sflag:s5], $0x1F40  }
0x1f7: {  	[sflag:s5] =	ssyncset.done $0x0  }
0x1f8: {  	[sflag:s5] =	ssyncadd.s32 $0xFFFFE0C0  }
0x1f9: {  	s0 =	simm.s32 $0x0;
	[bflag:$0x0] =	sbarrier.arrive $0xFFFF  }
0x1fa: {  	[tilespmem:s10], [sflag:$0x1] =	stream.indirect.gather [hbm4b:s4+s9], $0x40, s0, s9, $0xb8;
	[tilespmem:$0x1FDB0] =	vst v63  }
0x1fb: {  	_ = 	snop  }
0x1fc: {  	[tilespmem:s12], [sflag:$0x2] =	stream.indirect.gather [hbm4b:s4+s9], $0x40, s11, s9, $0xb8;
	[tilespmem:$0x1FDB0] =	vst v63  }
0x1fd: {  	s23 =	simm.s32 $0x100  }
0x1fe: {  	[tilespmem:s16], [sflag:$0x3] =	stream.indirect.gather [hbm4b:s4+s9], $0x40, s23, s9, $0xb8;
	[tilespmem:$0x1FDB0] =	vst v63  }
0x1ff: {  	s28 =	simm.s32 $0x180  }
0x200: {  	[tilespmem:s19], [sflag:$0x4] =	stream.indirect.gather [hbm4b:s4+s9], $0x40, s28, s9, $0xb8;
	[tilespmem:$0x1FDB0] =	vst v63  }
0x201: {  	_ =	swait.ge [sflag:s20], $0x1F40  }
0x202: {  	[sflag:s20] =	ssyncset.done $0x0  }
0x203: {  	s25 =	simm.s32 $0x2800;
	[sflag:s20] =	ssyncadd.s32 $0xFFFFE0C0  }
0x204: {  	[spmem:s15] =	stream.indirect.scatter.add.f32 [tilespmem:s10], [sflag:$0x1], $0x40, s25, s9, $0xb8;
	[tilespmem:$0x1FDB0] =	vst v63  }
0x205: {  	s28 =	simm.s32 $0x200  }
0x206: {  	[tilespmem:s13], [sflag:$0x5] =	stream.indirect.gather [hbm4b:s4+s9], $0x40, s28, s9, $0xb8;
	[tilespmem:$0x1FDB0] =	vst v63  }
0x207: {  	_ =	swait.ge [sflag:s3], $0x1F40  }
0x208: {  	[sflag:s3] =	ssyncset.done $0x0  }
0x209: {  	s25 =	simm.s32 $0x2880;
	[sflag:s3] =	ssyncadd.s32 $0xFFFFE0C0  }
0x20a: {  	[spmem:s15] =	stream.indirect.scatter.add.f32 [tilespmem:s12], [sflag:$0x2], $0x40, s25, s9, $0xb8;
	[tilespmem:$0x1FDB0] =	vst v63  }
0x20b: {  	s28 =	simm.s32 $0x280  }
0x20c: {  	[tilespmem:s22], [sflag:$0x6] =	stream.indirect.gather [hbm4b:s4+s9], $0x40, s28, s9, $0xb8;
	[tilespmem:$0x1FDB0] =	vst v63  }
0x20d: {  	_ =	swait.ge [sflag:s18], $0x1F40  }
0x20e: {  	[sflag:s18] =	ssyncset.done $0x0  }
0x20f: {  	s25 =	simm.s32 $0x2900;
	[sflag:s18] =	ssyncadd.s32 $0xFFFFE0C0  }
0x210: {  	[spmem:s15] =	stream.indirect.scatter.add.f32 [tilespmem:s16], [sflag:$0x3], $0x40, s25, s9, $0xb8;
	[tilespmem:$0x1FDB0] =	vst v63  }
0x211: {  	_ =	swait.ge [sflag:s20], $0x1F40  }
0x212: {  	[sflag:s20] =	ssyncset.done $0x0  }
0x213: {  	s28 =	simm.s32 $0x300;
	[sflag:s20] =	ssyncadd.s32 $0xFFFFE0C0  }
0x214: {  	[tilespmem:s10], [sflag:$0x1] =	stream.indirect.gather [hbm4b:s4+s9], $0x40, s28, s9, $0xb8;
	[tilespmem:$0x1FDB0] =	vst v63  }
0x215: {  	_ =	swait.ge [sflag:s24], $0x1F40  }
0x216: {  	[sflag:s24] =	ssyncset.done $0x0  }
0x217: {  	s25 =	simm.s32 $0x2980;
	[sflag:s24] =	ssyncadd.s32 $0xFFFFE0C0  }
0x218: {  	[spmem:s15] =	stream.indirect.scatter.add.f32 [tilespmem:s19], [sflag:$0x4], $0x40, s25, s9, $0xb8;
	[tilespmem:$0x1FDB0] =	vst v63  }
0x219: {  	_ =	swait.ge [sflag:s3], $0x1F40  }
0x21a: {  	[sflag:s3] =	ssyncset.done $0x0  }
0x21b: {  	s28 =	simm.s32 $0x380;
	[sflag:s3] =	ssyncadd.s32 $0xFFFFE0C0  }
0x21c: {  	[tilespmem:s12], [sflag:$0x2] =	stream.indirect.gather [hbm4b:s4+s9], $0x40, s28, s9, $0xb8;
	[tilespmem:$0x1FDB0] =	vst v63  }
0x21d: {  	_ =	swait.ge [sflag:s26], $0x1F40  }
0x21e: {  	[sflag:s26] =	ssyncset.done $0x0  }
0x21f: {  	s25 =	simm.s32 $0x2A00;
	[sflag:s26] =	ssyncadd.s32 $0xFFFFE0C0  }
0x220: {  	[spmem:s15] =	stream.indirect.scatter.add.f32 [tilespmem:s13], [sflag:$0x5], $0x40, s25, s9, $0xb8;
	[tilespmem:$0x1FDB0] =	vst v63  }
0x221: {  	_ =	swait.ge [sflag:s18], $0x1F40  }
0x222: {  	[sflag:s18] =	ssyncset.done $0x0  }
0x223: {  	s28 =	simm.s32 $0x400;
	[sflag:s18] =	ssyncadd.s32 $0xFFFFE0C0  }
0x224: {  	[tilespmem:s16], [sflag:$0x3] =	stream.indirect.gather [hbm4b:s4+s9], $0x40, s28, s9, $0xb8;
	[tilespmem:$0x1FDB0] =	vst v63  }
0x225: {  	_ =	swait.ge [sflag:s29], $0x1F40  }
0x226: {  	[sflag:s29] =	ssyncset.done $0x0  }
0x227: {  	s25 =	simm.s32 $0x2A80;
	[sflag:s29] =	ssyncadd.s32 $0xFFFFE0C0  }
0x228: {  	[spmem:s15] =	stream.indirect.scatter.add.f32 [tilespmem:s22], [sflag:$0x6], $0x40, s25, s9, $0xb8;
	[tilespmem:$0x1FDB0] =	vst v63  }
0x229: {  	_ =	swait.ge [sflag:s24], $0x1F40  }
0x22a: {  	[sflag:s24] =	ssyncset.done $0x0  }
0x22b: {  	s28 =	simm.s32 $0x480;
	[sflag:s24] =	ssyncadd.s32 $0xFFFFE0C0  }
0x22c: {  	[tilespmem:s19], [sflag:$0x4] =	stream.indirect.gather [hbm4b:s4+s9], $0x40, s28, s9, $0xb8;
	[tilespmem:$0x1FDB0] =	vst v63  }
.LBB2_15:
0x22d: {  	_ =	swait.ge [sflag:s20], $0x1F40  }
0x22e: {  	s23 =	sshra.s32 s0, $0x2;
	[sflag:s20] =	ssyncset.done $0x0  }
0x22f: {  	s25 =	sadd.s32 $0x2B00, s23;
	[sflag:s20] =	ssyncadd.s32 $0xFFFFE0C0  }
0x230: {  	[spmem:s15] =	stream.indirect.scatter.add.f32 [tilespmem:s10], [sflag:$0x1], $0x40, s25, s9, $0xb8;
	[tilespmem:$0x1FDB0] =	vst v63  }
0x231: {  	_ =	swait.ge [sflag:s26], $0x1F40  }
0x232: {  	[sflag:s26] =	ssyncset.done $0x0  }
0x233: {  	s28 =	sadd.s32 $0x500, s23;
	[sflag:s26] =	ssyncadd.s32 $0xFFFFE0C0  }
0x234: {  	[tilespmem:s13], [sflag:$0x5] =	stream.indirect.gather [hbm4b:s4+s9], $0x40, s28, s9, $0xb8;
	[tilespmem:$0x1FDB0] =	vst v63  }
0x235: {  	_ =	swait.ge [sflag:s3], $0x1F40  }
0x236: {  	[sflag:s3] =	ssyncset.done $0x0  }
0x237: {  	s28 =	sadd.s32 $0x2B80, s23;
	[sflag:s3] =	ssyncadd.s32 $0xFFFFE0C0  }
0x238: {  	[spmem:s15] =	stream.indirect.scatter.add.f32 [tilespmem:s12], [sflag:$0x2], $0x40, s28, s9, $0xb8;
	[tilespmem:$0x1FDB0] =	vst v63  }
0x239: {  	_ =	swait.ge [sflag:s29], $0x1F40  }
0x23a: {  	[sflag:s29] =	ssyncset.done $0x0  }
0x23b: {  	s28 =	sadd.s32 $0x580, s23;
	[sflag:s29] =	ssyncadd.s32 $0xFFFFE0C0  }
0x23c: {  	[tilespmem:s22], [sflag:$0x6] =	stream.indirect.gather [hbm4b:s4+s9], $0x40, s28, s9, $0xb8;
	[tilespmem:$0x1FDB0] =	vst v63  }
0x23d: {  	_ =	swait.ge [sflag:s18], $0x1F40  }
0x23e: {  	[sflag:s18] =	ssyncset.done $0x0  }
0x23f: {  	s28 =	sadd.s32 $0x2C00, s23;
	[sflag:s18] =	ssyncadd.s32 $0xFFFFE0C0  }
0x240: {  	[spmem:s15] =	stream.indirect.scatter.add.f32 [tilespmem:s16], [sflag:$0x3], $0x40, s28, s9, $0xb8;
	[tilespmem:$0x1FDB0] =	vst v63  }
0x241: {  	_ =	swait.ge [sflag:s20], $0x1F40  }
0x242: {  	[sflag:s20] =	ssyncset.done $0x0  }
0x243: {  	s28 =	sadd.s32 $0x600, s23;
	[sflag:s20] =	ssyncadd.s32 $0xFFFFE0C0  }
0x244: {  	[tilespmem:s10], [sflag:$0x1] =	stream.indirect.gather [hbm4b:s4+s9], $0x40, s28, s9, $0xb8;
	[tilespmem:$0x1FDB0] =	vst v63  }
0x245: {  	_ =	swait.ge [sflag:s24], $0x1F40  }
0x246: {  	[sflag:s24] =	ssyncset.done $0x0  }
0x247: {  	s28 =	sadd.s32 $0x2C80, s23;
	[sflag:s24] =	ssyncadd.s32 $0xFFFFE0C0  }
0x248: {  	[spmem:s15] =	stream.indirect.scatter.add.f32 [tilespmem:s19], [sflag:$0x4], $0x40, s28, s9, $0xb8;
	[tilespmem:$0x1FDB0] =	vst v63  }
0x249: {  	_ =	swait.ge [sflag:s3], $0x1F40  }
0x24a: {  	[sflag:s3] =	ssyncset.done $0x0  }
0x24b: {  	s28 =	sadd.s32 $0x680, s23;
	[sflag:s3] =	ssyncadd.s32 $0xFFFFE0C0  }
0x24c: {  	[tilespmem:s12], [sflag:$0x2] =	stream.indirect.gather [hbm4b:s4+s9], $0x40, s28, s9, $0xb8;
	[tilespmem:$0x1FDB0] =	vst v63  }
0x24d: {  	_ =	swait.ge [sflag:s26], $0x1F40  }
0x24e: {  	p0 =	seq.s32 s0, $0x8400;
	[sflag:s26] =	ssyncset.done $0x0  }
.Ltmp9:
0x24f: {  	s28 =	sadd.s32 $0x2D00, s23;
	[sflag:s26] =	ssyncadd.s32 $0xFFFFE0C0;
	(pc) =	sbr.rel @p0 .LBB2_17-.Ltmp9, $4  }
0x250: {  	[spmem:s15] =	stream.indirect.scatter.add.f32 [tilespmem:s13], [sflag:$0x5], $0x40, s28, s9, $0xb8;
	[tilespmem:$0x1FDB0] =	vst v63  }
0x251: {  	_ =	swait.ge [sflag:s18], $0x1F40  }
0x252: {  	[sflag:s18] =	ssyncset.done $0x0  }
0x253: {  	s25 =	sadd.s32 $0x2D80, s23;
	[sflag:s18] =	ssyncadd.s32 $0xFFFFE0C0  }
0x254: {  	s28 =	sadd.s32 $0x700, s23  }
0x255: {  	[tilespmem:s16], [sflag:$0x3] =	stream.indirect.gather [hbm4b:s4+s9], $0x40, s28, s9, $0xb8;
	[tilespmem:$0x1FDB0] =	vst v63  }
0x256: {  	_ =	swait.ge [sflag:s29], $0x1F40  }
0x257: {  	[sflag:s29] =	ssyncset.done $0x0  }
0x258: {  	[sflag:s29] =	ssyncadd.s32 $0xFFFFE0C0  }
0x259: {  	[spmem:s15] =	stream.indirect.scatter.add.f32 [tilespmem:s22], [sflag:$0x6], $0x40, s25, s9, $0xb8;
	[tilespmem:$0x1FDB0] =	vst v63  }
.Ltmp10:
0x25a: {  	_ = 	snop;
	(pc) =	sbr.rel .LBB2_15-.Ltmp10, $4  }
0x25b: {  	_ =	swait.ge [sflag:s24], $0x1F40  }
0x25c: {  	[sflag:s24] =	ssyncset.done $0x0  }
0x25d: {  	s0 =	sadd.s32 $0xC00, s0;
	s28 =	sadd.s32 $0x780, s23;
	[sflag:s24] =	ssyncadd.s32 $0xFFFFE0C0  }
0x25e: {  	[tilespmem:s19], [sflag:$0x4] =	stream.indirect.gather [hbm4b:s4+s9], $0x40, s28, s9, $0xb8;
	[tilespmem:$0x1FDB0] =	vst v63  }
.LBB2_18:
0x25f: {  	_ =	sfence.sel $0x180000  }
0x260: {  	[bflag:$0x0] =	sbarrier.arrive $0xFFFF  }
0x261: {  	_ =	strace $0x90000047  }
0x262: {  	s0 =	stileid.u32;
	[bflag:$0x2] =	sbarrier.arrive $0xFFFF  }
0x263: {  	p0 =	sne.s32 s0, $0x0;
	s0 =	rddreg [dreg:$0x4]  }
0x264: {  	s0 =	sadd.s32 @!p0 $0x100000, s0  }
0x265: {  	[sflag:s0] =	ssyncadd.tile.s32 @!p0 $0x1;
	_ =	shalt  }
.Lfunc_end2:
_tile_overlayer_lowered:
.L_overlay_start_2:
0x266: {  	(tag) =	ssettag $0x2  }
0x267: {  	s0 =	rddreg [dreg:$0x0];
	s2 =	stileid.u32  }
0x268: {  	s1 =	rddreg [dreg:$0x1];
	p0 =	sne.s32 s2, $0x0  }
0x269: {  	s3 =	rddreg [dreg:$0x2];
	[bflag:$0x3] =	sbarrier.arrive $0xFFFF;
	s2 =	simm.s32 @!p0 $0x1C08  }
0x26a: {  	[timem:s3], [sflag:s2] =	dma.local @!p0 [hbm:s0], s1  }
0x26b: {  	s0 =	simm.s32 @!p0 $0x8  }
0x26c: {  	_ =	swait.ge @!p0 [sflag:s0], s1  }
0x26d: {  	s1 =	ssub.s32 @!p0 $0x0, s1;
	[sflag:s0] =	ssyncset.done @!p0 $0x0  }
0x26e: {  	[sflag:s0] =	ssyncadd.s32 @!p0 s1  }
0x26f: {  	[bflag:$0x3] =	sbarrier.arrive $0xFFFF  }
0x270: {  	_ =	shalt  }

</sc_bundles>
